<compile_context>
chip_gen: v7x
topology: tpu7x:2x2x1
jax: 0.10.2.dev20260603
libtpu: 0.0.44.dev20260713+nightly
codegen_flags: <defaults>
</compile_context>

<pallas_src>
import functools

import jax
import jax.numpy as jnp
from jax import lax
from jax.experimental import pallas as pl
from jax.experimental.pallas import tpu as pltpu
from jax.experimental.pallas import tpu_sc as plsc

_B = 4096
_S = 256
_V = 1000
_VP = 1024
_E = 128

_NW = 32
_ROWS_PER_W = _B // _NW
_CHUNK = 32
_NCHUNK = _ROWS_PER_W // _CHUNK


def _matmul_body(x_ref, w_ref, b_ref, o_ref):
    o_ref[...] = lax.dot_general(
        x_ref[...], w_ref[...], (((1,), (1,)), ((), ())),
        preferred_element_type=jnp.float32) + b_ref[...]


def _full_logits(x, w, b):
    bt = 2048
    return pl.pallas_call(
        _matmul_body,
        grid=(_B // bt,),
        in_specs=[
            pl.BlockSpec((bt, _E), lambda i: (i, 0)),
            pl.BlockSpec((_VP, _E), lambda i: (0, 0)),
            pl.BlockSpec((1, _VP), lambda i: (0, 0)),
        ],
        out_specs=pl.BlockSpec((bt, _VP), lambda i: (i, 0)),
        out_shape=jax.ShapeDtypeStruct((_B, _VP), jnp.float32),
    )(x, w, b)


def _sc_gather_body(logits_hbm, ids_hbm, out_hbm,
                    lv0, lv1, iv0, iv1, ov, sl0, sl1, si0, si1):
    lvs, ivs, sls, sis = (lv0, lv1), (iv0, iv1), (sl0, sl1), (si0, si1)
    wid = lax.axis_index("s") * 2 + lax.axis_index("c")
    base = wid * _ROWS_PER_W

    def start(c):
        r0 = base + c * _CHUNK
        return (
            pltpu.async_copy(logits_hbm.at[pl.ds(r0, _CHUNK), :],
                             lvs[c % 2], sls[c % 2]),
            pltpu.async_copy(ids_hbm.at[pl.ds(r0, _CHUNK), :],
                             ivs[c % 2], sis[c % 2]),
        )

    pending = start(0)
    for c in range(_NCHUNK):
        for cp in pending:
            cp.wait()
        if c + 1 < _NCHUNK:
            pending = start(c + 1)
        lv, iv = lvs[c % 2], ivs[c % 2]

        @plsc.parallel_loop(0, _CHUNK)
        def row_body(r):
            rvec = jnp.broadcast_to(r, (16,)).astype(jnp.int32)
            for j in range(_S // 16):
                col = iv[r, pl.ds(j * 16, 16)]
                ov[r, pl.ds(j * 16, 16)] = plsc.load_gather(lv, [rvec, col])

        pltpu.sync_copy(ov, out_hbm.at[pl.ds(base + c * _CHUNK, _CHUNK), :])


_sc_gather = functools.partial(
    pl.kernel,
    mesh=plsc.VectorSubcoreMesh(core_axis_name="c", subcore_axis_name="s"),
    out_type=jax.ShapeDtypeStruct((_B, _S), jnp.float32),
    scratch_types=[
        pltpu.VMEM((_CHUNK, _VP), jnp.float32),
        pltpu.VMEM((_CHUNK, _VP), jnp.float32),
        pltpu.VMEM((_CHUNK, _S), jnp.int32),
        pltpu.VMEM((_CHUNK, _S), jnp.int32),
        pltpu.VMEM((_CHUNK, _S), jnp.float32),
        pltpu.SemaphoreType.DMA,
        pltpu.SemaphoreType.DMA,
        pltpu.SemaphoreType.DMA,
        pltpu.SemaphoreType.DMA,
    ],
    compiler_params=pltpu.CompilerParams(needs_layout_passes=False),
)(_sc_gather_body)


def _loss_body(g_ref, o_ref):
    x = g_ref[...]
    m = jnp.max(x, axis=1, keepdims=True)
    lse = jnp.log(jnp.sum(jnp.exp(x - m), axis=1, keepdims=True)) + m
    loss = jnp.sum(lse - x[:, 0:1]) * (1.0 / _B)
    o_ref[...] = jnp.full((1, 1), loss, jnp.float32)


def _loss(g):
    return pl.pallas_call(
        _loss_body,
        out_shape=jax.ShapeDtypeStruct((1, 1), jnp.float32),
    )(g)


def kernel(inputs, labels, weight, bias, sample_ids):
    full = _full_logits(inputs, weight, bias.reshape(1, _V))
    gathered = _sc_gather(full, sample_ids)
    return _loss(gathered)[0, 0]

# --- scband reference (transcript-rebuilt; emitter-appended) ---
"""Pipeline reference for scband-sampled-soft-max-cross-entropy-23098334117905 (READ-ONLY COPY).

The authoritative reference and input builder live on the scoring server;
editing this copy changes nothing except your own understanding.
"""

import jax, jax.numpy as jnp
import numpy as np

B = 4096
NSAMPLED = 255
VOCAB = 1000
EMB = 128

def setup_inputs(seed: int = 0):
    key = jax.random.key(seed)
    k1, k2, k3, k4, k5 = jax.random.split(key, 5)
    inputs = jax.random.normal(k1, (B, EMB), dtype=jnp.float32)
    labels = jax.random.randint(k2, (B,), 0, VOCAB, dtype=jnp.int32)
    weight = jax.random.normal(k3, (VOCAB, EMB), dtype=jnp.float32) * 0.02
    bias = jax.random.normal(k4, (VOCAB,), dtype=jnp.float32) * 0.02
    # The torch module draws nsampled negative ids per row on CPU via rejection
    # sampling over sample_map (uniform here since tags_weight is all-ones), with
    # the true label placed in slot 0. We precompute the sampled id matrix.
    negs = jax.random.randint(k5, (B, NSAMPLED), 0, VOCAB, dtype=jnp.int32)
    sample_ids = jnp.concatenate([labels[:, None], negs], axis=1)
    return {"inputs": inputs, "labels": labels, "weight": weight, "bias": bias, "sample_ids": sample_ids}

def reference(inputs, labels, weight, bias, sample_ids):
    batchs = labels.shape[0]
    flat_ids = sample_ids.reshape(-1)
    sample_weights = jnp.take(weight, flat_ids, axis=0).reshape(batchs, NSAMPLED + 1, EMB)
    sample_bias = jnp.take(bias, flat_ids, axis=0).reshape(batchs, NSAMPLED + 1)
    logits = jnp.einsum('ik,ijk->ij', inputs, sample_weights) + sample_bias
    # nn.CrossEntropyLoss with new_targets = zeros (mean reduction):
    # mean over batch of (logsumexp(logits) - logits[:, 0])
    lse = jax.nn.logsumexp(logits, axis=1)
    loss = jnp.mean(lse - logits[:, 0])
    return loss

if __name__ == "__main__":
    import jax
    _d = setup_inputs()
    print(jax.jit(kernel)(*tuple(_d.values())))

</pallas_src>

<mosaic_0001>
#map = affine_map<(d0, d1) -> (0, 0)>
module attributes {stable_mosaic.version = 14 : i64} {
  func.func @_sc_gather_body(%arg0: i32, %arg1: i32, %arg2: memref<4096x1024xf32, #tpu.memory_space<hbm>>, %arg3: memref<4096x256xi32, #tpu.memory_space<hbm>>, %arg4: memref<4096x256xf32, #tpu.memory_space<hbm>>, %arg5: memref<32x1024xf32, #tpu.memory_space<vmem>>, %arg6: memref<32x1024xf32, #tpu.memory_space<vmem>>, %arg7: memref<32x256xi32, #tpu.memory_space<vmem>>, %arg8: memref<32x256xi32, #tpu.memory_space<vmem>>, %arg9: memref<32x256xf32, #tpu.memory_space<vmem>>, %arg10: memref<!tpu.dma_semaphore, #tpu.memory_space<semaphore_mem>>, %arg11: memref<!tpu.dma_semaphore, #tpu.memory_space<semaphore_mem>>, %arg12: memref<!tpu.dma_semaphore, #tpu.memory_space<semaphore_mem>>, %arg13: memref<!tpu.dma_semaphore, #tpu.memory_space<semaphore_mem>>) attributes {dimension_semantics = [#tpu.dimension_semantics<core_parallel>, #tpu.dimension_semantics<subcore_parallel>], iteration_bounds = array<i64: 2, 16>, scalar_prefetch = 0 : i64, scratch_operands = 9 : i64, tpu.core_type = #tpu.core_type<sc_vector_subcore>, window_params = [{transform_indices = #map}, {transform_indices = #map}, {transform_indices = #map}]} {
    %mul3A = arith.constant 2 : i32
    %mul3A_0 = arith.muli %arg1, %mul3A : i32
    %add3A = arith.addi %mul3A_0, %arg0 : i32
    %mul3A_1 = arith.constant 128 : i32
    %mul3A_2 = arith.muli %add3A, %mul3A_1 : i32
    %add3A_3 = arith.constant 0 : i32
    %add3A_4 = arith.addi %mul3A_2, %add3A_3 : i32
    %dma_start3A = arith.constant 0 : i32
    %dma_start3A_5 = tpu.memref_slice %arg2[%add3A_4, %dma_start3A] : memref<4096x1024xf32, #tpu.memory_space<hbm>> -> memref<32x1024xf32, #tpu.memory_space<hbm>>
    %dma_start3A_6 = arith.constant 0 : i32
    %dma_start3A_7 = tpu.memref_slice %arg2[%add3A_4, %dma_start3A_6] : memref<4096x1024xf32, #tpu.memory_space<hbm>> -> memref<32x1024xf32, #tpu.memory_space<hbm>>
    tpu.enqueue_dma source(%dma_start3A_7 : memref<32x1024xf32, #tpu.memory_space<hbm>>) target(%arg5 : memref<32x1024xf32, #tpu.memory_space<vmem>>) target_semaphore(%arg10 : memref<!tpu.dma_semaphore, #tpu.memory_space<semaphore_mem>>)
    %dma_start3A_8 = arith.constant 0 : i32
    %dma_start3A_9 = tpu.memref_slice %arg3[%add3A_4, %dma_start3A_8] : memref<4096x256xi32, #tpu.memory_space<hbm>> -> memref<32x256xi32, #tpu.memory_space<hbm>>
    %dma_start3A_10 = arith.constant 0 : i32
    %dma_start3A_11 = tpu.memref_slice %arg3[%add3A_4, %dma_start3A_10] : memref<4096x256xi32, #tpu.memory_space<hbm>> -> memref<32x256xi32, #tpu.memory_space<hbm>>
    tpu.enqueue_dma source(%dma_start3A_11 : memref<32x256xi32, #tpu.memory_space<hbm>>) target(%arg7 : memref<32x256xi32, #tpu.memory_space<vmem>>) target_semaphore(%arg12 : memref<!tpu.dma_semaphore, #tpu.memory_space<semaphore_mem>>)
    %dma_wait3A = arith.constant 0 : i32
    %dma_wait3A_12 = tpu.memref_slice %arg2[%add3A_4, %dma_wait3A] : memref<4096x1024xf32, #tpu.memory_space<hbm>> -> memref<32x1024xf32, #tpu.memory_space<hbm>>
    %dma_wait3A_13 = arith.constant 0 : i32
    %dma_wait3A_14 = tpu.memref_slice %arg2[%add3A_4, %dma_wait3A_13] : memref<4096x1024xf32, #tpu.memory_space<hbm>> -> memref<32x1024xf32, #tpu.memory_space<hbm>>
    tpu.wait_dma2 semaphore(%arg10 : memref<!tpu.dma_semaphore, #tpu.memory_space<semaphore_mem>>) src(%dma_wait3A_14 : memref<32x1024xf32, #tpu.memory_space<hbm>>) dst(%arg5 : memref<32x1024xf32, #tpu.memory_space<vmem>>)
    %dma_wait3A_15 = arith.constant 0 : i32
    %dma_wait3A_16 = tpu.memref_slice %arg3[%add3A_4, %dma_wait3A_15] : memref<4096x256xi32, #tpu.memory_space<hbm>> -> memref<32x256xi32, #tpu.memory_space<hbm>>
    %dma_wait3A_17 = arith.constant 0 : i32
    %dma_wait3A_18 = tpu.memref_slice %arg3[%add3A_4, %dma_wait3A_17] : memref<4096x256xi32, #tpu.memory_space<hbm>> -> memref<32x256xi32, #tpu.memory_space<hbm>>
    tpu.wait_dma2 semaphore(%arg12 : memref<!tpu.dma_semaphore, #tpu.memory_space<semaphore_mem>>) src(%dma_wait3A_18 : memref<32x256xi32, #tpu.memory_space<hbm>>) dst(%arg7 : memref<32x256xi32, #tpu.memory_space<vmem>>)
    %add3A_19 = arith.constant 32 : i32
    %add3A_20 = arith.addi %mul3A_2, %add3A_19 : i32
    %dma_start3A_21 = arith.constant 0 : i32
    %dma_start3A_22 = tpu.memref_slice %arg2[%add3A_20, %dma_start3A_21] : memref<4096x1024xf32, #tpu.memory_space<hbm>> -> memref<32x1024xf32, #tpu.memory_space<hbm>>
    %dma_start3A_23 = arith.constant 0 : i32
    %dma_start3A_24 = tpu.memref_slice %arg2[%add3A_20, %dma_start3A_23] : memref<4096x1024xf32, #tpu.memory_space<hbm>> -> memref<32x1024xf32, #tpu.memory_space<hbm>>
    tpu.enqueue_dma source(%dma_start3A_24 : memref<32x1024xf32, #tpu.memory_space<hbm>>) target(%arg6 : memref<32x1024xf32, #tpu.memory_space<vmem>>) target_semaphore(%arg11 : memref<!tpu.dma_semaphore, #tpu.memory_space<semaphore_mem>>)
    %dma_start3A_25 = arith.constant 0 : i32
    %dma_start3A_26 = tpu.memref_slice %arg3[%add3A_20, %dma_start3A_25] : memref<4096x256xi32, #tpu.memory_space<hbm>> -> memref<32x256xi32, #tpu.memory_space<hbm>>
    %dma_start3A_27 = arith.constant 0 : i32
    %dma_start3A_28 = tpu.memref_slice %arg3[%add3A_20, %dma_start3A_27] : memref<4096x256xi32, #tpu.memory_space<hbm>> -> memref<32x256xi32, #tpu.memory_space<hbm>>
    tpu.enqueue_dma source(%dma_start3A_28 : memref<32x256xi32, #tpu.memory_space<hbm>>) target(%arg8 : memref<32x256xi32, #tpu.memory_space<vmem>>) target_semaphore(%arg13 : memref<!tpu.dma_semaphore, #tpu.memory_space<semaphore_mem>>)
    %parallel_loop3A = arith.constant 0 : i32
    %parallel_loop3A_29 = arith.constant 32 : i32
    %parallel_loop3A_30 = arith.constant 1 : i32
    scf.for %parallel_loop3A_92 = %parallel_loop3A to %parallel_loop3A_29 step %parallel_loop3A_30  : i32 {
      %parallel_loop3A_93 = vector.broadcast %parallel_loop3A_92 : i32 to vector<16xi32>
      %parallel_loop3A_94 = arith.index_cast %parallel_loop3A_92 : i32 to index
      %parallel_loop3A_95 = arith.constant 0 : index
      %parallel_loop3A_96 = tpu.vector_load %arg7[%parallel_loop3A_94, %parallel_loop3A_95] {strides = array<i32>} : memref<32x256xi32, #tpu.memory_space<vmem>>, vector<16xi32>,
      %parallel_loop3A_97 = tpu.vector_load_idx %arg5[%parallel_loop3A_93, %parallel_loop3A_96] : memref<32x1024xf32, #tpu.memory_space<vmem>>[vector<16xi32>, vector<16xi32>], vector<16xf32>,
      %parallel_loop3A_98 = arith.index_cast %parallel_loop3A_92 : i32 to index
      %parallel_loop3A_99 = arith.constant 0 : index
      %parallel_loop3A_100 = tpu.vector_load %arg9[%parallel_loop3A_98, %parallel_loop3A_99] {strides = array<i32>} : memref<32x256xf32, #tpu.memory_space<vmem>>, vector<16xf32>,
      tpu.vector_store %arg9[%parallel_loop3A_98, %parallel_loop3A_99], %parallel_loop3A_97 {strides = array<i32>} : memref<32x256xf32, #tpu.memory_space<vmem>>, vector<16xf32>,
      %parallel_loop3A_101 = arith.index_cast %parallel_loop3A_92 : i32 to index
      %parallel_loop3A_102 = arith.constant 16 : index
      %parallel_loop3A_103 = tpu.vector_load %arg7[%parallel_loop3A_101, %parallel_loop3A_102] {strides = array<i32>} : memref<32x256xi32, #tpu.memory_space<vmem>>, vector<16xi32>,
      %parallel_loop3A_104 = tpu.vector_load_idx %arg5[%parallel_loop3A_93, %parallel_loop3A_103] : memref<32x1024xf32, #tpu.memory_space<vmem>>[vector<16xi32>, vector<16xi32>], vector<16xf32>,
      %parallel_loop3A_105 = arith.index_cast %parallel_loop3A_92 : i32 to index
      %parallel_loop3A_106 = arith.constant 16 : index
      %parallel_loop3A_107 = tpu.vector_load %arg9[%parallel_loop3A_105, %parallel_loop3A_106] {strides = array<i32>} : memref<32x256xf32, #tpu.memory_space<vmem>>, vector<16xf32>,
      tpu.vector_store %arg9[%parallel_loop3A_105, %parallel_loop3A_106], %parallel_loop3A_104 {strides = array<i32>} : memref<32x256xf32, #tpu.memory_space<vmem>>, vector<16xf32>,
      %parallel_loop3A_108 = arith.index_cast %parallel_loop3A_92 : i32 to index
      %parallel_loop3A_109 = arith.constant 32 : index
      %parallel_loop3A_110 = tpu.vector_load %arg7[%parallel_loop3A_108, %parallel_loop3A_109] {strides = array<i32>} : memref<32x256xi32, #tpu.memory_space<vmem>>, vector<16xi32>,
      %parallel_loop3A_111 = tpu.vector_load_idx %arg5[%parallel_loop3A_93, %parallel_loop3A_110] : memref<32x1024xf32, #tpu.memory_space<vmem>>[vector<16xi32>, vector<16xi32>], vector<16xf32>,
      %parallel_loop3A_112 = arith.index_cast %parallel_loop3A_92 : i32 to index
      %parallel_loop3A_113 = arith.constant 32 : index
      %parallel_loop3A_114 = tpu.vector_load %arg9[%parallel_loop3A_112, %parallel_loop3A_113] {strides = array<i32>} : memref<32x256xf32, #tpu.memory_space<vmem>>, vector<16xf32>,
      tpu.vector_store %arg9[%parallel_loop3A_112, %parallel_loop3A_113], %parallel_loop3A_111 {strides = array<i32>} : memref<32x256xf32, #tpu.memory_space<vmem>>, vector<16xf32>,
      %parallel_loop3A_115 = arith.index_cast %parallel_loop3A_92 : i32 to index
      %parallel_loop3A_116 = arith.constant 48 : index
      %parallel_loop3A_117 = tpu.vector_load %arg7[%parallel_loop3A_115, %parallel_loop3A_116] {strides = array<i32>} : memref<32x256xi32, #tpu.memory_space<vmem>>, vector<16xi32>,
      %parallel_loop3A_118 = tpu.vector_load_idx %arg5[%parallel_loop3A_93, %parallel_loop3A_117] : memref<32x1024xf32, #tpu.memory_space<vmem>>[vector<16xi32>, vector<16xi32>], vector<16xf32>,
      %parallel_loop3A_119 = arith.index_cast %parallel_loop3A_92 : i32 to index
      %parallel_loop3A_120 = arith.constant 48 : index
      %parallel_loop3A_121 = tpu.vector_load %arg9[%parallel_loop3A_119, %parallel_loop3A_120] {strides = array<i32>} : memref<32x256xf32, #tpu.memory_space<vmem>>, vector<16xf32>,
      tpu.vector_store %arg9[%parallel_loop3A_119, %parallel_loop3A_120], %parallel_loop3A_118 {strides = array<i32>} : memref<32x256xf32, #tpu.memory_space<vmem>>, vector<16xf32>,
      %parallel_loop3A_122 = arith.index_cast %parallel_loop3A_92 : i32 to index
      %parallel_loop3A_123 = arith.constant 64 : index
      %parallel_loop3A_124 = tpu.vector_load %arg7[%parallel_loop3A_122, %parallel_loop3A_123] {strides = array<i32>} : memref<32x256xi32, #tpu.memory_space<vmem>>, vector<16xi32>,
      %parallel_loop3A_125 = tpu.vector_load_idx %arg5[%parallel_loop3A_93, %parallel_loop3A_124] : memref<32x1024xf32, #tpu.memory_space<vmem>>[vector<16xi32>, vector<16xi32>], vector<16xf32>,
      %parallel_loop3A_126 = arith.index_cast %parallel_loop3A_92 : i32 to index
      %parallel_loop3A_127 = arith.constant 64 : index
      %parallel_loop3A_128 = tpu.vector_load %arg9[%parallel_loop3A_126, %parallel_loop3A_127] {strides = array<i32>} : memref<32x256xf32, #tpu.memory_space<vmem>>, vector<16xf32>,
      tpu.vector_store %arg9[%parallel_loop3A_126, %parallel_loop3A_127], %parallel_loop3A_125 {strides = array<i32>} : memref<32x256xf32, #tpu.memory_space<vmem>>, vector<16xf32>,
      %parallel_loop3A_129 = arith.index_cast %parallel_loop3A_92 : i32 to index
      %parallel_loop3A_130 = arith.constant 80 : index
      %parallel_loop3A_131 = tpu.vector_load %arg7[%parallel_loop3A_129, %parallel_loop3A_130] {strides = array<i32>} : memref<32x256xi32, #tpu.memory_space<vmem>>, vector<16xi32>,
      %parallel_loop3A_132 = tpu.vector_load_idx %arg5[%parallel_loop3A_93, %parallel_loop3A_131] : memref<32x1024xf32, #tpu.memory_space<vmem>>[vector<16xi32>, vector<16xi32>], vector<16xf32>,
      %parallel_loop3A_133 = arith.index_cast %parallel_loop3A_92 : i32 to index
      %parallel_loop3A_134 = arith.constant 80 : index
      %parallel_loop3A_135 = tpu.vector_load %arg9[%parallel_loop3A_133, %parallel_loop3A_134] {strides = array<i32>} : memref<32x256xf32, #tpu.memory_space<vmem>>, vector<16xf32>,
      tpu.vector_store %arg9[%parallel_loop3A_133, %parallel_loop3A_134], %parallel_loop3A_132 {strides = array<i32>} : memref<32x256xf32, #tpu.memory_space<vmem>>, vector<16xf32>,
      %parallel_loop3A_136 = arith.index_cast %parallel_loop3A_92 : i32 to index
      %parallel_loop3A_137 = arith.constant 96 : index
      %parallel_loop3A_138 = tpu.vector_load %arg7[%parallel_loop3A_136, %parallel_loop3A_137] {strides = array<i32>} : memref<32x256xi32, #tpu.memory_space<vmem>>, vector<16xi32>,
      %parallel_loop3A_139 = tpu.vector_load_idx %arg5[%parallel_loop3A_93, %parallel_loop3A_138] : memref<32x1024xf32, #tpu.memory_space<vmem>>[vector<16xi32>, vector<16xi32>], vector<16xf32>,
      %parallel_loop3A_140 = arith.index_cast %parallel_loop3A_92 : i32 to index
      %parallel_loop3A_141 = arith.constant 96 : index
      %parallel_loop3A_142 = tpu.vector_load %arg9[%parallel_loop3A_140, %parallel_loop3A_141] {strides = array<i32>} : memref<32x256xf32, #tpu.memory_space<vmem>>, vector<16xf32>,
      tpu.vector_store %arg9[%parallel_loop3A_140, %parallel_loop3A_141], %parallel_loop3A_139 {strides = array<i32>} : memref<32x256xf32, #tpu.memory_space<vmem>>, vector<16xf32>,
      %parallel_loop3A_143 = arith.index_cast %parallel_loop3A_92 : i32 to index
      %parallel_loop3A_144 = arith.constant 112 : index
      %parallel_loop3A_145 = tpu.vector_load %arg7[%parallel_loop3A_143, %parallel_loop3A_144] {strides = array<i32>} : memref<32x256xi32, #tpu.memory_space<vmem>>, vector<16xi32>,
      %parallel_loop3A_146 = tpu.vector_load_idx %arg5[%parallel_loop3A_93, %parallel_loop3A_145] : memref<32x1024xf32, #tpu.memory_space<vmem>>[vector<16xi32>, vector<16xi32>], vector<16xf32>,
      %parallel_loop3A_147 = arith.index_cast %parallel_loop3A_92 : i32 to index
      %parallel_loop3A_148 = arith.constant 112 : index
      %parallel_loop3A_149 = tpu.vector_load %arg9[%parallel_loop3A_147, %parallel_loop3A_148] {strides = array<i32>} : memref<32x256xf32, #tpu.memory_space<vmem>>, vector<16xf32>,
      tpu.vector_store %arg9[%parallel_loop3A_147, %parallel_loop3A_148], %parallel_loop3A_146 {strides = array<i32>} : memref<32x256xf32, #tpu.memory_space<vmem>>, vector<16xf32>,
      %parallel_loop3A_150 = arith.index_cast %parallel_loop3A_92 : i32 to index
      %parallel_loop3A_151 = arith.constant 128 : index
      %parallel_loop3A_152 = tpu.vector_load %arg7[%parallel_loop3A_150, %parallel_loop3A_151] {strides = array<i32>} : memref<32x256xi32, #tpu.memory_space<vmem>>, vector<16xi32>,
      %parallel_loop3A_153 = tpu.vector_load_idx %arg5[%parallel_loop3A_93, %parallel_loop3A_152] : memref<32x1024xf32, #tpu.memory_space<vmem>>[vector<16xi32>, vector<16xi32>], vector<16xf32>,
      %parallel_loop3A_154 = arith.index_cast %parallel_loop3A_92 : i32 to index
      %parallel_loop3A_155 = arith.constant 128 : index
      %parallel_loop3A_156 = tpu.vector_load %arg9[%parallel_loop3A_154, %parallel_loop3A_155] {strides = array<i32>} : memref<32x256xf32, #tpu.memory_space<vmem>>, vector<16xf32>,
      tpu.vector_store %arg9[%parallel_loop3A_154, %parallel_loop3A_155], %parallel_loop3A_153 {strides = array<i32>} : memref<32x256xf32, #tpu.memory_space<vmem>>, vector<16xf32>,
      %parallel_loop3A_157 = arith.index_cast %parallel_loop3A_92 : i32 to index
      %parallel_loop3A_158 = arith.constant 144 : index
      %parallel_loop3A_159 = tpu.vector_load %arg7[%parallel_loop3A_157, %parallel_loop3A_158] {strides = array<i32>} : memref<32x256xi32, #tpu.memory_space<vmem>>, vector<16xi32>,
      %parallel_loop3A_160 = tpu.vector_load_idx %arg5[%parallel_loop3A_93, %parallel_loop3A_159] : memref<32x1024xf32, #tpu.memory_space<vmem>>[vector<16xi32>, vector<16xi32>], vector<16xf32>,
      %parallel_loop3A_161 = arith.index_cast %parallel_loop3A_92 : i32 to index
      %parallel_loop3A_162 = arith.constant 144 : index
      %parallel_loop3A_163 = tpu.vector_load %arg9[%parallel_loop3A_161, %parallel_loop3A_162] {strides = array<i32>} : memref<32x256xf32, #tpu.memory_space<vmem>>, vector<16xf32>,
      tpu.vector_store %arg9[%parallel_loop3A_161, %parallel_loop3A_162], %parallel_loop3A_160 {strides = array<i32>} : memref<32x256xf32, #tpu.memory_space<vmem>>, vector<16xf32>,
      %parallel_loop3A_164 = arith.index_cast %parallel_loop3A_92 : i32 to index
      %parallel_loop3A_165 = arith.constant 160 : index
      %parallel_loop3A_166 = tpu.vector_load %arg7[%parallel_loop3A_164, %parallel_loop3A_165] {strides = array<i32>} : memref<32x256xi32, #tpu.memory_space<vmem>>, vector<16xi32>,
      %parallel_loop3A_167 = tpu.vector_load_idx %arg5[%parallel_loop3A_93, %parallel_loop3A_166] : memref<32x1024xf32, #tpu.memory_space<vmem>>[vector<16xi32>, vector<16xi32>], vector<16xf32>,
      %parallel_loop3A_168 = arith.index_cast %parallel_loop3A_92 : i32 to index
      %parallel_loop3A_169 = arith.constant 160 : index
      %parallel_loop3A_170 = tpu.vector_load %arg9[%parallel_loop3A_168, %parallel_loop3A_169] {strides = array<i32>} : memref<32x256xf32, #tpu.memory_space<vmem>>, vector<16xf32>,
      tpu.vector_store %arg9[%parallel_loop3A_168, %parallel_loop3A_169], %parallel_loop3A_167 {strides = array<i32>} : memref<32x256xf32, #tpu.memory_space<vmem>>, vector<16xf32>,
      %parallel_loop3A_171 = arith.index_cast %parallel_loop3A_92 : i32 to index
      %parallel_loop3A_172 = arith.constant 176 : index
      %parallel_loop3A_173 = tpu.vector_load %arg7[%parallel_loop3A_171, %parallel_loop3A_172] {strides = array<i32>} : memref<32x256xi32, #tpu.memory_space<vmem>>, vector<16xi32>,
      %parallel_loop3A_174 = tpu.vector_load_idx %arg5[%parallel_loop3A_93, %parallel_loop3A_173] : memref<32x1024xf32, #tpu.memory_space<vmem>>[vector<16xi32>, vector<16xi32>], vector<16xf32>,
      %parallel_loop3A_175 = arith.index_cast %parallel_loop3A_92 : i32 to index
      %parallel_loop3A_176 = arith.constant 176 : index
      %parallel_loop3A_177 = tpu.vector_load %arg9[%parallel_loop3A_175, %parallel_loop3A_176] {strides = array<i32>} : memref<32x256xf32, #tpu.memory_space<vmem>>, vector<16xf32>,
      tpu.vector_store %arg9[%parallel_loop3A_175, %parallel_loop3A_176], %parallel_loop3A_174 {strides = array<i32>} : memref<32x256xf32, #tpu.memory_space<vmem>>, vector<16xf32>,
      %parallel_loop3A_178 = arith.index_cast %parallel_loop3A_92 : i32 to index
      %parallel_loop3A_179 = arith.constant 192 : index
      %parallel_loop3A_180 = tpu.vector_load %arg7[%parallel_loop3A_178, %parallel_loop3A_179] {strides = array<i32>} : memref<32x256xi32, #tpu.memory_space<vmem>>, vector<16xi32>,
      %parallel_loop3A_181 = tpu.vector_load_idx %arg5[%parallel_loop3A_93, %parallel_loop3A_180] : memref<32x1024xf32, #tpu.memory_space<vmem>>[vector<16xi32>, vector<16xi32>], vector<16xf32>,
      %parallel_loop3A_182 = arith.index_cast %parallel_loop3A_92 : i32 to index
      %parallel_loop3A_183 = arith.constant 192 : index
      %parallel_loop3A_184 = tpu.vector_load %arg9[%parallel_loop3A_182, %parallel_loop3A_183] {strides = array<i32>} : memref<32x256xf32, #tpu.memory_space<vmem>>, vector<16xf32>,
      tpu.vector_store %arg9[%parallel_loop3A_182, %parallel_loop3A_183], %parallel_loop3A_181 {strides = array<i32>} : memref<32x256xf32, #tpu.memory_space<vmem>>, vector<16xf32>,
      %parallel_loop3A_185 = arith.index_cast %parallel_loop3A_92 : i32 to index
      %parallel_loop3A_186 = arith.constant 208 : index
      %parallel_loop3A_187 = tpu.vector_load %arg7[%parallel_loop3A_185, %parallel_loop3A_186] {strides = array<i32>} : memref<32x256xi32, #tpu.memory_space<vmem>>, vector<16xi32>,
      %parallel_loop3A_188 = tpu.vector_load_idx %arg5[%parallel_loop3A_93, %parallel_loop3A_187] : memref<32x1024xf32, #tpu.memory_space<vmem>>[vector<16xi32>, vector<16xi32>], vector<16xf32>,
      %parallel_loop3A_189 = arith.index_cast %parallel_loop3A_92 : i32 to index
      %parallel_loop3A_190 = arith.constant 208 : index
      %parallel_loop3A_191 = tpu.vector_load %arg9[%parallel_loop3A_189, %parallel_loop3A_190] {strides = array<i32>} : memref<32x256xf32, #tpu.memory_space<vmem>>, vector<16xf32>,
      tpu.vector_store %arg9[%parallel_loop3A_189, %parallel_loop3A_190], %parallel_loop3A_188 {strides = array<i32>} : memref<32x256xf32, #tpu.memory_space<vmem>>, vector<16xf32>,
      %parallel_loop3A_192 = arith.index_cast %parallel_loop3A_92 : i32 to index
      %parallel_loop3A_193 = arith.constant 224 : index
      %parallel_loop3A_194 = tpu.vector_load %arg7[%parallel_loop3A_192, %parallel_loop3A_193] {strides = array<i32>} : memref<32x256xi32, #tpu.memory_space<vmem>>, vector<16xi32>,
      %parallel_loop3A_195 = tpu.vector_load_idx %arg5[%parallel_loop3A_93, %parallel_loop3A_194] : memref<32x1024xf32, #tpu.memory_space<vmem>>[vector<16xi32>, vector<16xi32>], vector<16xf32>,
      %parallel_loop3A_196 = arith.index_cast %parallel_loop3A_92 : i32 to index
      %parallel_loop3A_197 = arith.constant 224 : index
      %parallel_loop3A_198 = tpu.vector_load %arg9[%parallel_loop3A_196, %parallel_loop3A_197] {strides = array<i32>} : memref<32x256xf32, #tpu.memory_space<vmem>>, vector<16xf32>,
      tpu.vector_store %arg9[%parallel_loop3A_196, %parallel_loop3A_197], %parallel_loop3A_195 {strides = array<i32>} : memref<32x256xf32, #tpu.memory_space<vmem>>, vector<16xf32>,
      %parallel_loop3A_199 = arith.index_cast %parallel_loop3A_92 : i32 to index
      %parallel_loop3A_200 = arith.constant 240 : index
      %parallel_loop3A_201 = tpu.vector_load %arg7[%parallel_loop3A_199, %parallel_loop3A_200] {strides = array<i32>} : memref<32x256xi32, #tpu.memory_space<vmem>>, vector<16xi32>,
      %parallel_loop3A_202 = tpu.vector_load_idx %arg5[%parallel_loop3A_93, %parallel_loop3A_201] : memref<32x1024xf32, #tpu.memory_space<vmem>>[vector<16xi32>, vector<16xi32>], vector<16xf32>,
      %parallel_loop3A_203 = arith.index_cast %parallel_loop3A_92 : i32 to index
      %parallel_loop3A_204 = arith.constant 240 : index
      %parallel_loop3A_205 = tpu.vector_load %arg9[%parallel_loop3A_203, %parallel_loop3A_204] {strides = array<i32>} : memref<32x256xf32, #tpu.memory_space<vmem>>, vector<16xf32>,
      tpu.vector_store %arg9[%parallel_loop3A_203, %parallel_loop3A_204], %parallel_loop3A_202 {strides = array<i32>} : memref<32x256xf32, #tpu.memory_space<vmem>>, vector<16xf32>,
    } {sc.loop_unroll_factor = 1 : i64, sc.parallel_access}
    %add3A_31 = arith.constant 0 : i32
    %add3A_32 = arith.addi %mul3A_2, %add3A_31 : i32
    "tpu.region"() ({
      %run_scoped3A = tpu.sem_alloc : memref<!tpu.dma_semaphore, #tpu.memory_space<semaphore_mem>>
      %dma_start3A_92 = arith.constant 0 : i32
      %dma_start3A_93 = tpu.memref_slice %arg4[%add3A_32, %dma_start3A_92] : memref<4096x256xf32, #tpu.memory_space<hbm>> -> memref<32x256xf32, #tpu.memory_space<hbm>>
      %dma_start3A_94 = arith.constant 0 : i32
      %dma_start3A_95 = tpu.memref_slice %arg4[%add3A_32, %dma_start3A_94] : memref<4096x256xf32, #tpu.memory_space<hbm>> -> memref<32x256xf32, #tpu.memory_space<hbm>>
      tpu.enqueue_dma source(%arg9 : memref<32x256xf32, #tpu.memory_space<vmem>>) target(%dma_start3A_95 : memref<32x256xf32, #tpu.memory_space<hbm>>) target_semaphore(%run_scoped3A : memref<!tpu.dma_semaphore, #tpu.memory_space<semaphore_mem>>)
      %dma_wait3A_96 = arith.constant 0 : i32
      %dma_wait3A_97 = tpu.memref_slice %arg4[%add3A_32, %dma_wait3A_96] : memref<4096x256xf32, #tpu.memory_space<hbm>> -> memref<32x256xf32, #tpu.memory_space<hbm>>
      %dma_wait3A_98 = arith.constant 0 : i32
      %dma_wait3A_99 = tpu.memref_slice %arg4[%add3A_32, %dma_wait3A_98] : memref<4096x256xf32, #tpu.memory_space<hbm>> -> memref<32x256xf32, #tpu.memory_space<hbm>>
      tpu.wait_dma2 semaphore(%run_scoped3A : memref<!tpu.dma_semaphore, #tpu.memory_space<semaphore_mem>>) src(%arg9 : memref<32x256xf32, #tpu.memory_space<vmem>>) dst(%dma_wait3A_99 : memref<32x256xf32, #tpu.memory_space<hbm>>)
      tpu.yield
    }) : () -> ()
    %dma_wait3A_33 = arith.constant 0 : i32
    %dma_wait3A_34 = tpu.memref_slice %arg2[%add3A_20, %dma_wait3A_33] : memref<4096x1024xf32, #tpu.memory_space<hbm>> -> memref<32x1024xf32, #tpu.memory_space<hbm>>
    %dma_wait3A_35 = arith.constant 0 : i32
    %dma_wait3A_36 = tpu.memref_slice %arg2[%add3A_20, %dma_wait3A_35] : memref<4096x1024xf32, #tpu.memory_space<hbm>> -> memref<32x1024xf32, #tpu.memory_space<hbm>>
    tpu.wait_dma2 semaphore(%arg11 : memref<!tpu.dma_semaphore, #tpu.memory_space<semaphore_mem>>) src(%dma_wait3A_36 : memref<32x1024xf32, #tpu.memory_space<hbm>>) dst(%arg6 : memref<32x1024xf32, #tpu.memory_space<vmem>>)
    %dma_wait3A_37 = arith.constant 0 : i32
    %dma_wait3A_38 = tpu.memref_slice %arg3[%add3A_20, %dma_wait3A_37] : memref<4096x256xi32, #tpu.memory_space<hbm>> -> memref<32x256xi32, #tpu.memory_space<hbm>>
    %dma_wait3A_39 = arith.constant 0 : i32
    %dma_wait3A_40 = tpu.memref_slice %arg3[%add3A_20, %dma_wait3A_39] : memref<4096x256xi32, #tpu.memory_space<hbm>> -> memref<32x256xi32, #tpu.memory_space<hbm>>
    tpu.wait_dma2 semaphore(%arg13 : memref<!tpu.dma_semaphore, #tpu.memory_space<semaphore_mem>>) src(%dma_wait3A_40 : memref<32x256xi32, #tpu.memory_space<hbm>>) dst(%arg8 : memref<32x256xi32, #tpu.memory_space<vmem>>)
    %add3A_41 = arith.constant 64 : i32
    %add3A_42 = arith.addi %mul3A_2, %add3A_41 : i32
    %dma_start3A_43 = arith.constant 0 : i32
    %dma_start3A_44 = tpu.memref_slice %arg2[%add3A_42, %dma_start3A_43] : memref<4096x1024xf32, #tpu.memory_space<hbm>> -> memref<32x1024xf32, #tpu.memory_space<hbm>>
    %dma_start3A_45 = arith.constant 0 : i32
    %dma_start3A_46 = tpu.memref_slice %arg2[%add3A_42, %dma_start3A_45] : memref<4096x1024xf32, #tpu.memory_space<hbm>> -> memref<32x1024xf32, #tpu.memory_space<hbm>>
    tpu.enqueue_dma source(%dma_start3A_46 : memref<32x1024xf32, #tpu.memory_space<hbm>>) target(%arg5 : memref<32x1024xf32, #tpu.memory_space<vmem>>) target_semaphore(%arg10 : memref<!tpu.dma_semaphore, #tpu.memory_space<semaphore_mem>>)
    %dma_start3A_47 = arith.constant 0 : i32
    %dma_start3A_48 = tpu.memref_slice %arg3[%add3A_42, %dma_start3A_47] : memref<4096x256xi32, #tpu.memory_space<hbm>> -> memref<32x256xi32, #tpu.memory_space<hbm>>
    %dma_start3A_49 = arith.constant 0 : i32
    %dma_start3A_50 = tpu.memref_slice %arg3[%add3A_42, %dma_start3A_49] : memref<4096x256xi32, #tpu.memory_space<hbm>> -> memref<32x256xi32, #tpu.memory_space<hbm>>
    tpu.enqueue_dma source(%dma_start3A_50 : memref<32x256xi32, #tpu.memory_space<hbm>>) target(%arg7 : memref<32x256xi32, #tpu.memory_space<vmem>>) target_semaphore(%arg12 : memref<!tpu.dma_semaphore, #tpu.memory_space<semaphore_mem>>)
    %parallel_loop3A_51 = arith.constant 0 : i32
    %parallel_loop3A_52 = arith.constant 32 : i32
    %parallel_loop3A_53 = arith.constant 1 : i32
    scf.for %parallel_loop3A_92 = %parallel_loop3A_51 to %parallel_loop3A_52 step %parallel_loop3A_53  : i32 {
      %parallel_loop3A_93 = vector.broadcast %parallel_loop3A_92 : i32 to vector<16xi32>
      %parallel_loop3A_94 = arith.index_cast %parallel_loop3A_92 : i32 to index
      %parallel_loop3A_95 = arith.constant 0 : index
      %parallel_loop3A_96 = tpu.vector_load %arg8[%parallel_loop3A_94, %parallel_loop3A_95] {strides = array<i32>} : memref<32x256xi32, #tpu.memory_space<vmem>>, vector<16xi32>,
      %parallel_loop3A_97 = tpu.vector_load_idx %arg6[%parallel_loop3A_93, %parallel_loop3A_96] : memref<32x1024xf32, #tpu.memory_space<vmem>>[vector<16xi32>, vector<16xi32>], vector<16xf32>,
      %parallel_loop3A_98 = arith.index_cast %parallel_loop3A_92 : i32 to index
      %parallel_loop3A_99 = arith.constant 0 : index
      %parallel_loop3A_100 = tpu.vector_load %arg9[%parallel_loop3A_98, %parallel_loop3A_99] {strides = array<i32>} : memref<32x256xf32, #tpu.memory_space<vmem>>, vector<16xf32>,
      tpu.vector_store %arg9[%parallel_loop3A_98, %parallel_loop3A_99], %parallel_loop3A_97 {strides = array<i32>} : memref<32x256xf32, #tpu.memory_space<vmem>>, vector<16xf32>,
      %parallel_loop3A_101 = arith.index_cast %parallel_loop3A_92 : i32 to index
      %parallel_loop3A_102 = arith.constant 16 : index
      %parallel_loop3A_103 = tpu.vector_load %arg8[%parallel_loop3A_101, %parallel_loop3A_102] {strides = array<i32>} : memref<32x256xi32, #tpu.memory_space<vmem>>, vector<16xi32>,
      %parallel_loop3A_104 = tpu.vector_load_idx %arg6[%parallel_loop3A_93, %parallel_loop3A_103] : memref<32x1024xf32, #tpu.memory_space<vmem>>[vector<16xi32>, vector<16xi32>], vector<16xf32>,
      %parallel_loop3A_105 = arith.index_cast %parallel_loop3A_92 : i32 to index
      %parallel_loop3A_106 = arith.constant 16 : index
      %parallel_loop3A_107 = tpu.vector_load %arg9[%parallel_loop3A_105, %parallel_loop3A_106] {strides = array<i32>} : memref<32x256xf32, #tpu.memory_space<vmem>>, vector<16xf32>,
      tpu.vector_store %arg9[%parallel_loop3A_105, %parallel_loop3A_106], %parallel_loop3A_104 {strides = array<i32>} : memref<32x256xf32, #tpu.memory_space<vmem>>, vector<16xf32>,
      %parallel_loop3A_108 = arith.index_cast %parallel_loop3A_92 : i32 to index
      %parallel_loop3A_109 = arith.constant 32 : index
      %parallel_loop3A_110 = tpu.vector_load %arg8[%parallel_loop3A_108, %parallel_loop3A_109] {strides = array<i32>} : memref<32x256xi32, #tpu.memory_space<vmem>>, vector<16xi32>,
      %parallel_loop3A_111 = tpu.vector_load_idx %arg6[%parallel_loop3A_93, %parallel_loop3A_110] : memref<32x1024xf32, #tpu.memory_space<vmem>>[vector<16xi32>, vector<16xi32>], vector<16xf32>,
      %parallel_loop3A_112 = arith.index_cast %parallel_loop3A_92 : i32 to index
      %parallel_loop3A_113 = arith.constant 32 : index
      %parallel_loop3A_114 = tpu.vector_load %arg9[%parallel_loop3A_112, %parallel_loop3A_113] {strides = array<i32>} : memref<32x256xf32, #tpu.memory_space<vmem>>, vector<16xf32>,
      tpu.vector_store %arg9[%parallel_loop3A_112, %parallel_loop3A_113], %parallel_loop3A_111 {strides = array<i32>} : memref<32x256xf32, #tpu.memory_space<vmem>>, vector<16xf32>,
      %parallel_loop3A_115 = arith.index_cast %parallel_loop3A_92 : i32 to index
      %parallel_loop3A_116 = arith.constant 48 : index
      %parallel_loop3A_117 = tpu.vector_load %arg8[%parallel_loop3A_115, %parallel_loop3A_116] {strides = array<i32>} : memref<32x256xi32, #tpu.memory_space<vmem>>, vector<16xi32>,
      %parallel_loop3A_118 = tpu.vector_load_idx %arg6[%parallel_loop3A_93, %parallel_loop3A_117] : memref<32x1024xf32, #tpu.memory_space<vmem>>[vector<16xi32>, vector<16xi32>], vector<16xf32>,
      %parallel_loop3A_119 = arith.index_cast %parallel_loop3A_92 : i32 to index
      %parallel_loop3A_120 = arith.constant 48 : index
      %parallel_loop3A_121 = tpu.vector_load %arg9[%parallel_loop3A_119, %parallel_loop3A_120] {strides = array<i32>} : memref<32x256xf32, #tpu.memory_space<vmem>>, vector<16xf32>,
      tpu.vector_store %arg9[%parallel_loop3A_119, %parallel_loop3A_120], %parallel_loop3A_118 {strides = array<i32>} : memref<32x256xf32, #tpu.memory_space<vmem>>, vector<16xf32>,
      %parallel_loop3A_122 = arith.index_cast %parallel_loop3A_92 : i32 to index
      %parallel_loop3A_123 = arith.constant 64 : index
      %parallel_loop3A_124 = tpu.vector_load %arg8[%parallel_loop3A_122, %parallel_loop3A_123] {strides = array<i32>} : memref<32x256xi32, #tpu.memory_space<vmem>>, vector<16xi32>,
      %parallel_loop3A_125 = tpu.vector_load_idx %arg6[%parallel_loop3A_93, %parallel_loop3A_124] : memref<32x1024xf32, #tpu.memory_space<vmem>>[vector<16xi32>, vector<16xi32>], vector<16xf32>,
      %parallel_loop3A_126 = arith.index_cast %parallel_loop3A_92 : i32 to index
      %parallel_loop3A_127 = arith.constant 64 : index
      %parallel_loop3A_128 = tpu.vector_load %arg9[%parallel_loop3A_126, %parallel_loop3A_127] {strides = array<i32>} : memref<32x256xf32, #tpu.memory_space<vmem>>, vector<16xf32>,
      tpu.vector_store %arg9[%parallel_loop3A_126, %parallel_loop3A_127], %parallel_loop3A_125 {strides = array<i32>} : memref<32x256xf32, #tpu.memory_space<vmem>>, vector<16xf32>,
      %parallel_loop3A_129 = arith.index_cast %parallel_loop3A_92 : i32 to index
      %parallel_loop3A_130 = arith.constant 80 : index
      %parallel_loop3A_131 = tpu.vector_load %arg8[%parallel_loop3A_129, %parallel_loop3A_130] {strides = array<i32>} : memref<32x256xi32, #tpu.memory_space<vmem>>, vector<16xi32>,
      %parallel_loop3A_132 = tpu.vector_load_idx %arg6[%parallel_loop3A_93, %parallel_loop3A_131] : memref<32x1024xf32, #tpu.memory_space<vmem>>[vector<16xi32>, vector<16xi32>], vector<16xf32>,
      %parallel_loop3A_133 = arith.index_cast %parallel_loop3A_92 : i32 to index
      %parallel_loop3A_134 = arith.constant 80 : index
      %parallel_loop3A_135 = tpu.vector_load %arg9[%parallel_loop3A_133, %parallel_loop3A_134] {strides = array<i32>} : memref<32x256xf32, #tpu.memory_space<vmem>>, vector<16xf32>,
      tpu.vector_store %arg9[%parallel_loop3A_133, %parallel_loop3A_134], %parallel_loop3A_132 {strides = array<i32>} : memref<32x256xf32, #tpu.memory_space<vmem>>, vector<16xf32>,
      %parallel_loop3A_136 = arith.index_cast %parallel_loop3A_92 : i32 to index
      %parallel_loop3A_137 = arith.constant 96 : index
      %parallel_loop3A_138 = tpu.vector_load %arg8[%parallel_loop3A_136, %parallel_loop3A_137] {strides = array<i32>} : memref<32x256xi32, #tpu.memory_space<vmem>>, vector<16xi32>,
      %parallel_loop3A_139 = tpu.vector_load_idx %arg6[%parallel_loop3A_93, %parallel_loop3A_138] : memref<32x1024xf32, #tpu.memory_space<vmem>>[vector<16xi32>, vector<16xi32>], vector<16xf32>,
      %parallel_loop3A_140 = arith.index_cast %parallel_loop3A_92 : i32 to index
      %parallel_loop3A_141 = arith.constant 96 : index
      %parallel_loop3A_142 = tpu.vector_load %arg9[%parallel_loop3A_140, %parallel_loop3A_141] {strides = array<i32>} : memref<32x256xf32, #tpu.memory_space<vmem>>, vector<16xf32>,
      tpu.vector_store %arg9[%parallel_loop3A_140, %parallel_loop3A_141], %parallel_loop3A_139 {strides = array<i32>} : memref<32x256xf32, #tpu.memory_space<vmem>>, vector<16xf32>,
      %parallel_loop3A_143 = arith.index_cast %parallel_loop3A_92 : i32 to index
      %parallel_loop3A_144 = arith.constant 112 : index
      %parallel_loop3A_145 = tpu.vector_load %arg8[%parallel_loop3A_143, %parallel_loop3A_144] {strides = array<i32>} : memref<32x256xi32, #tpu.memory_space<vmem>>, vector<16xi32>,
      %parallel_loop3A_146 = tpu.vector_load_idx %arg6[%parallel_loop3A_93, %parallel_loop3A_145] : memref<32x1024xf32, #tpu.memory_space<vmem>>[vector<16xi32>, vector<16xi32>], vector<16xf32>,
      %parallel_loop3A_147 = arith.index_cast %parallel_loop3A_92 : i32 to index
      %parallel_loop3A_148 = arith.constant 112 : index
      %parallel_loop3A_149 = tpu.vector_load %arg9[%parallel_loop3A_147, %parallel_loop3A_148] {strides = array<i32>} : memref<32x256xf32, #tpu.memory_space<vmem>>, vector<16xf32>,
      tpu.vector_store %arg9[%parallel_loop3A_147, %parallel_loop3A_148], %parallel_loop3A_146 {strides = array<i32>} : memref<32x256xf32, #tpu.memory_space<vmem>>, vector<16xf32>,
      %parallel_loop3A_150 = arith.index_cast %parallel_loop3A_92 : i32 to index
      %parallel_loop3A_151 = arith.constant 128 : index
      %parallel_loop3A_152 = tpu.vector_load %arg8[%parallel_loop3A_150, %parallel_loop3A_151] {strides = array<i32>} : memref<32x256xi32, #tpu.memory_space<vmem>>, vector<16xi32>,
      %parallel_loop3A_153 = tpu.vector_load_idx %arg6[%parallel_loop3A_93, %parallel_loop3A_152] : memref<32x1024xf32, #tpu.memory_space<vmem>>[vector<16xi32>, vector<16xi32>], vector<16xf32>,
      %parallel_loop3A_154 = arith.index_cast %parallel_loop3A_92 : i32 to index
      %parallel_loop3A_155 = arith.constant 128 : index
      %parallel_loop3A_156 = tpu.vector_load %arg9[%parallel_loop3A_154, %parallel_loop3A_155] {strides = array<i32>} : memref<32x256xf32, #tpu.memory_space<vmem>>, vector<16xf32>,
      tpu.vector_store %arg9[%parallel_loop3A_154, %parallel_loop3A_155], %parallel_loop3A_153 {strides = array<i32>} : memref<32x256xf32, #tpu.memory_space<vmem>>, vector<16xf32>,
      %parallel_loop3A_157 = arith.index_cast %parallel_loop3A_92 : i32 to index
      %parallel_loop3A_158 = arith.constant 144 : index
      %parallel_loop3A_159 = tpu.vector_load %arg8[%parallel_loop3A_157, %parallel_loop3A_158] {strides = array<i32>} : memref<32x256xi32, #tpu.memory_space<vmem>>, vector<16xi32>,
      %parallel_loop3A_160 = tpu.vector_load_idx %arg6[%parallel_loop3A_93, %parallel_loop3A_159] : memref<32x1024xf32, #tpu.memory_space<vmem>>[vector<16xi32>, vector<16xi32>], vector<16xf32>,
      %parallel_loop3A_161 = arith.index_cast %parallel_loop3A_92 : i32 to index
      %parallel_loop3A_162 = arith.constant 144 : index
      %parallel_loop3A_163 = tpu.vector_load %arg9[%parallel_loop3A_161, %parallel_loop3A_162] {strides = array<i32>} : memref<32x256xf32, #tpu.memory_space<vmem>>, vector<16xf32>,
      tpu.vector_store %arg9[%parallel_loop3A_161, %parallel_loop3A_162], %parallel_loop3A_160 {strides = array<i32>} : memref<32x256xf32, #tpu.memory_space<vmem>>, vector<16xf32>,
      %parallel_loop3A_164 = arith.index_cast %parallel_loop3A_92 : i32 to index
      %parallel_loop3A_165 = arith.constant 160 : index
      %parallel_loop3A_166 = tpu.vector_load %arg8[%parallel_loop3A_164, %parallel_loop3A_165] {strides = array<i32>} : memref<32x256xi32, #tpu.memory_space<vmem>>, vector<16xi32>,
      %parallel_loop3A_167 = tpu.vector_load_idx %arg6[%parallel_loop3A_93, %parallel_loop3A_166] : memref<32x1024xf32, #tpu.memory_space<vmem>>[vector<16xi32>, vector<16xi32>], vector<16xf32>,
      %parallel_loop3A_168 = arith.index_cast %parallel_loop3A_92 : i32 to index
      %parallel_loop3A_169 = arith.constant 160 : index
      %parallel_loop3A_170 = tpu.vector_load %arg9[%parallel_loop3A_168, %parallel_loop3A_169] {strides = array<i32>} : memref<32x256xf32, #tpu.memory_space<vmem>>, vector<16xf32>,
      tpu.vector_store %arg9[%parallel_loop3A_168, %parallel_loop3A_169], %parallel_loop3A_167 {strides = array<i32>} : memref<32x256xf32, #tpu.memory_space<vmem>>, vector<16xf32>,
      %parallel_loop3A_171 = arith.index_cast %parallel_loop3A_92 : i32 to index
      %parallel_loop3A_172 = arith.constant 176 : index
      %parallel_loop3A_173 = tpu.vector_load %arg8[%parallel_loop3A_171, %parallel_loop3A_172] {strides = array<i32>} : memref<32x256xi32, #tpu.memory_space<vmem>>, vector<16xi32>,
      %parallel_loop3A_174 = tpu.vector_load_idx %arg6[%parallel_loop3A_93, %parallel_loop3A_173] : memref<32x1024xf32, #tpu.memory_space<vmem>>[vector<16xi32>, vector<16xi32>], vector<16xf32>,
      %parallel_loop3A_175 = arith.index_cast %parallel_loop3A_92 : i32 to index
      %parallel_loop3A_176 = arith.constant 176 : index
      %parallel_loop3A_177 = tpu.vector_load %arg9[%parallel_loop3A_175, %parallel_loop3A_176] {strides = array<i32>} : memref<32x256xf32, #tpu.memory_space<vmem>>, vector<16xf32>,
      tpu.vector_store %arg9[%parallel_loop3A_175, %parallel_loop3A_176], %parallel_loop3A_174 {strides = array<i32>} : memref<32x256xf32, #tpu.memory_space<vmem>>, vector<16xf32>,
      %parallel_loop3A_178 = arith.index_cast %parallel_loop3A_92 : i32 to index
      %parallel_loop3A_179 = arith.constant 192 : index
      %parallel_loop3A_180 = tpu.vector_load %arg8[%parallel_loop3A_178, %parallel_loop3A_179] {strides = array<i32>} : memref<32x256xi32, #tpu.memory_space<vmem>>, vector<16xi32>,
      %parallel_loop3A_181 = tpu.vector_load_idx %arg6[%parallel_loop3A_93, %parallel_loop3A_180] : memref<32x1024xf32, #tpu.memory_space<vmem>>[vector<16xi32>, vector<16xi32>], vector<16xf32>,
      %parallel_loop3A_182 = arith.index_cast %parallel_loop3A_92 : i32 to index
      %parallel_loop3A_183 = arith.constant 192 : index
      %parallel_loop3A_184 = tpu.vector_load %arg9[%parallel_loop3A_182, %parallel_loop3A_183] {strides = array<i32>} : memref<32x256xf32, #tpu.memory_space<vmem>>, vector<16xf32>,
      tpu.vector_store %arg9[%parallel_loop3A_182, %parallel_loop3A_183], %parallel_loop3A_181 {strides = array<i32>} : memref<32x256xf32, #tpu.memory_space<vmem>>, vector<16xf32>,
      %parallel_loop3A_185 = arith.index_cast %parallel_loop3A_92 : i32 to index
      %parallel_loop3A_186 = arith.constant 208 : index
      %parallel_loop3A_187 = tpu.vector_load %arg8[%parallel_loop3A_185, %parallel_loop3A_186] {strides = array<i32>} : memref<32x256xi32, #tpu.memory_space<vmem>>, vector<16xi32>,
      %parallel_loop3A_188 = tpu.vector_load_idx %arg6[%parallel_loop3A_93, %parallel_loop3A_187] : memref<32x1024xf32, #tpu.memory_space<vmem>>[vector<16xi32>, vector<16xi32>], vector<16xf32>,
      %parallel_loop3A_189 = arith.index_cast %parallel_loop3A_92 : i32 to index
      %parallel_loop3A_190 = arith.constant 208 : index
      %parallel_loop3A_191 = tpu.vector_load %arg9[%parallel_loop3A_189, %parallel_loop3A_190] {strides = array<i32>} : memref<32x256xf32, #tpu.memory_space<vmem>>, vector<16xf32>,
      tpu.vector_store %arg9[%parallel_loop3A_189, %parallel_loop3A_190], %parallel_loop3A_188 {strides = array<i32>} : memref<32x256xf32, #tpu.memory_space<vmem>>, vector<16xf32>,
      %parallel_loop3A_192 = arith.index_cast %parallel_loop3A_92 : i32 to index
      %parallel_loop3A_193 = arith.constant 224 : index
      %parallel_loop3A_194 = tpu.vector_load %arg8[%parallel_loop3A_192, %parallel_loop3A_193] {strides = array<i32>} : memref<32x256xi32, #tpu.memory_space<vmem>>, vector<16xi32>,
      %parallel_loop3A_195 = tpu.vector_load_idx %arg6[%parallel_loop3A_93, %parallel_loop3A_194] : memref<32x1024xf32, #tpu.memory_space<vmem>>[vector<16xi32>, vector<16xi32>], vector<16xf32>,
      %parallel_loop3A_196 = arith.index_cast %parallel_loop3A_92 : i32 to index
      %parallel_loop3A_197 = arith.constant 224 : index
      %parallel_loop3A_198 = tpu.vector_load %arg9[%parallel_loop3A_196, %parallel_loop3A_197] {strides = array<i32>} : memref<32x256xf32, #tpu.memory_space<vmem>>, vector<16xf32>,
      tpu.vector_store %arg9[%parallel_loop3A_196, %parallel_loop3A_197], %parallel_loop3A_195 {strides = array<i32>} : memref<32x256xf32, #tpu.memory_space<vmem>>, vector<16xf32>,
      %parallel_loop3A_199 = arith.index_cast %parallel_loop3A_92 : i32 to index
      %parallel_loop3A_200 = arith.constant 240 : index
      %parallel_loop3A_201 = tpu.vector_load %arg8[%parallel_loop3A_199, %parallel_loop3A_200] {strides = array<i32>} : memref<32x256xi32, #tpu.memory_space<vmem>>, vector<16xi32>,
      %parallel_loop3A_202 = tpu.vector_load_idx %arg6[%parallel_loop3A_93, %parallel_loop3A_201] : memref<32x1024xf32, #tpu.memory_space<vmem>>[vector<16xi32>, vector<16xi32>], vector<16xf32>,
      %parallel_loop3A_203 = arith.index_cast %parallel_loop3A_92 : i32 to index
      %parallel_loop3A_204 = arith.constant 240 : index
      %parallel_loop3A_205 = tpu.vector_load %arg9[%parallel_loop3A_203, %parallel_loop3A_204] {strides = array<i32>} : memref<32x256xf32, #tpu.memory_space<vmem>>, vector<16xf32>,
      tpu.vector_store %arg9[%parallel_loop3A_203, %parallel_loop3A_204], %parallel_loop3A_202 {strides = array<i32>} : memref<32x256xf32, #tpu.memory_space<vmem>>, vector<16xf32>,
    } {sc.loop_unroll_factor = 1 : i64, sc.parallel_access}
    %add3A_54 = arith.constant 32 : i32
    %add3A_55 = arith.addi %mul3A_2, %add3A_54 : i32
    "tpu.region"() ({
      %run_scoped3A = tpu.sem_alloc : memref<!tpu.dma_semaphore, #tpu.memory_space<semaphore_mem>>
      %dma_start3A_92 = arith.constant 0 : i32
      %dma_start3A_93 = tpu.memref_slice %arg4[%add3A_55, %dma_start3A_92] : memref<4096x256xf32, #tpu.memory_space<hbm>> -> memref<32x256xf32, #tpu.memory_space<hbm>>
      %dma_start3A_94 = arith.constant 0 : i32
      %dma_start3A_95 = tpu.memref_slice %arg4[%add3A_55, %dma_start3A_94] : memref<4096x256xf32, #tpu.memory_space<hbm>> -> memref<32x256xf32, #tpu.memory_space<hbm>>
      tpu.enqueue_dma source(%arg9 : memref<32x256xf32, #tpu.memory_space<vmem>>) target(%dma_start3A_95 : memref<32x256xf32, #tpu.memory_space<hbm>>) target_semaphore(%run_scoped3A : memref<!tpu.dma_semaphore, #tpu.memory_space<semaphore_mem>>)
      %dma_wait3A_96 = arith.constant 0 : i32
      %dma_wait3A_97 = tpu.memref_slice %arg4[%add3A_55, %dma_wait3A_96] : memref<4096x256xf32, #tpu.memory_space<hbm>> -> memref<32x256xf32, #tpu.memory_space<hbm>>
      %dma_wait3A_98 = arith.constant 0 : i32
      %dma_wait3A_99 = tpu.memref_slice %arg4[%add3A_55, %dma_wait3A_98] : memref<4096x256xf32, #tpu.memory_space<hbm>> -> memref<32x256xf32, #tpu.memory_space<hbm>>
      tpu.wait_dma2 semaphore(%run_scoped3A : memref<!tpu.dma_semaphore, #tpu.memory_space<semaphore_mem>>) src(%arg9 : memref<32x256xf32, #tpu.memory_space<vmem>>) dst(%dma_wait3A_99 : memref<32x256xf32, #tpu.memory_space<hbm>>)
      tpu.yield
    }) : () -> ()
    %dma_wait3A_56 = arith.constant 0 : i32
    %dma_wait3A_57 = tpu.memref_slice %arg2[%add3A_42, %dma_wait3A_56] : memref<4096x1024xf32, #tpu.memory_space<hbm>> -> memref<32x1024xf32, #tpu.memory_space<hbm>>
    %dma_wait3A_58 = arith.constant 0 : i32
    %dma_wait3A_59 = tpu.memref_slice %arg2[%add3A_42, %dma_wait3A_58] : memref<4096x1024xf32, #tpu.memory_space<hbm>> -> memref<32x1024xf32, #tpu.memory_space<hbm>>
    tpu.wait_dma2 semaphore(%arg10 : memref<!tpu.dma_semaphore, #tpu.memory_space<semaphore_mem>>) src(%dma_wait3A_59 : memref<32x1024xf32, #tpu.memory_space<hbm>>) dst(%arg5 : memref<32x1024xf32, #tpu.memory_space<vmem>>)
    %dma_wait3A_60 = arith.constant 0 : i32
    %dma_wait3A_61 = tpu.memref_slice %arg3[%add3A_42, %dma_wait3A_60] : memref<4096x256xi32, #tpu.memory_space<hbm>> -> memref<32x256xi32, #tpu.memory_space<hbm>>
    %dma_wait3A_62 = arith.constant 0 : i32
    %dma_wait3A_63 = tpu.memref_slice %arg3[%add3A_42, %dma_wait3A_62] : memref<4096x256xi32, #tpu.memory_space<hbm>> -> memref<32x256xi32, #tpu.memory_space<hbm>>
    tpu.wait_dma2 semaphore(%arg12 : memref<!tpu.dma_semaphore, #tpu.memory_space<semaphore_mem>>) src(%dma_wait3A_63 : memref<32x256xi32, #tpu.memory_space<hbm>>) dst(%arg7 : memref<32x256xi32, #tpu.memory_space<vmem>>)
    %add3A_64 = arith.constant 96 : i32
    %add3A_65 = arith.addi %mul3A_2, %add3A_64 : i32
    %dma_start3A_66 = arith.constant 0 : i32
    %dma_start3A_67 = tpu.memref_slice %arg2[%add3A_65, %dma_start3A_66] : memref<4096x1024xf32, #tpu.memory_space<hbm>> -> memref<32x1024xf32, #tpu.memory_space<hbm>>
    %dma_start3A_68 = arith.constant 0 : i32
    %dma_start3A_69 = tpu.memref_slice %arg2[%add3A_65, %dma_start3A_68] : memref<4096x1024xf32, #tpu.memory_space<hbm>> -> memref<32x1024xf32, #tpu.memory_space<hbm>>
    tpu.enqueue_dma source(%dma_start3A_69 : memref<32x1024xf32, #tpu.memory_space<hbm>>) target(%arg6 : memref<32x1024xf32, #tpu.memory_space<vmem>>) target_semaphore(%arg11 : memref<!tpu.dma_semaphore, #tpu.memory_space<semaphore_mem>>)
    %dma_start3A_70 = arith.constant 0 : i32
    %dma_start3A_71 = tpu.memref_slice %arg3[%add3A_65, %dma_start3A_70] : memref<4096x256xi32, #tpu.memory_space<hbm>> -> memref<32x256xi32, #tpu.memory_space<hbm>>
    %dma_start3A_72 = arith.constant 0 : i32
    %dma_start3A_73 = tpu.memref_slice %arg3[%add3A_65, %dma_start3A_72] : memref<4096x256xi32, #tpu.memory_space<hbm>> -> memref<32x256xi32, #tpu.memory_space<hbm>>
    tpu.enqueue_dma source(%dma_start3A_73 : memref<32x256xi32, #tpu.memory_space<hbm>>) target(%arg8 : memref<32x256xi32, #tpu.memory_space<vmem>>) target_semaphore(%arg13 : memref<!tpu.dma_semaphore, #tpu.memory_space<semaphore_mem>>)
    %parallel_loop3A_74 = arith.constant 0 : i32
    %parallel_loop3A_75 = arith.constant 32 : i32
    %parallel_loop3A_76 = arith.constant 1 : i32
    scf.for %parallel_loop3A_92 = %parallel_loop3A_74 to %parallel_loop3A_75 step %parallel_loop3A_76  : i32 {
      %parallel_loop3A_93 = vector.broadcast %parallel_loop3A_92 : i32 to vector<16xi32>
      %parallel_loop3A_94 = arith.index_cast %parallel_loop3A_92 : i32 to index
      %parallel_loop3A_95 = arith.constant 0 : index
      %parallel_loop3A_96 = tpu.vector_load %arg7[%parallel_loop3A_94, %parallel_loop3A_95] {strides = array<i32>} : memref<32x256xi32, #tpu.memory_space<vmem>>, vector<16xi32>,
      %parallel_loop3A_97 = tpu.vector_load_idx %arg5[%parallel_loop3A_93, %parallel_loop3A_96] : memref<32x1024xf32, #tpu.memory_space<vmem>>[vector<16xi32>, vector<16xi32>], vector<16xf32>,
      %parallel_loop3A_98 = arith.index_cast %parallel_loop3A_92 : i32 to index
      %parallel_loop3A_99 = arith.constant 0 : index
      %parallel_loop3A_100 = tpu.vector_load %arg9[%parallel_loop3A_98, %parallel_loop3A_99] {strides = array<i32>} : memref<32x256xf32, #tpu.memory_space<vmem>>, vector<16xf32>,
      tpu.vector_store %arg9[%parallel_loop3A_98, %parallel_loop3A_99], %parallel_loop3A_97 {strides = array<i32>} : memref<32x256xf32, #tpu.memory_space<vmem>>, vector<16xf32>,
      %parallel_loop3A_101 = arith.index_cast %parallel_loop3A_92 : i32 to index
      %parallel_loop3A_102 = arith.constant 16 : index
      %parallel_loop3A_103 = tpu.vector_load %arg7[%parallel_loop3A_101, %parallel_loop3A_102] {strides = array<i32>} : memref<32x256xi32, #tpu.memory_space<vmem>>, vector<16xi32>,
      %parallel_loop3A_104 = tpu.vector_load_idx %arg5[%parallel_loop3A_93, %parallel_loop3A_103] : memref<32x1024xf32, #tpu.memory_space<vmem>>[vector<16xi32>, vector<16xi32>], vector<16xf32>,
      %parallel_loop3A_105 = arith.index_cast %parallel_loop3A_92 : i32 to index
      %parallel_loop3A_106 = arith.constant 16 : index
      %parallel_loop3A_107 = tpu.vector_load %arg9[%parallel_loop3A_105, %parallel_loop3A_106] {strides = array<i32>} : memref<32x256xf32, #tpu.memory_space<vmem>>, vector<16xf32>,
      tpu.vector_store %arg9[%parallel_loop3A_105, %parallel_loop3A_106], %parallel_loop3A_104 {strides = array<i32>} : memref<32x256xf32, #tpu.memory_space<vmem>>, vector<16xf32>,
      %parallel_loop3A_108 = arith.index_cast %parallel_loop3A_92 : i32 to index
      %parallel_loop3A_109 = arith.constant 32 : index
      %parallel_loop3A_110 = tpu.vector_load %arg7[%parallel_loop3A_108, %parallel_loop3A_109] {strides = array<i32>} : memref<32x256xi32, #tpu.memory_space<vmem>>, vector<16xi32>,
      %parallel_loop3A_111 = tpu.vector_load_idx %arg5[%parallel_loop3A_93, %parallel_loop3A_110] : memref<32x1024xf32, #tpu.memory_space<vmem>>[vector<16xi32>, vector<16xi32>], vector<16xf32>,
      %parallel_loop3A_112 = arith.index_cast %parallel_loop3A_92 : i32 to index
      %parallel_loop3A_113 = arith.constant 32 : index
      %parallel_loop3A_114 = tpu.vector_load %arg9[%parallel_loop3A_112, %parallel_loop3A_113] {strides = array<i32>} : memref<32x256xf32, #tpu.memory_space<vmem>>, vector<16xf32>,
      tpu.vector_store %arg9[%parallel_loop3A_112, %parallel_loop3A_113], %parallel_loop3A_111 {strides = array<i32>} : memref<32x256xf32, #tpu.memory_space<vmem>>, vector<16xf32>,
      %parallel_loop3A_115 = arith.index_cast %parallel_loop3A_92 : i32 to index
      %parallel_loop3A_116 = arith.constant 48 : index
      %parallel_loop3A_117 = tpu.vector_load %arg7[%parallel_loop3A_115, %parallel_loop3A_116] {strides = array<i32>} : memref<32x256xi32, #tpu.memory_space<vmem>>, vector<16xi32>,
      %parallel_loop3A_118 = tpu.vector_load_idx %arg5[%parallel_loop3A_93, %parallel_loop3A_117] : memref<32x1024xf32, #tpu.memory_space<vmem>>[vector<16xi32>, vector<16xi32>], vector<16xf32>,
      %parallel_loop3A_119 = arith.index_cast %parallel_loop3A_92 : i32 to index
      %parallel_loop3A_120 = arith.constant 48 : index
      %parallel_loop3A_121 = tpu.vector_load %arg9[%parallel_loop3A_119, %parallel_loop3A_120] {strides = array<i32>} : memref<32x256xf32, #tpu.memory_space<vmem>>, vector<16xf32>,
      tpu.vector_store %arg9[%parallel_loop3A_119, %parallel_loop3A_120], %parallel_loop3A_118 {strides = array<i32>} : memref<32x256xf32, #tpu.memory_space<vmem>>, vector<16xf32>,
      %parallel_loop3A_122 = arith.index_cast %parallel_loop3A_92 : i32 to index
      %parallel_loop3A_123 = arith.constant 64 : index
      %parallel_loop3A_124 = tpu.vector_load %arg7[%parallel_loop3A_122, %parallel_loop3A_123] {strides = array<i32>} : memref<32x256xi32, #tpu.memory_space<vmem>>, vector<16xi32>,
      %parallel_loop3A_125 = tpu.vector_load_idx %arg5[%parallel_loop3A_93, %parallel_loop3A_124] : memref<32x1024xf32, #tpu.memory_space<vmem>>[vector<16xi32>, vector<16xi32>], vector<16xf32>,
      %parallel_loop3A_126 = arith.index_cast %parallel_loop3A_92 : i32 to index
      %parallel_loop3A_127 = arith.constant 64 : index
      %parallel_loop3A_128 = tpu.vector_load %arg9[%parallel_loop3A_126, %parallel_loop3A_127] {strides = array<i32>} : memref<32x256xf32, #tpu.memory_space<vmem>>, vector<16xf32>,
      tpu.vector_store %arg9[%parallel_loop3A_126, %parallel_loop3A_127], %parallel_loop3A_125 {strides = array<i32>} : memref<32x256xf32, #tpu.memory_space<vmem>>, vector<16xf32>,
      %parallel_loop3A_129 = arith.index_cast %parallel_loop3A_92 : i32 to index
      %parallel_loop3A_130 = arith.constant 80 : index
      %parallel_loop3A_131 = tpu.vector_load %arg7[%parallel_loop3A_129, %parallel_loop3A_130] {strides = array<i32>} : memref<32x256xi32, #tpu.memory_space<vmem>>, vector<16xi32>,
      %parallel_loop3A_132 = tpu.vector_load_idx %arg5[%parallel_loop3A_93, %parallel_loop3A_131] : memref<32x1024xf32, #tpu.memory_space<vmem>>[vector<16xi32>, vector<16xi32>], vector<16xf32>,
      %parallel_loop3A_133 = arith.index_cast %parallel_loop3A_92 : i32 to index
      %parallel_loop3A_134 = arith.constant 80 : index
      %parallel_loop3A_135 = tpu.vector_load %arg9[%parallel_loop3A_133, %parallel_loop3A_134] {strides = array<i32>} : memref<32x256xf32, #tpu.memory_space<vmem>>, vector<16xf32>,
      tpu.vector_store %arg9[%parallel_loop3A_133, %parallel_loop3A_134], %parallel_loop3A_132 {strides = array<i32>} : memref<32x256xf32, #tpu.memory_space<vmem>>, vector<16xf32>,
      %parallel_loop3A_136 = arith.index_cast %parallel_loop3A_92 : i32 to index
      %parallel_loop3A_137 = arith.constant 96 : index
      %parallel_loop3A_138 = tpu.vector_load %arg7[%parallel_loop3A_136, %parallel_loop3A_137] {strides = array<i32>} : memref<32x256xi32, #tpu.memory_space<vmem>>, vector<16xi32>,
      %parallel_loop3A_139 = tpu.vector_load_idx %arg5[%parallel_loop3A_93, %parallel_loop3A_138] : memref<32x1024xf32, #tpu.memory_space<vmem>>[vector<16xi32>, vector<16xi32>], vector<16xf32>,
      %parallel_loop3A_140 = arith.index_cast %parallel_loop3A_92 : i32 to index
      %parallel_loop3A_141 = arith.constant 96 : index
      %parallel_loop3A_142 = tpu.vector_load %arg9[%parallel_loop3A_140, %parallel_loop3A_141] {strides = array<i32>} : memref<32x256xf32, #tpu.memory_space<vmem>>, vector<16xf32>,
      tpu.vector_store %arg9[%parallel_loop3A_140, %parallel_loop3A_141], %parallel_loop3A_139 {strides = array<i32>} : memref<32x256xf32, #tpu.memory_space<vmem>>, vector<16xf32>,
      %parallel_loop3A_143 = arith.index_cast %parallel_loop3A_92 : i32 to index
      %parallel_loop3A_144 = arith.constant 112 : index
      %parallel_loop3A_145 = tpu.vector_load %arg7[%parallel_loop3A_143, %parallel_loop3A_144] {strides = array<i32>} : memref<32x256xi32, #tpu.memory_space<vmem>>, vector<16xi32>,
      %parallel_loop3A_146 = tpu.vector_load_idx %arg5[%parallel_loop3A_93, %parallel_loop3A_145] : memref<32x1024xf32, #tpu.memory_space<vmem>>[vector<16xi32>, vector<16xi32>], vector<16xf32>,
      %parallel_loop3A_147 = arith.index_cast %parallel_loop3A_92 : i32 to index
      %parallel_loop3A_148 = arith.constant 112 : index
      %parallel_loop3A_149 = tpu.vector_load %arg9[%parallel_loop3A_147, %parallel_loop3A_148] {strides = array<i32>} : memref<32x256xf32, #tpu.memory_space<vmem>>, vector<16xf32>,
      tpu.vector_store %arg9[%parallel_loop3A_147, %parallel_loop3A_148], %parallel_loop3A_146 {strides = array<i32>} : memref<32x256xf32, #tpu.memory_space<vmem>>, vector<16xf32>,
      %parallel_loop3A_150 = arith.index_cast %parallel_loop3A_92 : i32 to index
      %parallel_loop3A_151 = arith.constant 128 : index
      %parallel_loop3A_152 = tpu.vector_load %arg7[%parallel_loop3A_150, %parallel_loop3A_151] {strides = array<i32>} : memref<32x256xi32, #tpu.memory_space<vmem>>, vector<16xi32>,
      %parallel_loop3A_153 = tpu.vector_load_idx %arg5[%parallel_loop3A_93, %parallel_loop3A_152] : memref<32x1024xf32, #tpu.memory_space<vmem>>[vector<16xi32>, vector<16xi32>], vector<16xf32>,
      %parallel_loop3A_154 = arith.index_cast %parallel_loop3A_92 : i32 to index
      %parallel_loop3A_155 = arith.constant 128 : index
      %parallel_loop3A_156 = tpu.vector_load %arg9[%parallel_loop3A_154, %parallel_loop3A_155] {strides = array<i32>} : memref<32x256xf32, #tpu.memory_space<vmem>>, vector<16xf32>,
      tpu.vector_store %arg9[%parallel_loop3A_154, %parallel_loop3A_155], %parallel_loop3A_153 {strides = array<i32>} : memref<32x256xf32, #tpu.memory_space<vmem>>, vector<16xf32>,
      %parallel_loop3A_157 = arith.index_cast %parallel_loop3A_92 : i32 to index
      %parallel_loop3A_158 = arith.constant 144 : index
      %parallel_loop3A_159 = tpu.vector_load %arg7[%parallel_loop3A_157, %parallel_loop3A_158] {strides = array<i32>} : memref<32x256xi32, #tpu.memory_space<vmem>>, vector<16xi32>,
      %parallel_loop3A_160 = tpu.vector_load_idx %arg5[%parallel_loop3A_93, %parallel_loop3A_159] : memref<32x1024xf32, #tpu.memory_space<vmem>>[vector<16xi32>, vector<16xi32>], vector<16xf32>,
      %parallel_loop3A_161 = arith.index_cast %parallel_loop3A_92 : i32 to index
      %parallel_loop3A_162 = arith.constant 144 : index
      %parallel_loop3A_163 = tpu.vector_load %arg9[%parallel_loop3A_161, %parallel_loop3A_162] {strides = array<i32>} : memref<32x256xf32, #tpu.memory_space<vmem>>, vector<16xf32>,
      tpu.vector_store %arg9[%parallel_loop3A_161, %parallel_loop3A_162], %parallel_loop3A_160 {strides = array<i32>} : memref<32x256xf32, #tpu.memory_space<vmem>>, vector<16xf32>,
      %parallel_loop3A_164 = arith.index_cast %parallel_loop3A_92 : i32 to index
      %parallel_loop3A_165 = arith.constant 160 : index
      %parallel_loop3A_166 = tpu.vector_load %arg7[%parallel_loop3A_164, %parallel_loop3A_165] {strides = array<i32>} : memref<32x256xi32, #tpu.memory_space<vmem>>, vector<16xi32>,
      %parallel_loop3A_167 = tpu.vector_load_idx %arg5[%parallel_loop3A_93, %parallel_loop3A_166] : memref<32x1024xf32, #tpu.memory_space<vmem>>[vector<16xi32>, vector<16xi32>], vector<16xf32>,
      %parallel_loop3A_168 = arith.index_cast %parallel_loop3A_92 : i32 to index
      %parallel_loop3A_169 = arith.constant 160 : index
      %parallel_loop3A_170 = tpu.vector_load %arg9[%parallel_loop3A_168, %parallel_loop3A_169] {strides = array<i32>} : memref<32x256xf32, #tpu.memory_space<vmem>>, vector<16xf32>,
      tpu.vector_store %arg9[%parallel_loop3A_168, %parallel_loop3A_169], %parallel_loop3A_167 {strides = array<i32>} : memref<32x256xf32, #tpu.memory_space<vmem>>, vector<16xf32>,
      %parallel_loop3A_171 = arith.index_cast %parallel_loop3A_92 : i32 to index
      %parallel_loop3A_172 = arith.constant 176 : index
      %parallel_loop3A_173 = tpu.vector_load %arg7[%parallel_loop3A_171, %parallel_loop3A_172] {strides = array<i32>} : memref<32x256xi32, #tpu.memory_space<vmem>>, vector<16xi32>,
      %parallel_loop3A_174 = tpu.vector_load_idx %arg5[%parallel_loop3A_93, %parallel_loop3A_173] : memref<32x1024xf32, #tpu.memory_space<vmem>>[vector<16xi32>, vector<16xi32>], vector<16xf32>,
      %parallel_loop3A_175 = arith.index_cast %parallel_loop3A_92 : i32 to index
      %parallel_loop3A_176 = arith.constant 176 : index
      %parallel_loop3A_177 = tpu.vector_load %arg9[%parallel_loop3A_175, %parallel_loop3A_176] {strides = array<i32>} : memref<32x256xf32, #tpu.memory_space<vmem>>, vector<16xf32>,
      tpu.vector_store %arg9[%parallel_loop3A_175, %parallel_loop3A_176], %parallel_loop3A_174 {strides = array<i32>} : memref<32x256xf32, #tpu.memory_space<vmem>>, vector<16xf32>,
      %parallel_loop3A_178 = arith.index_cast %parallel_loop3A_92 : i32 to index
      %parallel_loop3A_179 = arith.constant 192 : index
      %parallel_loop3A_180 = tpu.vector_load %arg7[%parallel_loop3A_178, %parallel_loop3A_179] {strides = array<i32>} : memref<32x256xi32, #tpu.memory_space<vmem>>, vector<16xi32>,
      %parallel_loop3A_181 = tpu.vector_load_idx %arg5[%parallel_loop3A_93, %parallel_loop3A_180] : memref<32x1024xf32, #tpu.memory_space<vmem>>[vector<16xi32>, vector<16xi32>], vector<16xf32>,
      %parallel_loop3A_182 = arith.index_cast %parallel_loop3A_92 : i32 to index
      %parallel_loop3A_183 = arith.constant 192 : index
      %parallel_loop3A_184 = tpu.vector_load %arg9[%parallel_loop3A_182, %parallel_loop3A_183] {strides = array<i32>} : memref<32x256xf32, #tpu.memory_space<vmem>>, vector<16xf32>,
      tpu.vector_store %arg9[%parallel_loop3A_182, %parallel_loop3A_183], %parallel_loop3A_181 {strides = array<i32>} : memref<32x256xf32, #tpu.memory_space<vmem>>, vector<16xf32>,
      %parallel_loop3A_185 = arith.index_cast %parallel_loop3A_92 : i32 to index
      %parallel_loop3A_186 = arith.constant 208 : index
      %parallel_loop3A_187 = tpu.vector_load %arg7[%parallel_loop3A_185, %parallel_loop3A_186] {strides = array<i32>} : memref<32x256xi32, #tpu.memory_space<vmem>>, vector<16xi32>,
      %parallel_loop3A_188 = tpu.vector_load_idx %arg5[%parallel_loop3A_93, %parallel_loop3A_187] : memref<32x1024xf32, #tpu.memory_space<vmem>>[vector<16xi32>, vector<16xi32>], vector<16xf32>,
      %parallel_loop3A_189 = arith.index_cast %parallel_loop3A_92 : i32 to index
      %parallel_loop3A_190 = arith.constant 208 : index
      %parallel_loop3A_191 = tpu.vector_load %arg9[%parallel_loop3A_189, %parallel_loop3A_190] {strides = array<i32>} : memref<32x256xf32, #tpu.memory_space<vmem>>, vector<16xf32>,
      tpu.vector_store %arg9[%parallel_loop3A_189, %parallel_loop3A_190], %parallel_loop3A_188 {strides = array<i32>} : memref<32x256xf32, #tpu.memory_space<vmem>>, vector<16xf32>,
      %parallel_loop3A_192 = arith.index_cast %parallel_loop3A_92 : i32 to index
      %parallel_loop3A_193 = arith.constant 224 : index
      %parallel_loop3A_194 = tpu.vector_load %arg7[%parallel_loop3A_192, %parallel_loop3A_193] {strides = array<i32>} : memref<32x256xi32, #tpu.memory_space<vmem>>, vector<16xi32>,
      %parallel_loop3A_195 = tpu.vector_load_idx %arg5[%parallel_loop3A_93, %parallel_loop3A_194] : memref<32x1024xf32, #tpu.memory_space<vmem>>[vector<16xi32>, vector<16xi32>], vector<16xf32>,
      %parallel_loop3A_196 = arith.index_cast %parallel_loop3A_92 : i32 to index
      %parallel_loop3A_197 = arith.constant 224 : index
      %parallel_loop3A_198 = tpu.vector_load %arg9[%parallel_loop3A_196, %parallel_loop3A_197] {strides = array<i32>} : memref<32x256xf32, #tpu.memory_space<vmem>>, vector<16xf32>,
      tpu.vector_store %arg9[%parallel_loop3A_196, %parallel_loop3A_197], %parallel_loop3A_195 {strides = array<i32>} : memref<32x256xf32, #tpu.memory_space<vmem>>, vector<16xf32>,
      %parallel_loop3A_199 = arith.index_cast %parallel_loop3A_92 : i32 to index
      %parallel_loop3A_200 = arith.constant 240 : index
      %parallel_loop3A_201 = tpu.vector_load %arg7[%parallel_loop3A_199, %parallel_loop3A_200] {strides = array<i32>} : memref<32x256xi32, #tpu.memory_space<vmem>>, vector<16xi32>,
      %parallel_loop3A_202 = tpu.vector_load_idx %arg5[%parallel_loop3A_93, %parallel_loop3A_201] : memref<32x1024xf32, #tpu.memory_space<vmem>>[vector<16xi32>, vector<16xi32>], vector<16xf32>,
      %parallel_loop3A_203 = arith.index_cast %parallel_loop3A_92 : i32 to index
      %parallel_loop3A_204 = arith.constant 240 : index
      %parallel_loop3A_205 = tpu.vector_load %arg9[%parallel_loop3A_203, %parallel_loop3A_204] {strides = array<i32>} : memref<32x256xf32, #tpu.memory_space<vmem>>, vector<16xf32>,
      tpu.vector_store %arg9[%parallel_loop3A_203, %parallel_loop3A_204], %parallel_loop3A_202 {strides = array<i32>} : memref<32x256xf32, #tpu.memory_space<vmem>>, vector<16xf32>,
    } {sc.loop_unroll_factor = 1 : i64, sc.parallel_access}
    %add3A_77 = arith.constant 64 : i32
    %add3A_78 = arith.addi %mul3A_2, %add3A_77 : i32
    "tpu.region"() ({
      %run_scoped3A = tpu.sem_alloc : memref<!tpu.dma_semaphore, #tpu.memory_space<semaphore_mem>>
      %dma_start3A_92 = arith.constant 0 : i32
      %dma_start3A_93 = tpu.memref_slice %arg4[%add3A_78, %dma_start3A_92] : memref<4096x256xf32, #tpu.memory_space<hbm>> -> memref<32x256xf32, #tpu.memory_space<hbm>>
      %dma_start3A_94 = arith.constant 0 : i32
      %dma_start3A_95 = tpu.memref_slice %arg4[%add3A_78, %dma_start3A_94] : memref<4096x256xf32, #tpu.memory_space<hbm>> -> memref<32x256xf32, #tpu.memory_space<hbm>>
      tpu.enqueue_dma source(%arg9 : memref<32x256xf32, #tpu.memory_space<vmem>>) target(%dma_start3A_95 : memref<32x256xf32, #tpu.memory_space<hbm>>) target_semaphore(%run_scoped3A : memref<!tpu.dma_semaphore, #tpu.memory_space<semaphore_mem>>)
      %dma_wait3A_96 = arith.constant 0 : i32
      %dma_wait3A_97 = tpu.memref_slice %arg4[%add3A_78, %dma_wait3A_96] : memref<4096x256xf32, #tpu.memory_space<hbm>> -> memref<32x256xf32, #tpu.memory_space<hbm>>
      %dma_wait3A_98 = arith.constant 0 : i32
      %dma_wait3A_99 = tpu.memref_slice %arg4[%add3A_78, %dma_wait3A_98] : memref<4096x256xf32, #tpu.memory_space<hbm>> -> memref<32x256xf32, #tpu.memory_space<hbm>>
      tpu.wait_dma2 semaphore(%run_scoped3A : memref<!tpu.dma_semaphore, #tpu.memory_space<semaphore_mem>>) src(%arg9 : memref<32x256xf32, #tpu.memory_space<vmem>>) dst(%dma_wait3A_99 : memref<32x256xf32, #tpu.memory_space<hbm>>)
      tpu.yield
    }) : () -> ()
    %dma_wait3A_79 = arith.constant 0 : i32
    %dma_wait3A_80 = tpu.memref_slice %arg2[%add3A_65, %dma_wait3A_79] : memref<4096x1024xf32, #tpu.memory_space<hbm>> -> memref<32x1024xf32, #tpu.memory_space<hbm>>
    %dma_wait3A_81 = arith.constant 0 : i32
    %dma_wait3A_82 = tpu.memref_slice %arg2[%add3A_65, %dma_wait3A_81] : memref<4096x1024xf32, #tpu.memory_space<hbm>> -> memref<32x1024xf32, #tpu.memory_space<hbm>>
    tpu.wait_dma2 semaphore(%arg11 : memref<!tpu.dma_semaphore, #tpu.memory_space<semaphore_mem>>) src(%dma_wait3A_82 : memref<32x1024xf32, #tpu.memory_space<hbm>>) dst(%arg6 : memref<32x1024xf32, #tpu.memory_space<vmem>>)
    %dma_wait3A_83 = arith.constant 0 : i32
    %dma_wait3A_84 = tpu.memref_slice %arg3[%add3A_65, %dma_wait3A_83] : memref<4096x256xi32, #tpu.memory_space<hbm>> -> memref<32x256xi32, #tpu.memory_space<hbm>>
    %dma_wait3A_85 = arith.constant 0 : i32
    %dma_wait3A_86 = tpu.memref_slice %arg3[%add3A_65, %dma_wait3A_85] : memref<4096x256xi32, #tpu.memory_space<hbm>> -> memref<32x256xi32, #tpu.memory_space<hbm>>
    tpu.wait_dma2 semaphore(%arg13 : memref<!tpu.dma_semaphore, #tpu.memory_space<semaphore_mem>>) src(%dma_wait3A_86 : memref<32x256xi32, #tpu.memory_space<hbm>>) dst(%arg8 : memref<32x256xi32, #tpu.memory_space<vmem>>)
    %parallel_loop3A_87 = arith.constant 0 : i32
    %parallel_loop3A_88 = arith.constant 32 : i32
    %parallel_loop3A_89 = arith.constant 1 : i32
    scf.for %parallel_loop3A_92 = %parallel_loop3A_87 to %parallel_loop3A_88 step %parallel_loop3A_89  : i32 {
      %parallel_loop3A_93 = vector.broadcast %parallel_loop3A_92 : i32 to vector<16xi32>
      %parallel_loop3A_94 = arith.index_cast %parallel_loop3A_92 : i32 to index
      %parallel_loop3A_95 = arith.constant 0 : index
      %parallel_loop3A_96 = tpu.vector_load %arg8[%parallel_loop3A_94, %parallel_loop3A_95] {strides = array<i32>} : memref<32x256xi32, #tpu.memory_space<vmem>>, vector<16xi32>,
      %parallel_loop3A_97 = tpu.vector_load_idx %arg6[%parallel_loop3A_93, %parallel_loop3A_96] : memref<32x1024xf32, #tpu.memory_space<vmem>>[vector<16xi32>, vector<16xi32>], vector<16xf32>,
      %parallel_loop3A_98 = arith.index_cast %parallel_loop3A_92 : i32 to index
      %parallel_loop3A_99 = arith.constant 0 : index
      %parallel_loop3A_100 = tpu.vector_load %arg9[%parallel_loop3A_98, %parallel_loop3A_99] {strides = array<i32>} : memref<32x256xf32, #tpu.memory_space<vmem>>, vector<16xf32>,
      tpu.vector_store %arg9[%parallel_loop3A_98, %parallel_loop3A_99], %parallel_loop3A_97 {strides = array<i32>} : memref<32x256xf32, #tpu.memory_space<vmem>>, vector<16xf32>,
      %parallel_loop3A_101 = arith.index_cast %parallel_loop3A_92 : i32 to index
      %parallel_loop3A_102 = arith.constant 16 : index
      %parallel_loop3A_103 = tpu.vector_load %arg8[%parallel_loop3A_101, %parallel_loop3A_102] {strides = array<i32>} : memref<32x256xi32, #tpu.memory_space<vmem>>, vector<16xi32>,
      %parallel_loop3A_104 = tpu.vector_load_idx %arg6[%parallel_loop3A_93, %parallel_loop3A_103] : memref<32x1024xf32, #tpu.memory_space<vmem>>[vector<16xi32>, vector<16xi32>], vector<16xf32>,
      %parallel_loop3A_105 = arith.index_cast %parallel_loop3A_92 : i32 to index
      %parallel_loop3A_106 = arith.constant 16 : index
      %parallel_loop3A_107 = tpu.vector_load %arg9[%parallel_loop3A_105, %parallel_loop3A_106] {strides = array<i32>} : memref<32x256xf32, #tpu.memory_space<vmem>>, vector<16xf32>,
      tpu.vector_store %arg9[%parallel_loop3A_105, %parallel_loop3A_106], %parallel_loop3A_104 {strides = array<i32>} : memref<32x256xf32, #tpu.memory_space<vmem>>, vector<16xf32>,
      %parallel_loop3A_108 = arith.index_cast %parallel_loop3A_92 : i32 to index
      %parallel_loop3A_109 = arith.constant 32 : index
      %parallel_loop3A_110 = tpu.vector_load %arg8[%parallel_loop3A_108, %parallel_loop3A_109] {strides = array<i32>} : memref<32x256xi32, #tpu.memory_space<vmem>>, vector<16xi32>,
      %parallel_loop3A_111 = tpu.vector_load_idx %arg6[%parallel_loop3A_93, %parallel_loop3A_110] : memref<32x1024xf32, #tpu.memory_space<vmem>>[vector<16xi32>, vector<16xi32>], vector<16xf32>,
      %parallel_loop3A_112 = arith.index_cast %parallel_loop3A_92 : i32 to index
      %parallel_loop3A_113 = arith.constant 32 : index
      %parallel_loop3A_114 = tpu.vector_load %arg9[%parallel_loop3A_112, %parallel_loop3A_113] {strides = array<i32>} : memref<32x256xf32, #tpu.memory_space<vmem>>, vector<16xf32>,
      tpu.vector_store %arg9[%parallel_loop3A_112, %parallel_loop3A_113], %parallel_loop3A_111 {strides = array<i32>} : memref<32x256xf32, #tpu.memory_space<vmem>>, vector<16xf32>,
      %parallel_loop3A_115 = arith.index_cast %parallel_loop3A_92 : i32 to index
      %parallel_loop3A_116 = arith.constant 48 : index
      %parallel_loop3A_117 = tpu.vector_load %arg8[%parallel_loop3A_115, %parallel_loop3A_116] {strides = array<i32>} : memref<32x256xi32, #tpu.memory_space<vmem>>, vector<16xi32>,
      %parallel_loop3A_118 = tpu.vector_load_idx %arg6[%parallel_loop3A_93, %parallel_loop3A_117] : memref<32x1024xf32, #tpu.memory_space<vmem>>[vector<16xi32>, vector<16xi32>], vector<16xf32>,
      %parallel_loop3A_119 = arith.index_cast %parallel_loop3A_92 : i32 to index
      %parallel_loop3A_120 = arith.constant 48 : index
      %parallel_loop3A_121 = tpu.vector_load %arg9[%parallel_loop3A_119, %parallel_loop3A_120] {strides = array<i32>} : memref<32x256xf32, #tpu.memory_space<vmem>>, vector<16xf32>,
      tpu.vector_store %arg9[%parallel_loop3A_119, %parallel_loop3A_120], %parallel_loop3A_118 {strides = array<i32>} : memref<32x256xf32, #tpu.memory_space<vmem>>, vector<16xf32>,
      %parallel_loop3A_122 = arith.index_cast %parallel_loop3A_92 : i32 to index
      %parallel_loop3A_123 = arith.constant 64 : index
      %parallel_loop3A_124 = tpu.vector_load %arg8[%parallel_loop3A_122, %parallel_loop3A_123] {strides = array<i32>} : memref<32x256xi32, #tpu.memory_space<vmem>>, vector<16xi32>,
      %parallel_loop3A_125 = tpu.vector_load_idx %arg6[%parallel_loop3A_93, %parallel_loop3A_124] : memref<32x1024xf32, #tpu.memory_space<vmem>>[vector<16xi32>, vector<16xi32>], vector<16xf32>,
      %parallel_loop3A_126 = arith.index_cast %parallel_loop3A_92 : i32 to index
      %parallel_loop3A_127 = arith.constant 64 : index
      %parallel_loop3A_128 = tpu.vector_load %arg9[%parallel_loop3A_126, %parallel_loop3A_127] {strides = array<i32>} : memref<32x256xf32, #tpu.memory_space<vmem>>, vector<16xf32>,
      tpu.vector_store %arg9[%parallel_loop3A_126, %parallel_loop3A_127], %parallel_loop3A_125 {strides = array<i32>} : memref<32x256xf32, #tpu.memory_space<vmem>>, vector<16xf32>,
      %parallel_loop3A_129 = arith.index_cast %parallel_loop3A_92 : i32 to index
      %parallel_loop3A_130 = arith.constant 80 : index
      %parallel_loop3A_131 = tpu.vector_load %arg8[%parallel_loop3A_129, %parallel_loop3A_130] {strides = array<i32>} : memref<32x256xi32, #tpu.memory_space<vmem>>, vector<16xi32>,
      %parallel_loop3A_132 = tpu.vector_load_idx %arg6[%parallel_loop3A_93, %parallel_loop3A_131] : memref<32x1024xf32, #tpu.memory_space<vmem>>[vector<16xi32>, vector<16xi32>], vector<16xf32>,
      %parallel_loop3A_133 = arith.index_cast %parallel_loop3A_92 : i32 to index
      %parallel_loop3A_134 = arith.constant 80 : index
      %parallel_loop3A_135 = tpu.vector_load %arg9[%parallel_loop3A_133, %parallel_loop3A_134] {strides = array<i32>} : memref<32x256xf32, #tpu.memory_space<vmem>>, vector<16xf32>,
      tpu.vector_store %arg9[%parallel_loop3A_133, %parallel_loop3A_134], %parallel_loop3A_132 {strides = array<i32>} : memref<32x256xf32, #tpu.memory_space<vmem>>, vector<16xf32>,
      %parallel_loop3A_136 = arith.index_cast %parallel_loop3A_92 : i32 to index
      %parallel_loop3A_137 = arith.constant 96 : index
      %parallel_loop3A_138 = tpu.vector_load %arg8[%parallel_loop3A_136, %parallel_loop3A_137] {strides = array<i32>} : memref<32x256xi32, #tpu.memory_space<vmem>>, vector<16xi32>,
      %parallel_loop3A_139 = tpu.vector_load_idx %arg6[%parallel_loop3A_93, %parallel_loop3A_138] : memref<32x1024xf32, #tpu.memory_space<vmem>>[vector<16xi32>, vector<16xi32>], vector<16xf32>,
      %parallel_loop3A_140 = arith.index_cast %parallel_loop3A_92 : i32 to index
      %parallel_loop3A_141 = arith.constant 96 : index
      %parallel_loop3A_142 = tpu.vector_load %arg9[%parallel_loop3A_140, %parallel_loop3A_141] {strides = array<i32>} : memref<32x256xf32, #tpu.memory_space<vmem>>, vector<16xf32>,
      tpu.vector_store %arg9[%parallel_loop3A_140, %parallel_loop3A_141], %parallel_loop3A_139 {strides = array<i32>} : memref<32x256xf32, #tpu.memory_space<vmem>>, vector<16xf32>,
      %parallel_loop3A_143 = arith.index_cast %parallel_loop3A_92 : i32 to index
      %parallel_loop3A_144 = arith.constant 112 : index
      %parallel_loop3A_145 = tpu.vector_load %arg8[%parallel_loop3A_143, %parallel_loop3A_144] {strides = array<i32>} : memref<32x256xi32, #tpu.memory_space<vmem>>, vector<16xi32>,
      %parallel_loop3A_146 = tpu.vector_load_idx %arg6[%parallel_loop3A_93, %parallel_loop3A_145] : memref<32x1024xf32, #tpu.memory_space<vmem>>[vector<16xi32>, vector<16xi32>], vector<16xf32>,
      %parallel_loop3A_147 = arith.index_cast %parallel_loop3A_92 : i32 to index
      %parallel_loop3A_148 = arith.constant 112 : index
      %parallel_loop3A_149 = tpu.vector_load %arg9[%parallel_loop3A_147, %parallel_loop3A_148] {strides = array<i32>} : memref<32x256xf32, #tpu.memory_space<vmem>>, vector<16xf32>,
      tpu.vector_store %arg9[%parallel_loop3A_147, %parallel_loop3A_148], %parallel_loop3A_146 {strides = array<i32>} : memref<32x256xf32, #tpu.memory_space<vmem>>, vector<16xf32>,
      %parallel_loop3A_150 = arith.index_cast %parallel_loop3A_92 : i32 to index
      %parallel_loop3A_151 = arith.constant 128 : index
      %parallel_loop3A_152 = tpu.vector_load %arg8[%parallel_loop3A_150, %parallel_loop3A_151] {strides = array<i32>} : memref<32x256xi32, #tpu.memory_space<vmem>>, vector<16xi32>,
      %parallel_loop3A_153 = tpu.vector_load_idx %arg6[%parallel_loop3A_93, %parallel_loop3A_152] : memref<32x1024xf32, #tpu.memory_space<vmem>>[vector<16xi32>, vector<16xi32>], vector<16xf32>,
      %parallel_loop3A_154 = arith.index_cast %parallel_loop3A_92 : i32 to index
      %parallel_loop3A_155 = arith.constant 128 : index
      %parallel_loop3A_156 = tpu.vector_load %arg9[%parallel_loop3A_154, %parallel_loop3A_155] {strides = array<i32>} : memref<32x256xf32, #tpu.memory_space<vmem>>, vector<16xf32>,
      tpu.vector_store %arg9[%parallel_loop3A_154, %parallel_loop3A_155], %parallel_loop3A_153 {strides = array<i32>} : memref<32x256xf32, #tpu.memory_space<vmem>>, vector<16xf32>,
      %parallel_loop3A_157 = arith.index_cast %parallel_loop3A_92 : i32 to index
      %parallel_loop3A_158 = arith.constant 144 : index
      %parallel_loop3A_159 = tpu.vector_load %arg8[%parallel_loop3A_157, %parallel_loop3A_158] {strides = array<i32>} : memref<32x256xi32, #tpu.memory_space<vmem>>, vector<16xi32>,
      %parallel_loop3A_160 = tpu.vector_load_idx %arg6[%parallel_loop3A_93, %parallel_loop3A_159] : memref<32x1024xf32, #tpu.memory_space<vmem>>[vector<16xi32>, vector<16xi32>], vector<16xf32>,
      %parallel_loop3A_161 = arith.index_cast %parallel_loop3A_92 : i32 to index
      %parallel_loop3A_162 = arith.constant 144 : index
      %parallel_loop3A_163 = tpu.vector_load %arg9[%parallel_loop3A_161, %parallel_loop3A_162] {strides = array<i32>} : memref<32x256xf32, #tpu.memory_space<vmem>>, vector<16xf32>,
      tpu.vector_store %arg9[%parallel_loop3A_161, %parallel_loop3A_162], %parallel_loop3A_160 {strides = array<i32>} : memref<32x256xf32, #tpu.memory_space<vmem>>, vector<16xf32>,
      %parallel_loop3A_164 = arith.index_cast %parallel_loop3A_92 : i32 to index
      %parallel_loop3A_165 = arith.constant 160 : index
      %parallel_loop3A_166 = tpu.vector_load %arg8[%parallel_loop3A_164, %parallel_loop3A_165] {strides = array<i32>} : memref<32x256xi32, #tpu.memory_space<vmem>>, vector<16xi32>,
      %parallel_loop3A_167 = tpu.vector_load_idx %arg6[%parallel_loop3A_93, %parallel_loop3A_166] : memref<32x1024xf32, #tpu.memory_space<vmem>>[vector<16xi32>, vector<16xi32>], vector<16xf32>,
      %parallel_loop3A_168 = arith.index_cast %parallel_loop3A_92 : i32 to index
      %parallel_loop3A_169 = arith.constant 160 : index
      %parallel_loop3A_170 = tpu.vector_load %arg9[%parallel_loop3A_168, %parallel_loop3A_169] {strides = array<i32>} : memref<32x256xf32, #tpu.memory_space<vmem>>, vector<16xf32>,
      tpu.vector_store %arg9[%parallel_loop3A_168, %parallel_loop3A_169], %parallel_loop3A_167 {strides = array<i32>} : memref<32x256xf32, #tpu.memory_space<vmem>>, vector<16xf32>,
      %parallel_loop3A_171 = arith.index_cast %parallel_loop3A_92 : i32 to index
      %parallel_loop3A_172 = arith.constant 176 : index
      %parallel_loop3A_173 = tpu.vector_load %arg8[%parallel_loop3A_171, %parallel_loop3A_172] {strides = array<i32>} : memref<32x256xi32, #tpu.memory_space<vmem>>, vector<16xi32>,
      %parallel_loop3A_174 = tpu.vector_load_idx %arg6[%parallel_loop3A_93, %parallel_loop3A_173] : memref<32x1024xf32, #tpu.memory_space<vmem>>[vector<16xi32>, vector<16xi32>], vector<16xf32>,
      %parallel_loop3A_175 = arith.index_cast %parallel_loop3A_92 : i32 to index
      %parallel_loop3A_176 = arith.constant 176 : index
      %parallel_loop3A_177 = tpu.vector_load %arg9[%parallel_loop3A_175, %parallel_loop3A_176] {strides = array<i32>} : memref<32x256xf32, #tpu.memory_space<vmem>>, vector<16xf32>,
      tpu.vector_store %arg9[%parallel_loop3A_175, %parallel_loop3A_176], %parallel_loop3A_174 {strides = array<i32>} : memref<32x256xf32, #tpu.memory_space<vmem>>, vector<16xf32>,
      %parallel_loop3A_178 = arith.index_cast %parallel_loop3A_92 : i32 to index
      %parallel_loop3A_179 = arith.constant 192 : index
      %parallel_loop3A_180 = tpu.vector_load %arg8[%parallel_loop3A_178, %parallel_loop3A_179] {strides = array<i32>} : memref<32x256xi32, #tpu.memory_space<vmem>>, vector<16xi32>,
      %parallel_loop3A_181 = tpu.vector_load_idx %arg6[%parallel_loop3A_93, %parallel_loop3A_180] : memref<32x1024xf32, #tpu.memory_space<vmem>>[vector<16xi32>, vector<16xi32>], vector<16xf32>,
      %parallel_loop3A_182 = arith.index_cast %parallel_loop3A_92 : i32 to index
      %parallel_loop3A_183 = arith.constant 192 : index
      %parallel_loop3A_184 = tpu.vector_load %arg9[%parallel_loop3A_182, %parallel_loop3A_183] {strides = array<i32>} : memref<32x256xf32, #tpu.memory_space<vmem>>, vector<16xf32>,
      tpu.vector_store %arg9[%parallel_loop3A_182, %parallel_loop3A_183], %parallel_loop3A_181 {strides = array<i32>} : memref<32x256xf32, #tpu.memory_space<vmem>>, vector<16xf32>,
      %parallel_loop3A_185 = arith.index_cast %parallel_loop3A_92 : i32 to index
      %parallel_loop3A_186 = arith.constant 208 : index
      %parallel_loop3A_187 = tpu.vector_load %arg8[%parallel_loop3A_185, %parallel_loop3A_186] {strides = array<i32>} : memref<32x256xi32, #tpu.memory_space<vmem>>, vector<16xi32>,
      %parallel_loop3A_188 = tpu.vector_load_idx %arg6[%parallel_loop3A_93, %parallel_loop3A_187] : memref<32x1024xf32, #tpu.memory_space<vmem>>[vector<16xi32>, vector<16xi32>], vector<16xf32>,
      %parallel_loop3A_189 = arith.index_cast %parallel_loop3A_92 : i32 to index
      %parallel_loop3A_190 = arith.constant 208 : index
      %parallel_loop3A_191 = tpu.vector_load %arg9[%parallel_loop3A_189, %parallel_loop3A_190] {strides = array<i32>} : memref<32x256xf32, #tpu.memory_space<vmem>>, vector<16xf32>,
      tpu.vector_store %arg9[%parallel_loop3A_189, %parallel_loop3A_190], %parallel_loop3A_188 {strides = array<i32>} : memref<32x256xf32, #tpu.memory_space<vmem>>, vector<16xf32>,
      %parallel_loop3A_192 = arith.index_cast %parallel_loop3A_92 : i32 to index
      %parallel_loop3A_193 = arith.constant 224 : index
      %parallel_loop3A_194 = tpu.vector_load %arg8[%parallel_loop3A_192, %parallel_loop3A_193] {strides = array<i32>} : memref<32x256xi32, #tpu.memory_space<vmem>>, vector<16xi32>,
      %parallel_loop3A_195 = tpu.vector_load_idx %arg6[%parallel_loop3A_93, %parallel_loop3A_194] : memref<32x1024xf32, #tpu.memory_space<vmem>>[vector<16xi32>, vector<16xi32>], vector<16xf32>,
      %parallel_loop3A_196 = arith.index_cast %parallel_loop3A_92 : i32 to index
      %parallel_loop3A_197 = arith.constant 224 : index
      %parallel_loop3A_198 = tpu.vector_load %arg9[%parallel_loop3A_196, %parallel_loop3A_197] {strides = array<i32>} : memref<32x256xf32, #tpu.memory_space<vmem>>, vector<16xf32>,
      tpu.vector_store %arg9[%parallel_loop3A_196, %parallel_loop3A_197], %parallel_loop3A_195 {strides = array<i32>} : memref<32x256xf32, #tpu.memory_space<vmem>>, vector<16xf32>,
      %parallel_loop3A_199 = arith.index_cast %parallel_loop3A_92 : i32 to index
      %parallel_loop3A_200 = arith.constant 240 : index
      %parallel_loop3A_201 = tpu.vector_load %arg8[%parallel_loop3A_199, %parallel_loop3A_200] {strides = array<i32>} : memref<32x256xi32, #tpu.memory_space<vmem>>, vector<16xi32>,
      %parallel_loop3A_202 = tpu.vector_load_idx %arg6[%parallel_loop3A_93, %parallel_loop3A_201] : memref<32x1024xf32, #tpu.memory_space<vmem>>[vector<16xi32>, vector<16xi32>], vector<16xf32>,
      %parallel_loop3A_203 = arith.index_cast %parallel_loop3A_92 : i32 to index
      %parallel_loop3A_204 = arith.constant 240 : index
      %parallel_loop3A_205 = tpu.vector_load %arg9[%parallel_loop3A_203, %parallel_loop3A_204] {strides = array<i32>} : memref<32x256xf32, #tpu.memory_space<vmem>>, vector<16xf32>,
      tpu.vector_store %arg9[%parallel_loop3A_203, %parallel_loop3A_204], %parallel_loop3A_202 {strides = array<i32>} : memref<32x256xf32, #tpu.memory_space<vmem>>, vector<16xf32>,
    } {sc.loop_unroll_factor = 1 : i64, sc.parallel_access}
    %add3A_90 = arith.constant 96 : i32
    %add3A_91 = arith.addi %mul3A_2, %add3A_90 : i32
    "tpu.region"() ({
      %run_scoped3A = tpu.sem_alloc : memref<!tpu.dma_semaphore, #tpu.memory_space<semaphore_mem>>
      %dma_start3A_92 = arith.constant 0 : i32
      %dma_start3A_93 = tpu.memref_slice %arg4[%add3A_91, %dma_start3A_92] : memref<4096x256xf32, #tpu.memory_space<hbm>> -> memref<32x256xf32, #tpu.memory_space<hbm>>
      %dma_start3A_94 = arith.constant 0 : i32
      %dma_start3A_95 = tpu.memref_slice %arg4[%add3A_91, %dma_start3A_94] : memref<4096x256xf32, #tpu.memory_space<hbm>> -> memref<32x256xf32, #tpu.memory_space<hbm>>
      tpu.enqueue_dma source(%arg9 : memref<32x256xf32, #tpu.memory_space<vmem>>) target(%dma_start3A_95 : memref<32x256xf32, #tpu.memory_space<hbm>>) target_semaphore(%run_scoped3A : memref<!tpu.dma_semaphore, #tpu.memory_space<semaphore_mem>>)
      %dma_wait3A_96 = arith.constant 0 : i32
      %dma_wait3A_97 = tpu.memref_slice %arg4[%add3A_91, %dma_wait3A_96] : memref<4096x256xf32, #tpu.memory_space<hbm>> -> memref<32x256xf32, #tpu.memory_space<hbm>>
      %dma_wait3A_98 = arith.constant 0 : i32
      %dma_wait3A_99 = tpu.memref_slice %arg4[%add3A_91, %dma_wait3A_98] : memref<4096x256xf32, #tpu.memory_space<hbm>> -> memref<32x256xf32, #tpu.memory_space<hbm>>
      tpu.wait_dma2 semaphore(%run_scoped3A : memref<!tpu.dma_semaphore, #tpu.memory_space<semaphore_mem>>) src(%arg9 : memref<32x256xf32, #tpu.memory_space<vmem>>) dst(%dma_wait3A_99 : memref<32x256xf32, #tpu.memory_space<hbm>>)
      tpu.yield
    }) : () -> ()
    return
  }
}

module attributes {stable_mosaic.version = 14 : i64} {
  func.func @_matmul_body(%arg0: i32, %arg1: memref<2048x128xf32, #tpu.memory_space<vmem>>, %arg2: memref<1024x128xf32, #tpu.memory_space<vmem>>, %arg3: memref<1x1024xf32, #tpu.memory_space<vmem>>, %arg4: memref<2048x1024xf32, #tpu.memory_space<vmem>>) attributes {dimension_semantics = [#tpu.dimension_semantics<arbitrary>], iteration_bounds = array<i64: 2>, scalar_prefetch = 0 : i64, scratch_operands = 0 : i64, tpu.core_type = #tpu.core_type<tc>, window_params = [{transform_indices = @transform_0, window_bounds = array<i64: 2048, 128>}, {transform_indices = @transform_1, window_bounds = array<i64: 1024, 128>}, {transform_indices = @transform_2, window_bounds = array<i64: 1, 1024>}, {transform_indices = @transform_3, window_bounds = array<i64: 2048, 1024>}]} {
    %get3A = arith.constant 0 : index
    %get3A_0 = arith.constant 0 : index
    %get3A_1 = vector.load %arg1[%get3A, %get3A_0] : memref<2048x128xf32, #tpu.memory_space<vmem>>, vector<2048x128xf32>
    %get3A_2 = arith.constant 0 : index
    %get3A_3 = arith.constant 0 : index
    %get3A_4 = vector.load %arg2[%get3A_2, %get3A_3] : memref<1024x128xf32, #tpu.memory_space<vmem>>, vector<1024x128xf32>
    %dot_general3A = arith.constant dense<0.000000e+00> : vector<2048x1024xf32>
    %dot_general3A_5 = tpu.matmul %get3A_1, %get3A_4, %dot_general3A {dimension_numbers = #tpu.dot_dimension_numbers<[1], [1], [0], [0], [0, 0, 1, 0], [], []>, transpose_lhs_hint = false} : vector<2048x128xf32>, vector<1024x128xf32>, vector<2048x1024xf32> -> vector<2048x1024xf32>
    %get3A_6 = arith.constant 0 : index
    %get3A_7 = arith.constant 0 : index
    %get3A_8 = vector.load %arg3[%get3A_6, %get3A_7] : memref<1x1024xf32, #tpu.memory_space<vmem>>, vector<1x1024xf32>
    %add3A = vector.broadcast %get3A_8 : vector<1x1024xf32> to vector<2048x1024xf32>
    %add3A_9 = arith.addf %dot_general3A_5, %add3A : vector<2048x1024xf32>
    %swap3A = arith.constant 0 : index
    %swap3A_10 = arith.constant 0 : index
    %swap3A_11 = vector.load %arg4[%swap3A, %swap3A_10] : memref<2048x1024xf32, #tpu.memory_space<vmem>>, vector<2048x1024xf32>
    tpu.vector_store %arg4[%swap3A, %swap3A_10], %add3A_9 {strides = array<i32>} : memref<2048x1024xf32, #tpu.memory_space<vmem>>, vector<2048x1024xf32>,
    return
  }
  func.func @transform_0(%arg0: i32) -> (i32, i32) {
    %c0_i32 = arith.constant 0 : i32
    %c0_i32_0 = arith.constant 0 : i32
    return %arg0, %c0_i32 : i32, i32
  }
  func.func @transform_1(%arg0: i32) -> (i32, i32) {
    %c0_i32 = arith.constant 0 : i32
    %c0_i32_0 = arith.constant 0 : i32
    %c0_i32_1 = arith.constant 0 : i32
    return %c0_i32, %c0_i32_0 : i32, i32
  }
  func.func @transform_2(%arg0: i32) -> (i32, i32) {
    %c0_i32 = arith.constant 0 : i32
    %c0_i32_0 = arith.constant 0 : i32
    %c0_i32_1 = arith.constant 0 : i32
    return %c0_i32, %c0_i32_0 : i32, i32
  }
  func.func @transform_3(%arg0: i32) -> (i32, i32) {
    %c0_i32 = arith.constant 0 : i32
    %c0_i32_0 = arith.constant 0 : i32
    return %arg0, %c0_i32 : i32, i32
  }
}

module attributes {stable_mosaic.version = 14 : i64} {
  func.func @_loss_body(%arg0: memref<4096x256xf32, #tpu.memory_space<vmem>>, %arg1: memref<1x1xf32, #tpu.memory_space<vmem>>) attributes {dimension_semantics = [], scalar_prefetch = 0 : i64, scratch_operands = 0 : i64, tpu.core_type = #tpu.core_type<tc>} {
    %get3A = arith.constant 0 : index
    %get3A_0 = arith.constant 0 : index
    %get3A_1 = vector.load %arg0[%get3A, %get3A_0] : memref<4096x256xf32, #tpu.memory_space<vmem>>, vector<4096x256xf32>
    %reduce_max3A = arith.constant dense<0xFF800000> : vector<4096xf32>
    %reduce_max3A_2 = vector.multi_reduction <maximumf>, %get3A_1, %reduce_max3A [1] : vector<4096x256xf32> to vector<4096xf32>
    %broadcast_in_dim3A = vector.shape_cast %reduce_max3A_2 : vector<4096xf32> to vector<4096x1xf32>
    %sub3A = vector.broadcast %broadcast_in_dim3A : vector<4096x1xf32> to vector<4096x256xf32>
    %sub3A_3 = arith.subf %get3A_1, %sub3A : vector<4096x256xf32>
    %exp3A = math.exp %sub3A_3 : vector<4096x256xf32>
    %reduce_sum3A = arith.constant dense<0.000000e+00> : vector<4096xf32>
    %reduce_sum3A_4 = vector.multi_reduction <add>, %exp3A, %reduce_sum3A [1] : vector<4096x256xf32> to vector<4096xf32>
    %broadcast_in_dim3A_5 = vector.shape_cast %reduce_sum3A_4 : vector<4096xf32> to vector<4096x1xf32>
    %log3A = math.log %broadcast_in_dim3A_5 : vector<4096x1xf32>
    %add3A = arith.addf %log3A, %broadcast_in_dim3A : vector<4096x1xf32>
    %slice3A = vector.extract_strided_slice %get3A_1 {offsets = [0, 0], sizes = [4096, 1], strides = [1, 1]} : vector<4096x256xf32> to vector<4096x1xf32>
    %sub3A_6 = arith.subf %add3A, %slice3A : vector<4096x1xf32>
    %reduce_sum3A_7 = vector.shape_cast %sub3A_6 : vector<4096x1xf32> to vector<1x4096x1xf32>
    %reduce_sum3A_8 = arith.constant dense<0.000000e+00> : vector<1xf32>
    %reduce_sum3A_9 = vector.multi_reduction <add>, %reduce_sum3A_7, %reduce_sum3A_8 [1, 2] : vector<1x4096x1xf32> to vector<1xf32>
    %reduce_sum3A_10 = vector.shape_cast %reduce_sum3A_9 : vector<1xf32> to vector<1x1x1xf32>
    %reduce_sum3A_11 = vector.extract %reduce_sum3A_10[0, 0, 0] : f32 from vector<1x1x1xf32>
    %mul3A = arith.constant 2.44140625E-4 : f32
    %mul3A_12 = arith.mulf %reduce_sum3A_11, %mul3A : f32
    %broadcast_in_dim3A_13 = vector.broadcast %mul3A_12 : f32 to vector<1x1xf32>
    %swap3A = arith.constant 0 : index
    %swap3A_14 = arith.constant 0 : index
    %swap3A_15 = vector.load %arg1[%swap3A, %swap3A_14] : memref<1x1xf32, #tpu.memory_space<vmem>>, vector<1x1xf32>
    tpu.vector_store %arg1[%swap3A, %swap3A_14], %broadcast_in_dim3A_13 {strides = array<i32>} : memref<1x1xf32, #tpu.memory_space<vmem>>, vector<1x1xf32>,
    return
  }
}

</mosaic_0001>

<sc_bundles>
// kernel: kernel.5.cloned.1.call-start
scs
__scs_entry_jumppad:
0x0: {  	(pc) =	sbr.rel $0x88, $3  }
0x1: {  	(tag) =	ssettag $0x0;
	lr =	simm.s32 $0x1  }
0x2: {  	[smem:$0x3F9D] =	sst lr;
	_ =	strace $0xD0000000  }
0x3: {  	_ = 	snop  }
0x4: {  	_ = 	snop  }
0x5: {  	_ = 	snop  }
0x6: {  	_ = 	snop  }
0x7: {  	_ = 	snop  }
__scs_overlays_trampoline_lowered:
0x8: {  	[smem:$0x3FAC] =	sst s0  }
0x9: {  	[smem:$0x3FAD] =	sst s1  }
0xa: {  	[smem:$0x3FAE] =	sst s2  }
0xb: {  	[smem:$0x3FAF] =	sst s3  }
0xc: {  	[smem:$0x3FB0] =	sst s4  }
0xd: {  	[smem:$0x3FB1] =	sst s5  }
0xe: {  	[smem:$0x3FB2] =	sst s6  }
0xf: {  	[smem:$0x3FB3] =	sst s7  }
0x10: {  	[smem:$0x3FB4] =	sst s8  }
0x11: {  	[smem:$0x3FB5] =	sst s9;
	s0 =	simm.s32 @!p0 $0x0  }
0x12: {  	s1 =	sld [smem:$0x3F9B];
	s0 =	simm.s32 @p0 $0x1  }
0x13: {  	[smem:$0x3FB6] =	sst s0;
	s0 =	simm.s32 @!p1 $0x0  }
0x14: {  	s2 =	sld [smem:$0x3F9A];
	s0 =	simm.s32 @p1 $0x1  }
0x15: {  	[smem:$0x3FB7] =	sst s0;
	s0 =	simm.s32 @!p2 $0x0  }
0x16: {  	s3 =	sld [smem:$0x3FDB];
	s0 =	simm.s32 @p2 $0x1  }
0x17: {  	s4 =	simm.s32 $0x1BF5;
	[smem:$0x3FB9] =	sst s0  }
0x18: {  	s0 =	sld [smem:$0x3F9C];
	_ =	swait.ge [sflag:s4], $0x0  }
0x19: {  	s7 =	sld [smem:$0x3F9D]  }
0x1a: {  	s8 =	sadd.s32 $0xFFFFE003, lr  }
0x1b: {  	s9 =	sadd.s32 $0xFFFFFEF7, lr;
	s5 =	simm.s32 $0xFFFFFFFF;
	p2 =	slt.u32 s8, $0xFFFFF086  }
0x1c: {  	p1 =	slt.u32 s9, $0xF7A;
	s5 =	simm.s32 @!p2 $0x0  }
0x1d: {  	s5 =	simm.s32 @p1 $0x1;
	p0 =	seq.s32 s7, s2  }
0x1e: {  	s7 =	smul.u32 @!p0 $0xF7A, s2;
	p2 =	seq.s32 @!p0 s5, $0x0  }
0x1f: {  	s9 =	smul.u32 $0xF7A, s1;
	s8 =	simm.s32 @!p0 $0x1BF5;
	p2 =	por !p2, p0  }
0x20: {  	[sflag:s8] =	ssyncset.s32 @!p0 $0xFFFFF086;
	s6 =	sadd.s32 @!p0 s3, s7;
	s7 =	simm.s32 @!p0 $0x108  }
0x21: {  	s3 =	sadd.s32 s3, s9;
	s6 =	sadd.s32 @!p0 $0x88, s6;
	s7 =	simm.s32 @p2 $0x1082  }
0x22: {  	[simem:s7], [sflag:s8] =	dma.local @!p0 [hbm:s6], $0xF7A  }
0x23: {  	s9 =	sor.u32 $0xD0000000, s2;
	s6 =	simm.s32 $0x108;
	_ =	swait.ge @!p0 [sflag:s8], $0x0  }
0x24: {  	s3 =	sadd.s32 $0x88, s3;
	s6 =	simm.s32 @!p1 $0x1082;
	[sflag:s4] =	ssyncset.s32 $0xFFFFF086  }
0x25: {  	[simem:s6], [sflag:s4] =	dma.local [hbm:s3], $0xF7A  }
0x26: {  	[smem:$0x3F9D] =	sst s1;
	(tag) =	ssettag s2;
	_ =	strace s9  }
0x27: {  	s1 =	sld [smem:$0x3FAD]  }
0x28: {  	s2 =	sld [smem:$0x3FAE]  }
0x29: {  	s4 =	sld [smem:$0x3FB0]  }
0x2a: {  	p0 =	seq.s32 s5, $0x0;
	s5 =	sld [smem:$0x3FB1]  }
0x2b: {  	s6 =	sld [smem:$0x3FB2]  }
0x2c: {  	s7 =	sld [smem:$0x3FB3]  }
0x2d: {  	s3 =	simm.s32 $0x108;
	s8 =	sld [smem:$0x3FB4]  }
0x2e: {  	s3 =	simm.s32 @!p0 $0x1082;
	s9 =	sld [smem:$0x3FB5]  }
0x2f: {  	lr =	sadd.s32 s0, s3;
	s0 =	sld [smem:$0x3FAC]  }
0x30: {  	s3 =	sld [smem:$0x3FAF]  }
0x31: {  	[smem:$0x3FB8] =	sst s10  }
0x32: {  	s10 =	sld [smem:$0x3FB6];
	_ =	sdelay $0x3  }
0x33: {  	p0 =	seq.s32 s10, $0x1;
	s10 =	sld [smem:$0x3FB8];
	_ =	sdelay $0x3  }
0x34: {  	[smem:$0x3FB8] =	sst s10  }
0x35: {  	s10 =	sld [smem:$0x3FB7];
	_ =	sdelay $0x3  }
0x36: {  	p1 =	seq.s32 s10, $0x1;
	s10 =	sld [smem:$0x3FB8];
	_ =	sdelay $0x3  }
0x37: {  	[smem:$0x3FB8] =	sst s10  }
0x38: {  	s10 =	sld [smem:$0x3FB9]  }
0x39: {  	_ = 	snop;
	(pc) =	sbr.ind lr, $3  }
0x3a: {  	_ = 	snop  }
0x3b: {  	_ = 	snop  }
0x3c: {  	p2 =	seq.s32 s10, $0x1;
	s10 =	sld [smem:$0x3FB8]  }
0x3d: {  	_ =	shalt  }
0x3e: {  	_ =	shalt  }
0x3f: {  	_ =	shalt  }
0x40: {  	_ =	shalt  }
0x41: {  	_ =	shalt  }
0x42: {  	_ =	shalt  }
0x43: {  	_ =	shalt  }
0x44: {  	_ =	shalt  }
0x45: {  	_ =	shalt  }
0x46: {  	_ =	shalt  }
0x47: {  	_ =	shalt  }
0x48: {  	_ =	shalt  }
0x49: {  	_ =	shalt  }
0x4a: {  	_ =	shalt  }
0x4b: {  	_ =	shalt  }
0x4c: {  	_ =	shalt  }
0x4d: {  	_ =	shalt  }
0x4e: {  	_ =	shalt  }
0x4f: {  	_ =	shalt  }
0x50: {  	_ =	shalt  }
0x51: {  	_ =	shalt  }
0x52: {  	_ =	shalt  }
0x53: {  	_ =	shalt  }
0x54: {  	_ =	shalt  }
0x55: {  	_ =	shalt  }
0x56: {  	_ =	shalt  }
0x57: {  	_ =	shalt  }
0x58: {  	_ =	shalt  }
0x59: {  	_ =	shalt  }
0x5a: {  	_ =	shalt  }
0x5b: {  	_ =	shalt  }
0x5c: {  	_ =	shalt  }
0x5d: {  	_ =	shalt  }
0x5e: {  	_ =	shalt  }
0x5f: {  	_ =	shalt  }
0x60: {  	_ =	shalt  }
0x61: {  	_ =	shalt  }
0x62: {  	_ =	shalt  }
0x63: {  	_ =	shalt  }
0x64: {  	_ =	shalt  }
0x65: {  	_ =	shalt  }
0x66: {  	_ =	shalt  }
0x67: {  	_ =	shalt  }
0x68: {  	_ =	shalt  }
0x69: {  	_ =	shalt  }
0x6a: {  	_ =	shalt  }
0x6b: {  	_ =	shalt  }
0x6c: {  	_ =	shalt  }
0x6d: {  	_ =	shalt  }
0x6e: {  	_ =	shalt  }
0x6f: {  	_ =	shalt  }
0x70: {  	_ =	shalt  }
0x71: {  	_ =	shalt  }
0x72: {  	_ =	shalt  }
0x73: {  	_ =	shalt  }
0x74: {  	_ =	shalt  }
0x75: {  	_ =	shalt  }
0x76: {  	_ =	shalt  }
0x77: {  	_ =	shalt  }
0x78: {  	_ =	shalt  }
0x79: {  	_ =	shalt  }
0x7a: {  	_ =	shalt  }
0x7b: {  	_ =	shalt  }
0x7c: {  	_ =	shalt  }
0x7d: {  	_ =	shalt  }
0x7e: {  	_ =	shalt  }
0x7f: {  	_ =	shalt  }
0x80: {  	_ =	shalt  }
0x81: {  	_ =	shalt  }
0x82: {  	_ =	shalt  }
0x83: {  	_ =	shalt  }
0x84: {  	_ =	shalt  }
0x85: {  	_ =	shalt  }
0x86: {  	_ =	shalt  }
0x87: {  	_ =	shalt  }
.Lfunc_end0:
.L_simem_size_0:
called_computation_lowered:
.L_overlay_start_0:
0x88: {  	s2 =	sld [smem:$0x3FD9]  }
0x89: {  	s3 =	sld [smem:$0x3FFE];
	_ =	sdelay $0x1  }
0x8a: {  	s1 =	srdreg.scid  }
0x8b: {  	s0 =	sand.u32 $0x1, s1  }
0x8c: {  	s17 =	sshll.u32 s0, $0xA;
	s2 =	sadd.s32 s3, s2  }
0x8d: {  	s2 =	sadd.s32 s2, s17  }
0x8e: {  	[smem:$0x3FC4] =	sst s2  }
0x8f: {  	_ = 	snop  }
0x90: {  	s2 =	sld [smem:$0x3FC6];
	(tm) =	ssettm $0x1  }
0x91: {  	s18 =	sld [smem:$0x3FFB];
	_ =	sdelay $0x3  }
0x92: {  	_ =	strace s18  }
0x93: {  	s3 =	sld [smem:$0x3FFC];
	_ =	sdelay $0x3  }
0x94: {  	_ =	strace s3  }
0x95: {  	s3 =	sld [smem:$0x3FFD];
	_ =	sdelay $0x3  }
0x96: {  	_ =	strace s3  }
0x97: {  	_ =	strace $0x8FFFFFFF  }
0x98: {  	s19 =	sld [smem:$0x3FDB];
	_ =	sdelay $0x1  }
0x99: {  	s4 =	simm.s32 $_scs_section_size  }
0x9a: {  	s5 =	simm.s32 $_size__tile_overlayer_lowered;
	s6 =	simm.s32 $_tile_overlayer_lowered  }
0x9b: {  	s22 =	simm.s32 $0x1BFF;
	s21 =	sshll.u32 s6, $0x1;
	s3 =	sadd.s32 s4, s19  }
0x9c: {  	s7 =	simm.s32 $0x0;
	s20 =	sshll.u32 s5, $0x1;
	s5 =	sadd.s32 s21, s3  }
0x9d: {  	[timem:s7], [sflag:s22] =	dma.local [hbm:s5], s20  }
0x9e: {  	_ =	swait.ge [sflag:s22], s20  }
0x9f: {  	s4 =	ssub.s32 $0x0, s20;
	[sflag:s22] =	ssyncset.done $0x0  }
0xa0: {  	[sflag:s22] =	ssyncadd.s32 s4;
	_ =	sdelay $0x1  }
0xa1: {  	s23 =	simm.s32 $0x1B8B  }
0xa2: {  	_ =	swait.ge [sflag:s23], $0x1  }
0xa3: {  	[sflag:s23] =	ssyncset.done $0x0  }
0xa4: {  	s25 =	simm.s32 $0x1B8E;
	s24 =	sld [smem:$0x3FFE];
	[sflag:s23] =	ssyncadd.s32 $0xFFFFFFFF  }
0xa5: {  	s26 =	simm.s32 $execute0_lowered;
	[smem:$0x3FD2] =	sst s25  }
0xa6: {  	s5 =	sshll.u32 s26, $0x1;
	_ =	strace $0x80000046;
	[dreg:$0x1] =	wrdreg $0xFFFFFFFF  }
0xa7: {  	s28 =	simm.s32 $_size_execute0_lowered;
	s3 =	sadd.s32 s3, s5;
	[dreg:$0x0] =	wrdreg $0x0  }
0xa8: {  	s5 =	sshll.u32 s28, $0x1;
	[dreg:$0x2] =	wrdreg s3  }
0xa9: {  	[dreg:$0x3] =	wrdreg s5  }
0xaa: {  	[dreg:$0x4] =	wrdreg $0xC0  }
0xab: {  	_ =	task [dreg:s7], $0x5FFFF  }
0xac: {  	[dreg:$0x1] =	wrdreg $0xFFFFFFFF  }
0xad: {  	[dreg:$0x0] =	wrdreg $0x60  }
0xae: {  	[dreg:$0x2] =	wrdreg s24  }
0xaf: {  	[dreg:$0x3] =	wrdreg s2  }
0xb0: {  	[dreg:$0x4] =	wrdreg $0x9  }
0xb1: {  	_ =	task.clear_ibuf [dreg:s7], $0x5FFFF;
	_ =	strace $0x90000046  }
0xb2: {  	s29 =	simm.s32 $0x9;
	_ =	strace $0x80000048  }
0xb3: {  	_ =	swait.ge [sflag:s29], $0x1  }
0xb4: {  	[sflag:s29] =	ssyncadd.s32 $0xFFFFFFFF  }
0xb5: {  	_ =	strace $0x90000048  }
0xb6: {  	_ =	sfence  }
0xb7: {  	s30 =	sld [smem:$0x0];
	_ =	sdelay $0x2  }
0xb8: {  	s31 =	sshll.u32 s1, $0xD;
	s1 =	sshrl.u32 s1, $0x2  }
0xb9: {  	s3 =	sand.u32 $0x4000, s31;
	s1 =	sadd.s32 s1, s30  }
0xba: {  	s0 =	sor.u32 s3, s0;
	s1 =	sshll.u32 s1, $0x11  }
0xbb: {  	s0 =	sor.u32 s1, s0  }
0xbc: {  	s0 =	sadd.s32 $0x8F2B, s0  }
0xbd: {  	[sflag:s0] =	ssyncadd.remote.s32 $0x1  }
0xbe: {  	_ =	sfence.sel $0xFFFF  }
0xbf: {  	[dreg:$0x0] =	wrdreg $0xFFFFFFFF;
	(pc) =	sbr.abs _section_cstart, $3  }
0xc0: {  	[dreg:$0x1] =	wrdreg $0xFFFFFFFF  }
0xc1: {  	_ =	task.clear_ibuf [dreg:s7], $0x2FFFF;
	_ =	strace $0x9FFFFFFF  }
0xc2: {  	(tm) =	ssettm $0x7FFFFFFF  }
0xc3: {  	_ =	shalt  }
tec
execute0_lowered:
.L_overlay_start_1:
0x0: {  	(tag) =	ssettag $0x1  }
0x1: {  	s0 =	rddreg [dreg:$0x0]  }
0x2: {  	s2 =	rddreg [dreg:$0x1]  }
0x3: {  	s1 =	simm.s32 $0x0;
	s3 =	srdreg.scid;
	s5 =	stileid.u32  }
0x4: {  	s17 =	simm.s32 $0x1;
	s18 =	simm.s32 $0x3;
	s19 =	simm.s32 $0x8000  }
0x5: {  	s20 =	simm.s32 $0x12000;
	s21 =	simm.s32 $0x14000;
	s22 =	simm.s32 $0x5  }
0x6: {  	s23 =	simm.s32 $0x2;
	s24 =	simm.s32 $0x4;
	s25 =	simm.s32 $0x0  }
0x7: {  	[smem:$0x7FF] =	sst s1;
	s11 =	sadd.s32 $0xE00, s0;
	s3 =	sand.u32 $0x1, s3  }
0x8: {  	s5 =	sshll.u32 s5, $0x8;
	s4 =	ssub.s32 $0x2, s3;
	s3 =	sshll.u32 s3, $0x7  }
0x9: {  	s0 =	sadd.s32 $0x80E00, s0;
	s6 =	sshrl.u32 s4, $0x1;
	s5 =	sor.u32 s3, s5  }
0xa: {  	_ =	strace $0x80000047;
	s15 =	ssub.s32 s4, s6;
	s3 =	sshll.u32 s5, $0x7  }
0xb: {  	s10 =	sshrl.u32 s5, $0x3;
	s7 =	sshll.u32 s5, $0x5;
	s3 =	sadd.s32 s11, s3  }
0xc: {  	s29 =	sor.u32 $0x4, s10;
	s4 =	sadd.s32 s2, s7;
	s8 =	sor.u32 $0x8, s10  }
0xd: {  	s7 =	sadd.s32 s0, s7;
	s14 =	sor.u32 $0xC, s10;
	s15 =	smax.u32 s15, $0x1  }
0xe: {  	s30 =	sshll.u32 s29, $0xA;
	s12 =	sshll.u32 s29, $0x8;
	s9 =	sshll.u32 s8, $0xA  }
0xf: {  	s13 =	sshll.u32 s8, $0x8;
	s31 =	sshll.u32 s14, $0xA;
	s14 =	sshll.u32 s14, $0x8  }
0x10: {  	s5 =	sadd.s32 s11, s30;
	s6 =	sadd.s32 s2, s12;
	s8 =	sadd.s32 s11, s9  }
0x11: {  	s9 =	sadd.s32 s2, s13;
	s10 =	sadd.s32 s0, s12;
	s11 =	sadd.s32 s11, s31  }
0x12: {  	s12 =	sadd.s32 s2, s14;
	s13 =	sadd.s32 s0, s13;
	s14 =	sadd.s32 s0, s14  }
.LBB2_1:
0x13: {  	[tilespmem:s1], [sflag:$0x1] =	stream.linear.gather [hbm4b:s3+s1], $0x8000, $0x38;
	[tilespmem:$0x16000] =	vst v63  }
0x14: {  	s0 =	simm.s32 $0x10000  }
0x15: {  	[tilespmem:s0], [sflag:$0x3] =	stream.linear.gather [hbm4b:s4+s1], $0x2000, $0x38;
	[tilespmem:$0x16000] =	vst v63  }
0x16: {  	_ =	swait.ge [sflag:s17], $0x8000  }
0x17: {  	[sflag:s17] =	ssyncset.done $0x0  }
0x18: {  	[sflag:s17] =	ssyncadd.s32 $0xFFFF8000  }
0x19: {  	_ =	swait.ge [sflag:s18], $0x2000  }
0x1a: {  	[sflag:s18] =	ssyncset.done $0x0  }
0x1b: {  	s26 =	sand.u32 $0x1800, s1;
	s2 =	sand.u32 $0x380, s1;
	[sflag:s18] =	ssyncadd.s32 $0xFFFFE000  }
0x1c: {  	[tilespmem:s19], [sflag:$0x2] =	stream.linear.gather [hbm4b:s5+s1], $0x8000, $0x38;
	[tilespmem:$0x16000] =	vst v63  }
0x1d: {  	s26 =	sor.u32 s2, s26  }
0x1e: {  	[tilespmem:s20], [sflag:$0x4] =	stream.linear.gather [hbm4b:s6+s1], $0x2000, $0x38;
	[tilespmem:$0x16000] =	vst v63  }
0x1f: {  	v0 =	vld [tilespmem:s26+$0x10000];
	_ =	sdelay $0x3  }
0x20: {  	v1 =	vmov s1  }
0x21: {  	v2 =	vshll.u32 v1, $0xA;
	v4 =	vshll.u32 v0, $0x3  }
0x22: {  	v3 =	vand.u32 $0x6000, v2;
	v2 =	vand.u32 $0xFFFFFC00, v4  }
0x23: {  	v1 =	vshll.u32 v1, $0x7;
	v5 =	vld [tilespmem:s26+$0x10010];
	v4 =	vand.u32 $0x7F, v0;
	v2 =	vadd.s32 v3, v2  }
0x24: {  	v0 =	vand.u32 $0x380, v1;
	v1 =	vor.u32 v4, v2  }
0x25: {  	v1 =	vor.u32 v0, v1;
	_ =	sdelay $0x2  }
0x26: {  	v2 =	vshll.u32 v5, $0x3  }
0x27: {  	v4 =	vld [tilespmem:s26+$0x10020];
	v2 =	vand.u32 $0xFFFFFC00, v2  }
0x28: {  	v5 =	vand.u32 $0x7F, v5;
	v2 =	vadd.s32 v3, v2;
	v1 =	vld.idx.msk [tilespmem:v1+s1+$0x0], $0xffff  }
0x29: {  	v2 =	vor.u32 v5, v2  }
0x2a: {  	v2 =	vor.u32 v0, v2;
	_ =	sdelay $0x1  }
0x2b: {  	v5 =	vshll.u32 v4, $0x3  }
0x2c: {  	[tilespmem:s26+$0x14000] =	vst v1;
	v1 =	vand.u32 $0xFFFFFC00, v5  }
0x2d: {  	v4 =	vand.u32 $0x7F, v4;
	v5 =	vld [tilespmem:s26+$0x10030];
	v1 =	vadd.s32 v3, v1  }
0x2e: {  	v2 =	vld.idx.msk [tilespmem:v2+s1+$0x0], $0xffff;
	v1 =	vor.u32 v4, v1  }
0x2f: {  	v1 =	vor.u32 v0, v1;
	_ =	sdelay $0x2  }
0x30: {  	s16 =	simm.s32 $0x100;
	s0 =	simm.s32 $0x80;
	v4 =	vshll.u32 v5, $0x3  }
0x31: {  	s2 =	sand.u32 $0x1800, s16;
	s0 =	sand.u32 $0x380, s0;
	[tilespmem:s26+$0x14010] =	vst v2;
	v2 =	vand.u32 $0xFFFFFC00, v4;
	v4 =	vld [tilespmem:s26+$0x10040]  }
0x32: {  	s28 =	sor.u32 s0, s2;
	v5 =	vand.u32 $0x7F, v5;
	v2 =	vadd.s32 v3, v2;
	v1 =	vld.idx.msk [tilespmem:v1+s1+$0x0], $0xffff  }
0x33: {  	v2 =	vor.u32 v5, v2;
	v5 =	vld [tilespmem:s28+$0x10000]  }
0x34: {  	v2 =	vor.u32 v0, v2  }
0x35: {  	s2 =	simm.s32 $0x1  }
0x36: {  	v6 =	vmov s2;
	v7 =	vshll.u32 v4, $0x3  }
0x37: {  	v8 =	vshll.u32 v6, $0x7;
	v6 =	vshll.u32 v6, $0xA;
	v9 =	vld [tilespmem:s26+$0x10050];
	v7 =	vand.u32 $0xFFFFFC00, v7  }
0x38: {  	v4 =	vand.u32 $0x7F, v4;
	[tilespmem:s26+$0x14020] =	vst v1;
	v7 =	vadd.s32 v3, v7;
	v10 =	vshll.u32 v5, $0x3  }
0x39: {  	v1 =	vand.u32 $0x6000, v6;
	v6 =	vld.idx.msk [tilespmem:v2+s1+$0x0], $0xffff;
	v2 =	vor.u32 v4, v7;
	v4 =	vand.u32 $0xFFFFFC00, v10  }
0x3a: {  	v5 =	vand.u32 $0x7F, v5;
	v10 =	vld [tilespmem:s28+$0x10010];
	v7 =	vor.u32 v0, v2;
	v4 =	vadd.s32 v1, v4  }
0x3b: {  	v2 =	vand.u32 $0x380, v8;
	v4 =	vor.u32 v5, v4  }
0x3c: {  	v5 =	vshll.u32 v9, $0x3;
	v4 =	vor.u32 v2, v4  }
0x3d: {  	v8 =	vld [tilespmem:s26+$0x10060];
	v5 =	vand.u32 $0xFFFFFC00, v5  }
0x3e: {  	v5 =	vadd.s32 v3, v5;
	[tilespmem:s26+$0x14030] =	vst v6;
	v6 =	vand.u32 $0x7F, v9  }
0x3f: {  	v7 =	vld.idx.msk [tilespmem:v7+s1+$0x0], $0xffff;
	v5 =	vor.u32 v6, v5;
	v6 =	vshll.u32 v10, $0x3  }
0x40: {  	v11 =	vld [tilespmem:s28+$0x10020];
	v5 =	vor.u32 v0, v5;
	v6 =	vand.u32 $0xFFFFFC00, v6  }
0x41: {  	v9 =	vand.u32 $0x7F, v10;
	v4 =	vld.idx.msk [tilespmem:v4+s1+$0x0], $0xffff;
	v6 =	vadd.s32 v1, v6  }
0x42: {  	v10 =	vshll.u32 v8, $0x3;
	v6 =	vor.u32 v9, v6  }
0x43: {  	v10 =	vand.u32 $0xFFFFFC00, v10;
	v9 =	vld [tilespmem:s26+$0x10070];
	v6 =	vor.u32 v2, v6  }
0x44: {  	[tilespmem:s26+$0x14040] =	vst v7;
	v7 =	vand.u32 $0x7F, v8;
	v8 =	vadd.s32 v3, v10  }
0x45: {  	v5 =	vld.idx.msk [tilespmem:v5+s1+$0x0], $0xffff;
	v7 =	vor.u32 v7, v8  }
0x46: {  	v12 =	vld [tilespmem:s26+$0x10400];
	v7 =	vor.u32 v0, v7;
	[tilespmem:s28+$0x14000] =	vst v4;
	v4 =	vshll.u32 v11, $0x3  }
0x47: {  	v8 =	vld [tilespmem:s28+$0x10030];
	v4 =	vand.u32 $0xFFFFFC00, v4  }
0x48: {  	v11 =	vand.u32 $0x7F, v11;
	v10 =	vshll.u32 v9, $0x3;
	v6 =	vld.idx.msk [tilespmem:v6+s1+$0x0], $0xffff;
	v4 =	vadd.s32 v1, v4  }
0x49: {  	v10 =	vand.u32 $0xFFFFFC00, v10;
	v4 =	vor.u32 v11, v4  }
0x4a: {  	[tilespmem:s26+$0x14050] =	vst v5;
	v5 =	vand.u32 $0x7F, v9;
	v9 =	vadd.s32 v3, v10;
	v4 =	vor.u32 v2, v4;
	v10 =	vld [tilespmem:s26+$0x10410]  }
0x4b: {  	v7 =	vld.idx.msk [tilespmem:v7+s1+$0x0], $0xffff;
	v5 =	vor.u32 v5, v9  }
0x4c: {  	v9 =	vshll.u32 v8, $0x3;
	v5 =	vor.u32 v0, v5  }
0x4d: {  	v11 =	vshll.u32 v12, $0x3;
	[tilespmem:s28+$0x14010] =	vst v6;
	v6 =	vand.u32 $0xFFFFFC00, v9;
	v9 =	vld [tilespmem:s28+$0x10040]  }
0x4e: {  	s0 =	simm.s32 $0x2;
	v12 =	vand.u32 $0x7F, v12;
	v8 =	vand.u32 $0x7F, v8;
	v6 =	vadd.s32 v1, v6  }
0x4f: {  	s16 =	simm.s32 $0x200;
	s2 =	simm.s32 $0x100;
	v11 =	vand.u32 $0xFFFFFC00, v11;
	v4 =	vld.idx.msk [tilespmem:v4+s1+$0x0], $0xffff;
	v6 =	vor.u32 v8, v6;
	v8 =	vmov s0  }
0x50: {  	s16 =	sand.u32 $0x1800, s16;
	s2 =	sand.u32 $0x380, s2;
	v13 =	vld [tilespmem:s26+$0x10420];
	v16 =	vshll.u32 v10, $0x3;
	[tilespmem:s26+$0x14060] =	vst v7;
	v7 =	vadd.s32 v3, v11;
	v6 =	vor.u32 v2, v6  }
0x51: {  	s29 =	sor.u32 s2, s16;
	v10 =	vand.u32 $0x7F, v10;
	v11 =	vld.idx.msk [tilespmem:v5+s1+$0x0], $0xffff;
	v5 =	vor.u32 v12, v7;
	v7 =	vshll.u32 v8, $0x7  }
0x52: {  	v15 =	vld [tilespmem:s29+$0x10000];
	v12 =	vor.u32 v0, v5;
	v5 =	vshll.u32 v8, $0xA;
	v8 =	vshll.u32 v9, $0x3  }
0x53: {  	v14 =	vld [tilespmem:s28+$0x10050];
	v16 =	vand.u32 $0xFFFFFC00, v16;
	v8 =	vand.u32 $0xFFFFFC00, v8;
	v5 =	vand.u32 $0x6000, v5  }
0x54: {  	v17 =	vld [tilespmem:s29+$0x10010];
	[tilespmem:s28+$0x14020] =	vst v4;
	v4 =	vand.u32 $0x7F, v9;
	v8 =	vadd.s32 v1, v8;
	v9 =	vadd.s32 v3, v16  }
0x55: {  	v6 =	vld.idx.msk [tilespmem:v6+s1+$0x0], $0xffff;
	v8 =	vor.u32 v4, v8;
	v9 =	vor.u32 v10, v9;
	v4 =	vand.u32 $0x380, v7  }
0x56: {  	v10 =	vshll.u32 v13, $0x3;
	v13 =	vand.u32 $0x7F, v13;
	[tilespmem:s26+$0x14070] =	vst v11;
	v8 =	vor.u32 v2, v8  }
0x57: {  	v9 =	vor.u32 v0, v9;
	v11 =	vshll.u32 v15, $0x3;
	v15 =	vand.u32 $0x7F, v15;
	v7 =	vld.idx.msk [tilespmem:v12+s1+$0x0], $0xffff  }
0x58: {  	v18 =	vld [tilespmem:s28+$0x10060];
	v10 =	vand.u32 $0xFFFFFC00, v10;
	v12 =	vshll.u32 v14, $0x3;
	v11 =	vand.u32 $0xFFFFFC00, v11  }
0x59: {  	v16 =	vld [tilespmem:s26+$0x10430];
	v10 =	vadd.s32 v3, v10;
	v11 =	vadd.s32 v5, v11;
	v12 =	vand.u32 $0xFFFFFC00, v12  }
0x5a: {  	v10 =	vor.u32 v13, v10;
	v13 =	vshll.u32 v17, $0x3;
	[tilespmem:s28+$0x14030] =	vst v6;
	v6 =	vor.u32 v15, v11  }
0x5b: {  	v19 =	vld [tilespmem:s29+$0x10020];
	v12 =	vadd.s32 v1, v12;
	v11 =	vand.u32 $0x7F, v14;
	v6 =	vor.u32 v4, v6  }
0x5c: {  	v17 =	vand.u32 $0x7F, v17;
	v10 =	vor.u32 v0, v10;
	v8 =	vld.idx.msk [tilespmem:v8+s1+$0x0], $0xffff;
	[tilespmem:s26+$0x14400] =	vst v7;
	v7 =	vor.u32 v11, v12  }
0x5d: {  	v13 =	vand.u32 $0xFFFFFC00, v13;
	v14 =	vshll.u32 v18, $0x3;
	v9 =	vld.idx.msk [tilespmem:v9+s1+$0x0], $0xffff;
	v7 =	vor.u32 v2, v7  }
0x5e: {  	v15 =	vld [tilespmem:s28+$0x10070];
	v13 =	vadd.s32 v5, v13;
	v14 =	vand.u32 $0xFFFFFC00, v14;
	v11 =	vshll.u32 v16, $0x3  }
0x5f: {  	v13 =	vor.u32 v17, v13;
	v17 =	vand.u32 $0x7F, v18;
	v12 =	vld [tilespmem:s26+$0x10440];
	v11 =	vand.u32 $0xFFFFFC00, v11  }
0x60: {  	v14 =	vadd.s32 v1, v14;
	v16 =	vand.u32 $0x7F, v16;
	v11 =	vadd.s32 v3, v11;
	v6 =	vld.idx.msk [tilespmem:v6+s1+$0x0], $0xffff  }
0x61: {  	s16 =	simm.s32 $0x3;
	v20 =	vld [tilespmem:s26+$0x10450];
	v13 =	vor.u32 v4, v13;
	v11 =	vor.u32 v16, v11;
	v16 =	vshll.u32 v19, $0x3;
	[tilespmem:s28+$0x14040] =	vst v8  }
0x62: {  	v8 =	vor.u32 v17, v14;
	v14 =	vmov s16;
	v11 =	vor.u32 v0, v11;
	v7 =	vld.idx.msk [tilespmem:v7+s1+$0x0], $0xffff;
	[tilespmem:s26+$0x14410] =	vst v9  }
0x63: {  	v17 =	vshll.u32 v15, $0x3;
	v16 =	vand.u32 $0xFFFFFC00, v16;
	v15 =	vand.u32 $0x7F, v15;
	v10 =	vld.idx.msk [tilespmem:v10+s1+$0x0], $0xffff  }
0x64: {  	v22 =	vld [tilespmem:s26+$0x10470];
	v8 =	vor.u32 v2, v8;
	v18 =	vshll.u32 v12, $0x3;
	v16 =	vadd.s32 v5, v16  }
0x65: {  	v17 =	vand.u32 $0xFFFFFC00, v17;
	v18 =	vand.u32 $0xFFFFFC00, v18;
	[tilespmem:s29+$0x14000] =	vst v6;
	v6 =	vand.u32 $0x7F, v19;
	v19 =	vld [tilespmem:s29+$0x10030]  }
0x66: {  	v21 =	vld [tilespmem:s28+$0x10400];
	v18 =	vadd.s32 v3, v18;
	v6 =	vor.u32 v6, v16;
	v16 =	vadd.s32 v1, v17  }
0x67: {  	v9 =	vshll.u32 v14, $0x7;
	v17 =	vld.idx.msk [tilespmem:v13+s1+$0x0], $0xffff;
	[tilespmem:s28+$0x14050] =	vst v7;
	v23 =	vor.u32 v4, v6;
	v6 =	vor.u32 v15, v16  }
0x68: {  	v13 =	vld [tilespmem:s26+$0x10460];
	v7 =	vand.u32 $0x7F, v12;
	v16 =	vand.u32 $0x7F, v20;
	[tilespmem:s26+$0x14420] =	vst v10;
	v10 =	vshll.u32 v14, $0xA  }
0x69: {  	v8 =	vld.idx.msk [tilespmem:v8+s1+$0x0], $0xffff;
	v14 =	vor.u32 v2, v6;
	v12 =	vor.u32 v7, v18;
	v6 =	vand.u32 $0x380, v9  }
0x6a: {  	v18 =	vshll.u32 v20, $0x3;
	v11 =	vld.idx.msk [tilespmem:v11+s1+$0x0], $0xffff;
	v7 =	vand.u32 $0x6000, v10;
	v10 =	vshll.u32 v19, $0x3  }
0x6b: {  	v15 =	vld [tilespmem:s28+$0x10410];
	v20 =	vshll.u32 v21, $0x3;
	v9 =	vor.u32 v0, v12;
	v10 =	vand.u32 $0xFFFFFC00, v10  }
0x6c: {  	v12 =	vld [tilespmem:s28+$0x10420];
	[tilespmem:s29+$0x14010] =	vst v17;
	v17 =	vand.u32 $0x7F, v19;
	v19 =	vand.u32 $0xFFFFFC00, v20;
	v10 =	vadd.s32 v5, v10  }
0x6d: {  	v10 =	vor.u32 v17, v10;
	v17 =	vadd.s32 v1, v19;
	v19 =	vld [tilespmem:s29+$0x10040]  }
0x6e: {  	v24 =	vand.u32 $0x7F, v21;
	v18 =	vand.u32 $0xFFFFFC00, v18;
	v20 =	vld.idx.msk [tilespmem:v23+s1+$0x0], $0xffff;
	[tilespmem:s28+$0x14060] =	vst v8;
	v21 =	vor.u32 v4, v10  }
0x6f: {  	v8 =	vor.u32 v24, v17;
	v10 =	vadd.s32 v3, v18;
	v17 =	vld.idx.msk [tilespmem:v14+s1+$0x0], $0xffff;
	[tilespmem:s26+$0x14430] =	vst v11  }
0x70: {  	s30 =	simm.s32 $0x180;
	s31 =	simm.s32 $0x300;
	v14 =	vand.u32 $0x7F, v13;
	v18 =	vor.u32 v2, v8;
	v10 =	vor.u32 v16, v10;
	v9 =	vld.idx.msk [tilespmem:v9+s1+$0x0], $0xffff  }
0x71: {  	s2 =	sand.u32 $0x1800, s31;
	s0 =	simm.s32 $0x4;
	s16 =	sand.u32 $0x380, s30;
	v11 =	vshll.u32 v22, $0x3;
	v8 =	vand.u32 $0x7F, v22;
	v10 =	vor.u32 v0, v10  }
.LBB2_2:
0x72: {  	p0 =	sne.s32 s0, $0x1F;
	s2 =	sor.u32 s16, s2;
	v16 =	vshll.u32 v19, $0x3;
	v22 =	vld [tilespmem:s29+$0x10050];
	v23 =	vand.u32 $0x7F, v12;
	v13 =	vshll.u32 v13, $0x3  }
0x73: {  	v24 =	vld [tilespmem:s2+$0x10000];
	[tilespmem:s29+$0x14020] =	vst v20;
	v16 =	vand.u32 $0xFFFFFC00, v16;
	v20 =	vand.u32 $0x7F, v15;
	v15 =	vshll.u32 v15, $0x3  }
0x74: {  	v19 =	vand.u32 $0x7F, v19;
	v21 =	vld.idx.msk [tilespmem:v21+s1+$0x0], $0xffff;
	v16 =	vadd.s32 v5, v16;
	[tilespmem:s28+$0x14070] =	vst v17;
	v15 =	vand.u32 $0xFFFFFC00, v15  }
0x75: {  	v16 =	vor.u32 v19, v16;
	v17 =	vld.idx.msk [tilespmem:v18+s1+$0x0], $0xffff;
	v15 =	vadd.s32 v1, v15;
	[tilespmem:s26+$0x14440] =	vst v9;
	v9 =	vand.u32 $0xFFFFFC00, v13  }
0x76: {  	v13 =	vor.u32 v4, v16;
	v15 =	vor.u32 v20, v15;
	v10 =	vld.idx.msk [tilespmem:v10+s1+$0x0], $0xffff;
	v9 =	vadd.s32 v3, v9  }
0x77: {  	v12 =	vshll.u32 v12, $0x3;
	v15 =	vor.u32 v2, v15;
	v16 =	vld [tilespmem:s28+$0x10470];
	v9 =	vor.u32 v14, v9  }
0x78: {  	v18 =	vshll.u32 v22, $0x3;
	v14 =	vshll.u32 v24, $0x3;
	v19 =	vld [tilespmem:s28+$0x10430];
	v9 =	vor.u32 v0, v9  }
0x79: {  	v12 =	vand.u32 $0xFFFFFC00, v12;
	v20 =	vand.u32 $0x7F, v24;
	v14 =	vand.u32 $0xFFFFFC00, v14;
	v24 =	vld [tilespmem:s29+$0x10060]  }
0x7a: {  	v12 =	vadd.s32 v1, v12;
	v18 =	vand.u32 $0xFFFFFC00, v18;
	v14 =	vadd.s32 v7, v14;
	v25 =	vld [tilespmem:s2+$0x10010];
	[tilespmem:s29+$0x14030] =	vst v21  }
0x7b: {  	v18 =	vadd.s32 v5, v18;
	v14 =	vor.u32 v20, v14;
	v13 =	vld.idx.msk [tilespmem:v13+s1+$0x0], $0xffff;
	v20 =	vand.u32 $0x7F, v22;
	[tilespmem:s28+$0x14400] =	vst v17  }
0x7c: {  	v14 =	vor.u32 v6, v14;
	v17 =	vor.u32 v20, v18;
	v15 =	vld.idx.msk [tilespmem:v15+s1+$0x0], $0xffff;
	[tilespmem:s26+$0x14450] =	vst v10;
	v10 =	vand.u32 $0xFFFFFC00, v11  }
0x7d: {  	v12 =	vor.u32 v23, v12;
	v11 =	vor.u32 v4, v17;
	v9 =	vld.idx.msk [tilespmem:v9+s1+$0x0], $0xffff;
	v18 =	vadd.s32 v3, v10  }
0x7e: {  	v10 =	vor.u32 v2, v12;
	v12 =	vshll.u32 v19, $0x3;
	v3 =	vmovc v1;
	v1 =	vmovc v5;
	v17 =	vld [tilespmem:s28+$0x10440];
	v8 =	vor.u32 v8, v18  }
0x7f: {  	v5 =	vmovc v7;
	v20 =	vshll.u32 v24, $0x3;
	v18 =	vshll.u32 v25, $0x3;
	v21 =	vld [tilespmem:s29+$0x10070];
	v8 =	vor.u32 v0, v8;
	v0 =	vmovc v2  }
0x80: {  	v12 =	vand.u32 $0xFFFFFC00, v12;
	v7 =	vand.u32 $0x7F, v25;
	v2 =	vmovc v4;
	v4 =	vmovc v6;
	v18 =	vand.u32 $0xFFFFFC00, v18;
	v22 =	vld [tilespmem:s2+$0x10020]  }
0x81: {  	v12 =	vadd.s32 v3, v12;
	v6 =	vld.idx.msk [tilespmem:v14+s1+$0x0], $0xffff;
	v14 =	vadd.s32 v5, v18;
	[tilespmem:s29+$0x14040] =	vst v13;
	v13 =	vand.u32 $0xFFFFFC00, v20  }
0x82: {  	v7 =	vor.u32 v7, v14;
	v11 =	vld.idx.msk [tilespmem:v11+s1+$0x0], $0xffff;
	v14 =	vand.u32 $0x7F, v24;
	v13 =	vadd.s32 v1, v13;
	[tilespmem:s28+$0x14410] =	vst v15  }
0x83: {  	v7 =	vor.u32 v4, v7;
	v13 =	vor.u32 v14, v13;
	v10 =	vld.idx.msk [tilespmem:v10+s1+$0x0], $0xffff;
	v14 =	vand.u32 $0x7F, v19;
	[tilespmem:s26+$0x14460] =	vst v9  }
0x84: {  	v9 =	vmov s0;
	v13 =	vor.u32 v2, v13;
	v12 =	vor.u32 v14, v12;
	v8 =	vld.idx.msk [tilespmem:v8+s1+$0x0], $0xffff  }
0x85: {  	v14 =	vshll.u32 v9, $0x7;
	v12 =	vor.u32 v0, v12;
	v18 =	vld [tilespmem:s28+$0x10450]  }
0x86: {  	v23 =	vshll.u32 v17, $0x3;
	v19 =	vshll.u32 v21, $0x3;
	v15 =	vshll.u32 v22, $0x3;
	v20 =	vld [tilespmem:s29+$0x10400]  }
0x87: {  	v23 =	vand.u32 $0xFFFFFC00, v23;
	v15 =	vand.u32 $0xFFFFFC00, v15;
	[tilespmem:s2+$0x14000] =	vst v6;
	v6 =	vand.u32 $0x7F, v22;
	v22 =	vld [tilespmem:s2+$0x10030]  }
0x88: {  	v24 =	vld.idx.msk [tilespmem:v7+s1+$0x0], $0xffff;
	v7 =	vadd.s32 v5, v15;
	[tilespmem:s29+$0x14050] =	vst v11;
	v11 =	vand.u32 $0xFFFFFC00, v19;
	v15 =	vadd.s32 v3, v23  }
0x89: {  	v6 =	vor.u32 v6, v7;
	v23 =	vld.idx.msk [tilespmem:v13+s1+$0x0], $0xffff;
	v7 =	vand.u32 $0x7F, v21;
	v11 =	vadd.s32 v1, v11;
	[tilespmem:s28+$0x14420] =	vst v10  }
0x8a: {  	v10 =	vor.u32 v4, v6;
	v6 =	vor.u32 v7, v11;
	v11 =	vld.idx.msk [tilespmem:v12+s1+$0x0], $0xffff;
	v7 =	vand.u32 $0x7F, v17;
	[tilespmem:s26+$0x14470] =	vst v8;
	s26 =	smov.u32 s28;
	s28 =	smov.u32 s29;
	s29 =	smov.u32 s2  }
0x8b: {  	v8 =	vshll.u32 v9, $0xA;
	v9 =	vor.u32 v2, v6;
	v15 =	vor.u32 v7, v15;
	v13 =	vld [tilespmem:s26+$0x10460]  }
0x8c: {  	v7 =	vand.u32 $0x6000, v8;
	v6 =	vand.u32 $0x380, v14;
	v12 =	vld [tilespmem:s28+$0x10420];
	v8 =	vor.u32 v0, v15  }
0x8d: {  	v25 =	vand.u32 $0x7F, v18;
	v18 =	vshll.u32 v18, $0x3;
	v14 =	vshll.u32 v22, $0x3;
	v15 =	vld [tilespmem:s28+$0x10410]  }
0x8e: {  	v17 =	vshll.u32 v20, $0x3;
	v14 =	vand.u32 $0xFFFFFC00, v14;
	[tilespmem:s29+$0x14010] =	vst v24;
	v19 =	vld [tilespmem:s29+$0x10040];
	v24 =	vand.u32 $0x7F, v20  }
.Ltmp0:
0x8f: {  	v21 =	vand.u32 $0xFFFFFC00, v17;
	v14 =	vadd.s32 v5, v14;
	v20 =	vld.idx.msk [tilespmem:v10+s1+$0x0], $0xffff;
	v10 =	vand.u32 $0x7F, v22;
	[tilespmem:s28+$0x14060] =	vst v23;
	(pc) =	sbr.rel @p0 .LBB2_2-.Ltmp0, $4  }
0x90: {  	v10 =	vor.u32 v10, v14;
	v17 =	vld.idx.msk [tilespmem:v9+s1+$0x0], $0xffff;
	v9 =	vadd.s32 v1, v21;
	[tilespmem:s26+$0x14430] =	vst v11;
	v11 =	vand.u32 $0xFFFFFC00, v18  }
0x91: {  	v21 =	vor.u32 v4, v10;
	v10 =	vor.u32 v24, v9;
	v9 =	vld.idx.msk [tilespmem:v8+s1+$0x0], $0xffff;
	v8 =	vadd.s32 v3, v11  }
0x92: {  	s30 =	sadd.s32 $0x80, s30;
	s31 =	sadd.s32 $0x100, s31;
	v18 =	vor.u32 v2, v10;
	v10 =	vor.u32 v25, v8;
	v8 =	vand.u32 $0x7F, v16  }
0x93: {  	s16 =	sand.u32 $0x380, s30;
	s0 =	sadd.s32 $0x1, s0;
	s2 =	sand.u32 $0x1800, s31;
	v14 =	vand.u32 $0x7F, v13;
	v11 =	vshll.u32 v16, $0x3;
	v10 =	vor.u32 v0, v10  }
0x94: {  	s30 =	sor.u32 s16, s2  }
0x95: {  	v16 =	vld [tilespmem:s30+$0x10000];
	_ =	sdelay $0x4  }
0x96: {  	v22 =	vshll.u32 v16, $0x3  }
0x97: {  	v23 =	vld [tilespmem:s30+$0x10010];
	v22 =	vand.u32 $0xFFFFFC00, v22  }
0x98: {  	v16 =	vand.u32 $0x7F, v16;
	v22 =	vadd.s32 v7, v22  }
0x99: {  	v16 =	vor.u32 v16, v22  }
0x9a: {  	v16 =	vor.u32 v6, v16;
	_ =	sdelay $0x1  }
0x9b: {  	v22 =	vshll.u32 v23, $0x3  }
0x9c: {  	v24 =	vld [tilespmem:s30+$0x10020];
	v22 =	vand.u32 $0xFFFFFC00, v22  }
0x9d: {  	v23 =	vand.u32 $0x7F, v23;
	v22 =	vadd.s32 v7, v22  }
0x9e: {  	v22 =	vor.u32 v23, v22;
	v16 =	vld.idx.msk [tilespmem:v16+s1+$0x0], $0xffff  }
0x9f: {  	v22 =	vor.u32 v6, v22;
	_ =	sdelay $0x1  }
0xa0: {  	v23 =	vshll.u32 v24, $0x3  }
0xa1: {  	v25 =	vld [tilespmem:s30+$0x10030];
	v23 =	vand.u32 $0xFFFFFC00, v23  }
0xa2: {  	v23 =	vadd.s32 v7, v23;
	[tilespmem:s30+$0x14000] =	vst v16;
	v16 =	vand.u32 $0x7F, v24  }
0xa3: {  	v22 =	vld.idx.msk [tilespmem:v22+s1+$0x0], $0xffff;
	v16 =	vor.u32 v16, v23  }
0xa4: {  	v16 =	vor.u32 v6, v16;
	_ =	sdelay $0x1  }
0xa5: {  	v23 =	vshll.u32 v25, $0x3  }
0xa6: {  	v33 =	vld [tilespmem:s30+$0x10040];
	v23 =	vand.u32 $0xFFFFFC00, v23  }
0xa7: {  	v23 =	vadd.s32 v7, v23;
	[tilespmem:s30+$0x14010] =	vst v22;
	v22 =	vand.u32 $0x7F, v25  }
0xa8: {  	v16 =	vld.idx.msk [tilespmem:v16+s1+$0x0], $0xffff;
	v22 =	vor.u32 v22, v23  }
0xa9: {  	v22 =	vor.u32 v6, v22  }
0xaa: {  	v23 =	vshll.u32 v19, $0x3  }
0xab: {  	v34 =	vld [tilespmem:s29+$0x10050];
	v26 =	vshll.u32 v33, $0x3;
	v23 =	vand.u32 $0xFFFFFC00, v23  }
0xac: {  	[tilespmem:s29+$0x14020] =	vst v20;
	v26 =	vand.u32 $0xFFFFFC00, v26;
	v19 =	vand.u32 $0x7F, v19;
	v20 =	vadd.s32 v5, v23;
	v23 =	vld [tilespmem:s30+$0x10050]  }
0xad: {  	v21 =	vld.idx.msk [tilespmem:v21+s1+$0x0], $0xffff;
	v19 =	vor.u32 v19, v20;
	v20 =	vadd.s32 v7, v26;
	[tilespmem:s30+$0x14020] =	vst v16;
	v16 =	vand.u32 $0x7F, v33  }
0xae: {  	v19 =	vor.u32 v4, v19;
	v22 =	vld.idx.msk [tilespmem:v22+s1+$0x0], $0xffff;
	v16 =	vor.u32 v16, v20  }
0xaf: {  	v16 =	vor.u32 v6, v16  }
0xb0: {  	v20 =	vshll.u32 v34, $0x3  }
0xb1: {  	v35 =	vld [tilespmem:s29+$0x10060];
	v20 =	vand.u32 $0xFFFFFC00, v20;
	v36 =	vshll.u32 v23, $0x3  }
0xb2: {  	v37 =	vld [tilespmem:s30+$0x10060];
	[tilespmem:s29+$0x14030] =	vst v21;
	v21 =	vand.u32 $0x7F, v34;
	v20 =	vadd.s32 v5, v20;
	v26 =	vand.u32 $0xFFFFFC00, v36  }
0xb3: {  	v19 =	vld.idx.msk [tilespmem:v19+s1+$0x0], $0xffff;
	v20 =	vor.u32 v21, v20;
	v21 =	vand.u32 $0x7F, v23;
	[tilespmem:s30+$0x14030] =	vst v22;
	v22 =	vadd.s32 v7, v26  }
0xb4: {  	v20 =	vor.u32 v4, v20;
	v16 =	vld.idx.msk [tilespmem:v16+s1+$0x0], $0xffff;
	v21 =	vor.u32 v21, v22  }
0xb5: {  	v21 =	vor.u32 v6, v21  }
0xb6: {  	v22 =	vshll.u32 v35, $0x3  }
0xb7: {  	v38 =	vshll.u32 v37, $0x3;
	v23 =	vld [tilespmem:s29+$0x10070];
	v22 =	vand.u32 $0xFFFFFC00, v22  }
0xb8: {  	v39 =	vld [tilespmem:s30+$0x10070];
	v26 =	vand.u32 $0xFFFFFC00, v38;
	[tilespmem:s29+$0x14040] =	vst v19;
	v19 =	vand.u32 $0x7F, v35;
	v22 =	vadd.s32 v5, v22  }
0xb9: {  	v20 =	vld.idx.msk [tilespmem:v20+s1+$0x0], $0xffff;
	v19 =	vor.u32 v19, v22;
	v22 =	vadd.s32 v7, v26;
	[tilespmem:s30+$0x14040] =	vst v16;
	v16 =	vand.u32 $0x7F, v37  }
0xba: {  	[tilespmem:s28+$0x14070] =	vst v17;
	v17 =	vor.u32 v4, v19;
	v19 =	vld.idx.msk [tilespmem:v21+s1+$0x0], $0xffff;
	v16 =	vor.u32 v16, v22  }
0xbb: {  	v40 =	vld [tilespmem:s29+$0x10400];
	v44 =	vshll.u32 v12, $0x3;
	v16 =	vor.u32 v6, v16  }
0xbc: {  	v12 =	vand.u32 $0x7F, v12;
	v13 =	vshll.u32 v13, $0x3;
	v22 =	vshll.u32 v23, $0x3  }
0xbd: {  	v11 =	vand.u32 $0xFFFFFC00, v11;
	v27 =	vshll.u32 v39, $0x3;
	v22 =	vand.u32 $0xFFFFFC00, v22  }
0xbe: {  	v27 =	vand.u32 $0xFFFFFC00, v27;
	[tilespmem:s29+$0x14050] =	vst v20;
	v20 =	vand.u32 $0x7F, v23;
	v22 =	vadd.s32 v5, v22;
	v23 =	vld [tilespmem:s30+$0x10400]  }
0xbf: {  	v17 =	vld.idx.msk [tilespmem:v17+s1+$0x0], $0xffff;
	v20 =	vor.u32 v20, v22;
	v22 =	vadd.s32 v7, v27;
	[tilespmem:s30+$0x14050] =	vst v19;
	v19 =	vand.u32 $0x7F, v39  }
0xc0: {  	v43 =	vshll.u32 v40, $0x3;
	v20 =	vor.u32 v4, v20;
	v16 =	vld.idx.msk [tilespmem:v16+s1+$0x0], $0xffff;
	v19 =	vor.u32 v19, v22  }
0xc1: {  	v13 =	vand.u32 $0xFFFFFC00, v13;
	v18 =	vld.idx.msk [tilespmem:v18+s1+$0x0], $0xffff;
	v24 =	vand.u32 $0xFFFFFC00, v43;
	v19 =	vor.u32 v6, v19  }
0xc2: {  	v13 =	vadd.s32 v3, v13;
	v24 =	vadd.s32 v5, v24;
	v25 =	vand.u32 $0x7F, v40  }
0xc3: {  	v28 =	vld [tilespmem:s29+$0x10410];
	v24 =	vor.u32 v25, v24;
	v21 =	vand.u32 $0x7F, v15;
	v29 =	vshll.u32 v23, $0x3  }
0xc4: {  	v46 =	vld [tilespmem:s30+$0x10410];
	v15 =	vshll.u32 v15, $0x3;
	[tilespmem:s29+$0x14060] =	vst v17;
	v17 =	vand.u32 $0xFFFFFC00, v44;
	v47 =	vand.u32 $0xFFFFFC00, v29  }
0xc5: {  	[tilespmem:s30+$0x14060] =	vst v16;
	v16 =	vadd.s32 v1, v17;
	v17 =	vld.idx.msk [tilespmem:v20+s1+$0x0], $0xffff;
	v20 =	vand.u32 $0x7F, v23;
	v23 =	vadd.s32 v7, v47  }
0xc6: {  	[tilespmem:s28+$0x14400] =	vst v18;
	v18 =	vor.u32 v4, v24;
	v41 =	vand.u32 $0xFFFFFC00, v15;
	v19 =	vld.idx.msk [tilespmem:v19+s1+$0x0], $0xffff;
	v20 =	vor.u32 v20, v23  }
0xc7: {  	v42 =	vadd.s32 v1, v41;
	v22 =	vld [tilespmem:s28+$0x10430];
	v12 =	vor.u32 v12, v16;
	v16 =	vor.u32 v6, v20  }
0xc8: {  	v45 =	vld [tilespmem:s29+$0x10420];
	v13 =	vor.u32 v14, v13;
	v21 =	vor.u32 v21, v42;
	v20 =	vshll.u32 v28, $0x3  }
0xc9: {  	v54 =	vld [tilespmem:s29+$0x10440];
	v48 =	vshll.u32 v46, $0x3;
	v21 =	vor.u32 v2, v21;
	v20 =	vand.u32 $0xFFFFFC00, v20  }
0xca: {  	v49 =	vand.u32 $0x7F, v28;
	v24 =	vand.u32 $0xFFFFFC00, v48;
	[tilespmem:s29+$0x14070] =	vst v17;
	v17 =	vadd.s32 v5, v20;
	v20 =	vld [tilespmem:s30+$0x10420]  }
0xcb: {  	v25 =	vand.u32 $0x7F, v46;
	v18 =	vld.idx.msk [tilespmem:v18+s1+$0x0], $0xffff;
	v17 =	vor.u32 v49, v17;
	[tilespmem:s30+$0x14070] =	vst v19;
	v19 =	vadd.s32 v7, v24  }
0xcc: {  	v50 =	vshll.u32 v22, $0x3;
	v17 =	vor.u32 v4, v17;
	v16 =	vld.idx.msk [tilespmem:v16+s1+$0x0], $0xffff;
	v19 =	vor.u32 v25, v19  }
0xcd: {  	v51 =	vshll.u32 v45, $0x3;
	v23 =	vld [tilespmem:s28+$0x10440];
	v14 =	vand.u32 $0xFFFFFC00, v50;
	v19 =	vor.u32 v6, v19  }
0xce: {  	v21 =	vld.idx.msk [tilespmem:v21+s1+$0x0], $0xffff;
	v22 =	vand.u32 $0x7F, v22;
	v12 =	vor.u32 v2, v12;
	v14 =	vadd.s32 v1, v14  }
0xcf: {  	v14 =	vor.u32 v22, v14;
	v22 =	vld [tilespmem:s29+$0x10430];
	v24 =	vand.u32 $0xFFFFFC00, v51;
	v52 =	vshll.u32 v20, $0x3  }
0xd0: {  	v53 =	vand.u32 $0x7F, v45;
	v24 =	vadd.s32 v5, v24;
	[tilespmem:s29+$0x14400] =	vst v18;
	v18 =	vld [tilespmem:s30+$0x10430];
	v25 =	vand.u32 $0xFFFFFC00, v52  }
0xd1: {  	v24 =	vor.u32 v53, v24;
	v20 =	vand.u32 $0x7F, v20;
	v17 =	vld.idx.msk [tilespmem:v17+s1+$0x0], $0xffff;
	v25 =	vadd.s32 v7, v25;
	[tilespmem:s30+$0x14400] =	vst v16  }
0xd2: {  	v24 =	vor.u32 v4, v24;
	v16 =	vshll.u32 v23, $0x3;
	v19 =	vld.idx.msk [tilespmem:v19+s1+$0x0], $0xffff;
	v20 =	vor.u32 v20, v25  }
0xd3: {  	v58 =	vld [tilespmem:s29+$0x10450];
	[tilespmem:s28+$0x14410] =	vst v21;
	v14 =	vor.u32 v2, v14;
	v16 =	vand.u32 $0xFFFFFC00, v16;
	v20 =	vor.u32 v6, v20  }
0xd4: {  	v21 =	vld.idx.msk [tilespmem:v12+s1+$0x0], $0xffff;
	v55 =	vshll.u32 v22, $0x3;
	v23 =	vand.u32 $0x7F, v23;
	v16 =	vadd.s32 v1, v16  }
0xd5: {  	v56 =	vld [tilespmem:s30+$0x10440];
	v16 =	vor.u32 v23, v16;
	v23 =	vand.u32 $0xFFFFFC00, v55;
	v57 =	vshll.u32 v18, $0x3  }
0xd6: {  	v60 =	vld [tilespmem:s30+$0x10450];
	v22 =	vand.u32 $0x7F, v22;
	v23 =	vadd.s32 v5, v23;
	[tilespmem:s29+$0x14410] =	vst v17;
	v26 =	vand.u32 $0xFFFFFC00, v57  }
0xd7: {  	v18 =	vand.u32 $0x7F, v18;
	v22 =	vor.u32 v22, v23;
	v24 =	vld.idx.msk [tilespmem:v24+s1+$0x0], $0xffff;
	v23 =	vadd.s32 v7, v26;
	[tilespmem:s30+$0x14410] =	vst v19  }
0xd8: {  	v3 =	vadd.s32 v3, v11;
	v19 =	vor.u32 v4, v22;
	v20 =	vld.idx.msk [tilespmem:v20+s1+$0x0], $0xffff;
	v18 =	vor.u32 v18, v23  }
0xd9: {  	v3 =	vor.u32 v8, v3;
	[tilespmem:s28+$0x14420] =	vst v21;
	v17 =	vld [tilespmem:s28+$0x10450];
	v18 =	vor.u32 v6, v18  }
0xda: {  	v13 =	vor.u32 v0, v13;
	v61 =	vand.u32 $0x7F, v58;
	v21 =	vshll.u32 v54, $0x3;
	v14 =	vld.idx.msk [tilespmem:v14+s1+$0x0], $0xffff  }
0xdb: {  	v21 =	vand.u32 $0xFFFFFC00, v21;
	v16 =	vor.u32 v2, v16;
	v22 =	vshll.u32 v56, $0x3  }
0xdc: {  	v25 =	vand.u32 $0x7F, v54;
	v21 =	vadd.s32 v5, v21;
	v23 =	vld [tilespmem:s28+$0x10460];
	v22 =	vand.u32 $0xFFFFFC00, v22;
	[tilespmem:s29+$0x14420] =	vst v24  }
0xdd: {  	v27 =	vand.u32 $0x7F, v56;
	v21 =	vor.u32 v25, v21;
	v22 =	vadd.s32 v7, v22;
	[tilespmem:s30+$0x14420] =	vst v20;
	v19 =	vld.idx.msk [tilespmem:v19+s1+$0x0], $0xffff  }
0xde: {  	v21 =	vor.u32 v4, v21;
	v22 =	vor.u32 v27, v22;
	v59 =	vshll.u32 v17, $0x3;
	v18 =	vld.idx.msk [tilespmem:v18+s1+$0x0], $0xffff  }
0xdf: {  	v62 =	vand.u32 $0x7F, v60;
	v15 =	vld [tilespmem:s28+$0x10470];
	[tilespmem:s28+$0x14430] =	vst v14;
	v14 =	vor.u32 v6, v22;
	v20 =	vand.u32 $0xFFFFFC00, v59  }
0xe0: {  	v8 =	vld.idx.msk [tilespmem:v16+s1+$0x0], $0xffff;
	v16 =	vshll.u32 v58, $0x3;
	v17 =	vand.u32 $0x7F, v17;
	v20 =	vadd.s32 v1, v20  }
0xe1: {  	v16 =	vand.u32 $0xFFFFFC00, v16;
	v22 =	vshll.u32 v60, $0x3;
	v11 =	vor.u32 v17, v20;
	v20 =	vld [tilespmem:s29+$0x10460]  }
0xe2: {  	v16 =	vadd.s32 v5, v16;
	v22 =	vand.u32 $0xFFFFFC00, v22;
	v11 =	vor.u32 v2, v11;
	[tilespmem:s29+$0x14430] =	vst v19;
	v19 =	vld [tilespmem:s30+$0x10460]  }
0xe3: {  	v16 =	vor.u32 v61, v16;
	v17 =	vshll.u32 v23, $0x3;
	v21 =	vld.idx.msk [tilespmem:v21+s1+$0x0], $0xffff;
	[tilespmem:s30+$0x14430] =	vst v18;
	v18 =	vadd.s32 v7, v22  }
0xe4: {  	[tilespmem:s26+$0x14440] =	vst v9;
	v16 =	vor.u32 v4, v16;
	v17 =	vand.u32 $0xFFFFFC00, v17;
	v14 =	vld.idx.msk [tilespmem:v14+s1+$0x0], $0xffff;
	v18 =	vor.u32 v62, v18  }
0xe5: {  	v10 =	vld.idx.msk [tilespmem:v10+s1+$0x0], $0xffff;
	v9 =	vand.u32 $0x7F, v23;
	v17 =	vadd.s32 v1, v17;
	v18 =	vor.u32 v6, v18  }
0xe6: {  	v12 =	vld [tilespmem:s29+$0x10470];
	[tilespmem:s28+$0x14440] =	vst v8;
	v8 =	vor.u32 v9, v17;
	v22 =	vshll.u32 v15, $0x3;
	v9 =	vshll.u32 v20, $0x3  }
0xe7: {  	v8 =	vor.u32 v2, v8;
	v11 =	vld.idx.msk [tilespmem:v11+s1+$0x0], $0xffff;
	v9 =	vand.u32 $0xFFFFFC00, v9;
	v17 =	vshll.u32 v19, $0x3  }
0xe8: {  	v20 =	vand.u32 $0x7F, v20;
	v9 =	vadd.s32 v5, v9;
	[tilespmem:s29+$0x14440] =	vst v21;
	v21 =	vld [tilespmem:s30+$0x10470];
	v17 =	vand.u32 $0xFFFFFC00, v17  }
0xe9: {  	v9 =	vor.u32 v20, v9;
	v19 =	vand.u32 $0x7F, v19;
	v16 =	vld.idx.msk [tilespmem:v16+s1+$0x0], $0xffff;
	[tilespmem:s30+$0x14440] =	vst v14;
	v14 =	vadd.s32 v7, v17  }
0xea: {  	v9 =	vor.u32 v4, v9;
	v17 =	vand.u32 $0xFFFFFC00, v22;
	v18 =	vld.idx.msk [tilespmem:v18+s1+$0x0], $0xffff;
	v14 =	vor.u32 v19, v14  }
0xeb: {  	v15 =	vand.u32 $0x7F, v15;
	v1 =	vadd.s32 v1, v17;
	v14 =	vor.u32 v6, v14  }
0xec: {  	v0 =	vor.u32 v0, v3;
	[tilespmem:s26+$0x14450] =	vst v10;
	v3 =	vshll.u32 v12, $0x3;
	v1 =	vor.u32 v15, v1  }
0xed: {  	v10 =	vld.idx.msk [tilespmem:v13+s1+$0x0], $0xffff;
	[tilespmem:s28+$0x14450] =	vst v11;
	v1 =	vor.u32 v2, v1;
	v2 =	vand.u32 $0xFFFFFC00, v3;
	v3 =	vshll.u32 v21, $0x3  }
0xee: {  	v11 =	vand.u32 $0x7F, v12;
	v8 =	vld.idx.msk [tilespmem:v8+s1+$0x0], $0xffff;
	v2 =	vadd.s32 v5, v2;
	[tilespmem:s29+$0x14450] =	vst v16;
	v3 =	vand.u32 $0xFFFFFC00, v3  }
0xef: {  	v2 =	vor.u32 v11, v2;
	v5 =	vld.idx.msk [tilespmem:v9+s1+$0x0], $0xffff;
	v9 =	vand.u32 $0x7F, v21;
	[tilespmem:s30+$0x14450] =	vst v18;
	v3 =	vadd.s32 v7, v3  }
0xf0: {  	v2 =	vor.u32 v4, v2;
	v4 =	vld.idx.msk [tilespmem:v14+s1+$0x0], $0xffff;
	v3 =	vor.u32 v9, v3  }
0xf1: {  	v3 =	vor.u32 v6, v3  }
0xf2: {  	[tilespmem:s26+$0x14460] =	vst v10  }
0xf3: {  	v0 =	vld.idx.msk [tilespmem:v0+s1+$0x0], $0xffff;
	[tilespmem:s28+$0x14460] =	vst v8  }
0xf4: {  	v1 =	vld.idx.msk [tilespmem:v1+s1+$0x0], $0xffff;
	[tilespmem:s29+$0x14460] =	vst v5  }
0xf5: {  	v2 =	vld.idx.msk [tilespmem:v2+s1+$0x0], $0xffff;
	[tilespmem:s30+$0x14460] =	vst v4  }
0xf6: {  	v3 =	vld.idx.msk [tilespmem:v3+s1+$0x0], $0xffff;
	_ =	sdelay $0x1  }
0xf7: {  	[tilespmem:s26+$0x14470] =	vst v0  }
0xf8: {  	[tilespmem:s28+$0x14470] =	vst v1  }
0xf9: {  	[tilespmem:s29+$0x14470] =	vst v2  }
0xfa: {  	s0 =	simm.s32 $0x0;
	[tilespmem:s30+$0x14470] =	vst v3  }
0xfb: {  	[hbm4b:s7+s0] =	stream.linear.scatter [tilespmem:s21], [sflag:$0x5], $0x2000, $0x38;
	[tilespmem:$0x16000] =	vst v63  }
0xfc: {  	_ =	swait.ge [sflag:s22], $0x2000  }
0xfd: {  	[sflag:s22] =	ssyncset.done $0x0  }
0xfe: {  	[sflag:s22] =	ssyncadd.s32 $0xFFFFE000  }
0xff: {  	_ =	swait.ge [sflag:s23], $0x8000  }
0x100: {  	[sflag:s23] =	ssyncset.done $0x0  }
0x101: {  	[sflag:s23] =	ssyncadd.s32 $0xFFFF8000  }
0x102: {  	_ =	swait.ge [sflag:s24], $0x2000  }
0x103: {  	[sflag:s24] =	ssyncset.done $0x0  }
0x104: {  	[sflag:s24] =	ssyncadd.s32 $0xFFFFE000  }
0x105: {  	[tilespmem:s0], [sflag:$0x1] =	stream.linear.gather [hbm4b:s8+s0], $0x8000, $0x38;
	[tilespmem:$0x16000] =	vst v63  }
0x106: {  	s26 =	simm.s32 $0x10000  }
0x107: {  	[tilespmem:s26], [sflag:$0x3] =	stream.linear.gather [hbm4b:s9+s0], $0x2000, $0x38;
	[tilespmem:$0x16000] =	vst v63  }
0x108: {  	s16 =	sand.u32 $0x1800, s0;
	s26 =	sand.u32 $0x380, s0  }
0x109: {  	s26 =	sor.u32 s26, s16  }
0x10a: {  	v0 =	vld [tilespmem:s26+$0x12000];
	_ =	sdelay $0x3  }
0x10b: {  	v1 =	vmov s0  }
0x10c: {  	v2 =	vshll.u32 v1, $0xA;
	v4 =	vshll.u32 v0, $0x3  }
0x10d: {  	v3 =	vand.u32 $0x6000, v2;
	v2 =	vand.u32 $0xFFFFFC00, v4  }
0x10e: {  	v1 =	vshll.u32 v1, $0x7;
	v5 =	vld [tilespmem:s26+$0x12010];
	v4 =	vand.u32 $0x7F, v0;
	v2 =	vadd.s32 v3, v2  }
0x10f: {  	v0 =	vand.u32 $0x380, v1;
	v1 =	vor.u32 v4, v2  }
0x110: {  	v1 =	vor.u32 v0, v1;
	_ =	sdelay $0x2  }
0x111: {  	v2 =	vshll.u32 v5, $0x3  }
0x112: {  	v4 =	vld [tilespmem:s26+$0x12020];
	v2 =	vand.u32 $0xFFFFFC00, v2  }
0x113: {  	v5 =	vand.u32 $0x7F, v5;
	v2 =	vadd.s32 v3, v2;
	v1 =	vld.idx.msk [tilespmem:v1+s19+$0x0], $0xffff  }
0x114: {  	v2 =	vor.u32 v5, v2  }
0x115: {  	v2 =	vor.u32 v0, v2;
	_ =	sdelay $0x1  }
0x116: {  	v5 =	vshll.u32 v4, $0x3  }
0x117: {  	[tilespmem:s26+$0x14000] =	vst v1;
	v1 =	vand.u32 $0xFFFFFC00, v5  }
0x118: {  	v4 =	vand.u32 $0x7F, v4;
	v5 =	vld [tilespmem:s26+$0x12030];
	v1 =	vadd.s32 v3, v1  }
0x119: {  	v2 =	vld.idx.msk [tilespmem:v2+s19+$0x0], $0xffff;
	v1 =	vor.u32 v4, v1  }
0x11a: {  	v1 =	vor.u32 v0, v1;
	_ =	sdelay $0x2  }
0x11b: {  	s0 =	simm.s32 $0x80;
	s16 =	simm.s32 $0x100;
	v4 =	vshll.u32 v5, $0x3  }
0x11c: {  	s0 =	sand.u32 $0x380, s0;
	s2 =	sand.u32 $0x1800, s16;
	[tilespmem:s26+$0x14010] =	vst v2;
	v2 =	vand.u32 $0xFFFFFC00, v4;
	v4 =	vld [tilespmem:s26+$0x12040]  }
0x11d: {  	s28 =	sor.u32 s0, s2;
	v5 =	vand.u32 $0x7F, v5;
	v2 =	vadd.s32 v3, v2;
	v1 =	vld.idx.msk [tilespmem:v1+s19+$0x0], $0xffff  }
0x11e: {  	v2 =	vor.u32 v5, v2;
	v5 =	vld [tilespmem:s28+$0x12000]  }
0x11f: {  	v2 =	vor.u32 v0, v2  }
0x120: {  	s2 =	simm.s32 $0x1  }
0x121: {  	v6 =	vmov s2;
	v7 =	vshll.u32 v4, $0x3  }
0x122: {  	v9 =	vld [tilespmem:s26+$0x12050];
	v8 =	vshll.u32 v6, $0x7;
	v6 =	vshll.u32 v6, $0xA;
	v7 =	vand.u32 $0xFFFFFC00, v7  }
0x123: {  	v4 =	vand.u32 $0x7F, v4;
	[tilespmem:s26+$0x14020] =	vst v1;
	v7 =	vadd.s32 v3, v7;
	v10 =	vshll.u32 v5, $0x3  }
0x124: {  	v1 =	vand.u32 $0x6000, v6;
	v6 =	vld.idx.msk [tilespmem:v2+s19+$0x0], $0xffff;
	v2 =	vor.u32 v4, v7;
	v4 =	vand.u32 $0xFFFFFC00, v10  }
0x125: {  	v5 =	vand.u32 $0x7F, v5;
	v10 =	vld [tilespmem:s28+$0x12010];
	v7 =	vor.u32 v0, v2;
	v4 =	vadd.s32 v1, v4  }
0x126: {  	v2 =	vand.u32 $0x380, v8;
	v4 =	vor.u32 v5, v4  }
0x127: {  	v5 =	vshll.u32 v9, $0x3;
	v4 =	vor.u32 v2, v4  }
0x128: {  	v8 =	vld [tilespmem:s26+$0x12060];
	v5 =	vand.u32 $0xFFFFFC00, v5  }
0x129: {  	v5 =	vadd.s32 v3, v5;
	[tilespmem:s26+$0x14030] =	vst v6;
	v6 =	vand.u32 $0x7F, v9  }
0x12a: {  	v7 =	vld.idx.msk [tilespmem:v7+s19+$0x0], $0xffff;
	v5 =	vor.u32 v6, v5;
	v6 =	vshll.u32 v10, $0x3  }
0x12b: {  	v11 =	vld [tilespmem:s28+$0x12020];
	v5 =	vor.u32 v0, v5;
	v6 =	vand.u32 $0xFFFFFC00, v6  }
0x12c: {  	v9 =	vand.u32 $0x7F, v10;
	v4 =	vld.idx.msk [tilespmem:v4+s19+$0x0], $0xffff;
	v6 =	vadd.s32 v1, v6  }
0x12d: {  	v10 =	vshll.u32 v8, $0x3;
	v6 =	vor.u32 v9, v6  }
0x12e: {  	v10 =	vand.u32 $0xFFFFFC00, v10;
	v9 =	vld [tilespmem:s26+$0x12070];
	v6 =	vor.u32 v2, v6  }
0x12f: {  	[tilespmem:s26+$0x14040] =	vst v7;
	v7 =	vand.u32 $0x7F, v8;
	v8 =	vadd.s32 v3, v10  }
0x130: {  	v5 =	vld.idx.msk [tilespmem:v5+s19+$0x0], $0xffff;
	v7 =	vor.u32 v7, v8  }
0x131: {  	v12 =	vld [tilespmem:s26+$0x12400];
	v7 =	vor.u32 v0, v7;
	[tilespmem:s28+$0x14000] =	vst v4;
	v4 =	vshll.u32 v11, $0x3  }
0x132: {  	v8 =	vld [tilespmem:s28+$0x12030];
	v4 =	vand.u32 $0xFFFFFC00, v4  }
0x133: {  	v11 =	vand.u32 $0x7F, v11;
	v10 =	vshll.u32 v9, $0x3;
	v6 =	vld.idx.msk [tilespmem:v6+s19+$0x0], $0xffff;
	v4 =	vadd.s32 v1, v4  }
0x134: {  	v10 =	vand.u32 $0xFFFFFC00, v10;
	v4 =	vor.u32 v11, v4  }
0x135: {  	[tilespmem:s26+$0x14050] =	vst v5;
	v5 =	vand.u32 $0x7F, v9;
	v9 =	vadd.s32 v3, v10;
	v4 =	vor.u32 v2, v4;
	v10 =	vld [tilespmem:s26+$0x12410]  }
0x136: {  	v7 =	vld.idx.msk [tilespmem:v7+s19+$0x0], $0xffff;
	v5 =	vor.u32 v5, v9  }
0x137: {  	v9 =	vshll.u32 v8, $0x3;
	v5 =	vor.u32 v0, v5  }
0x138: {  	v11 =	vshll.u32 v12, $0x3;
	[tilespmem:s28+$0x14010] =	vst v6;
	v6 =	vand.u32 $0xFFFFFC00, v9;
	v9 =	vld [tilespmem:s28+$0x12040]  }
0x139: {  	s0 =	simm.s32 $0x2;
	v12 =	vand.u32 $0x7F, v12;
	v8 =	vand.u32 $0x7F, v8;
	v6 =	vadd.s32 v1, v6  }
0x13a: {  	s16 =	simm.s32 $0x200;
	s2 =	simm.s32 $0x100;
	v11 =	vand.u32 $0xFFFFFC00, v11;
	v4 =	vld.idx.msk [tilespmem:v4+s19+$0x0], $0xffff;
	v6 =	vor.u32 v8, v6;
	v8 =	vmov s0  }
0x13b: {  	v13 =	vld [tilespmem:s26+$0x12420];
	s16 =	sand.u32 $0x1800, s16;
	s2 =	sand.u32 $0x380, s2;
	v16 =	vshll.u32 v10, $0x3;
	[tilespmem:s26+$0x14060] =	vst v7;
	v7 =	vadd.s32 v3, v11;
	v6 =	vor.u32 v2, v6  }
0x13c: {  	s29 =	sor.u32 s2, s16;
	v10 =	vand.u32 $0x7F, v10;
	v11 =	vld.idx.msk [tilespmem:v5+s19+$0x0], $0xffff;
	v5 =	vor.u32 v12, v7;
	v7 =	vshll.u32 v8, $0x7  }
0x13d: {  	v15 =	vld [tilespmem:s29+$0x12000];
	v12 =	vor.u32 v0, v5;
	v5 =	vshll.u32 v8, $0xA;
	v8 =	vshll.u32 v9, $0x3  }
0x13e: {  	v14 =	vld [tilespmem:s28+$0x12050];
	v16 =	vand.u32 $0xFFFFFC00, v16;
	v8 =	vand.u32 $0xFFFFFC00, v8;
	v5 =	vand.u32 $0x6000, v5  }
0x13f: {  	v17 =	vld [tilespmem:s29+$0x12010];
	[tilespmem:s28+$0x14020] =	vst v4;
	v4 =	vand.u32 $0x7F, v9;
	v8 =	vadd.s32 v1, v8;
	v9 =	vadd.s32 v3, v16  }
0x140: {  	v6 =	vld.idx.msk [tilespmem:v6+s19+$0x0], $0xffff;
	v8 =	vor.u32 v4, v8;
	v9 =	vor.u32 v10, v9;
	v4 =	vand.u32 $0x380, v7  }
0x141: {  	v10 =	vshll.u32 v13, $0x3;
	v13 =	vand.u32 $0x7F, v13;
	[tilespmem:s26+$0x14070] =	vst v11;
	v8 =	vor.u32 v2, v8  }
0x142: {  	v9 =	vor.u32 v0, v9;
	v11 =	vshll.u32 v15, $0x3;
	v15 =	vand.u32 $0x7F, v15;
	v7 =	vld.idx.msk [tilespmem:v12+s19+$0x0], $0xffff  }
0x143: {  	v18 =	vld [tilespmem:s28+$0x12060];
	v10 =	vand.u32 $0xFFFFFC00, v10;
	v12 =	vshll.u32 v14, $0x3;
	v11 =	vand.u32 $0xFFFFFC00, v11  }
0x144: {  	v16 =	vld [tilespmem:s26+$0x12430];
	v10 =	vadd.s32 v3, v10;
	v11 =	vadd.s32 v5, v11;
	v12 =	vand.u32 $0xFFFFFC00, v12  }
0x145: {  	v10 =	vor.u32 v13, v10;
	v13 =	vshll.u32 v17, $0x3;
	[tilespmem:s28+$0x14030] =	vst v6;
	v6 =	vor.u32 v15, v11  }
0x146: {  	v19 =	vld [tilespmem:s29+$0x12020];
	v12 =	vadd.s32 v1, v12;
	v11 =	vand.u32 $0x7F, v14;
	v6 =	vor.u32 v4, v6  }
0x147: {  	v17 =	vand.u32 $0x7F, v17;
	v10 =	vor.u32 v0, v10;
	v8 =	vld.idx.msk [tilespmem:v8+s19+$0x0], $0xffff;
	[tilespmem:s26+$0x14400] =	vst v7;
	v7 =	vor.u32 v11, v12  }
0x148: {  	v13 =	vand.u32 $0xFFFFFC00, v13;
	v14 =	vshll.u32 v18, $0x3;
	v9 =	vld.idx.msk [tilespmem:v9+s19+$0x0], $0xffff;
	v7 =	vor.u32 v2, v7  }
0x149: {  	v15 =	vld [tilespmem:s28+$0x12070];
	v13 =	vadd.s32 v5, v13;
	v14 =	vand.u32 $0xFFFFFC00, v14;
	v11 =	vshll.u32 v16, $0x3  }
0x14a: {  	v13 =	vor.u32 v17, v13;
	v17 =	vand.u32 $0x7F, v18;
	v12 =	vld [tilespmem:s26+$0x12440];
	v11 =	vand.u32 $0xFFFFFC00, v11  }
0x14b: {  	v14 =	vadd.s32 v1, v14;
	v16 =	vand.u32 $0x7F, v16;
	v11 =	vadd.s32 v3, v11;
	v6 =	vld.idx.msk [tilespmem:v6+s19+$0x0], $0xffff  }
0x14c: {  	v20 =	vld [tilespmem:s26+$0x12450];
	s16 =	simm.s32 $0x3;
	v13 =	vor.u32 v4, v13;
	v11 =	vor.u32 v16, v11;
	v16 =	vshll.u32 v19, $0x3;
	[tilespmem:s28+$0x14040] =	vst v8  }
0x14d: {  	v8 =	vor.u32 v17, v14;
	v14 =	vmov s16;
	v11 =	vor.u32 v0, v11;
	v7 =	vld.idx.msk [tilespmem:v7+s19+$0x0], $0xffff;
	[tilespmem:s26+$0x14410] =	vst v9  }
0x14e: {  	v17 =	vshll.u32 v15, $0x3;
	v16 =	vand.u32 $0xFFFFFC00, v16;
	v15 =	vand.u32 $0x7F, v15;
	v10 =	vld.idx.msk [tilespmem:v10+s19+$0x0], $0xffff  }
0x14f: {  	v22 =	vld [tilespmem:s26+$0x12470];
	v8 =	vor.u32 v2, v8;
	v18 =	vshll.u32 v12, $0x3;
	v16 =	vadd.s32 v5, v16  }
0x150: {  	v17 =	vand.u32 $0xFFFFFC00, v17;
	v18 =	vand.u32 $0xFFFFFC00, v18;
	[tilespmem:s29+$0x14000] =	vst v6;
	v6 =	vand.u32 $0x7F, v19;
	v19 =	vld [tilespmem:s29+$0x12030]  }
0x151: {  	v21 =	vld [tilespmem:s28+$0x12400];
	v18 =	vadd.s32 v3, v18;
	v6 =	vor.u32 v6, v16;
	v16 =	vadd.s32 v1, v17  }
0x152: {  	v9 =	vshll.u32 v14, $0x7;
	v17 =	vld.idx.msk [tilespmem:v13+s19+$0x0], $0xffff;
	[tilespmem:s28+$0x14050] =	vst v7;
	v23 =	vor.u32 v4, v6;
	v6 =	vor.u32 v15, v16  }
0x153: {  	v13 =	vld [tilespmem:s26+$0x12460];
	v7 =	vand.u32 $0x7F, v12;
	v16 =	vand.u32 $0x7F, v20;
	[tilespmem:s26+$0x14420] =	vst v10;
	v10 =	vshll.u32 v14, $0xA  }
0x154: {  	v8 =	vld.idx.msk [tilespmem:v8+s19+$0x0], $0xffff;
	v14 =	vor.u32 v2, v6;
	v12 =	vor.u32 v7, v18;
	v6 =	vand.u32 $0x380, v9  }
0x155: {  	v18 =	vshll.u32 v20, $0x3;
	v11 =	vld.idx.msk [tilespmem:v11+s19+$0x0], $0xffff;
	v7 =	vand.u32 $0x6000, v10;
	v10 =	vshll.u32 v19, $0x3  }
0x156: {  	v15 =	vld [tilespmem:s28+$0x12410];
	v20 =	vshll.u32 v21, $0x3;
	v9 =	vor.u32 v0, v12;
	v10 =	vand.u32 $0xFFFFFC00, v10  }
0x157: {  	v12 =	vld [tilespmem:s28+$0x12420];
	[tilespmem:s29+$0x14010] =	vst v17;
	v17 =	vand.u32 $0x7F, v19;
	v19 =	vand.u32 $0xFFFFFC00, v20;
	v10 =	vadd.s32 v5, v10  }
0x158: {  	v10 =	vor.u32 v17, v10;
	v17 =	vadd.s32 v1, v19;
	v19 =	vld [tilespmem:s29+$0x12040]  }
0x159: {  	v63 =	vand.u32 $0x7F, v21;
	v18 =	vand.u32 $0xFFFFFC00, v18;
	v20 =	vld.idx.msk [tilespmem:v23+s19+$0x0], $0xffff;
	[tilespmem:s28+$0x14060] =	vst v8;
	v21 =	vor.u32 v4, v10  }
0x15a: {  	v8 =	vor.u32 v63, v17;
	v10 =	vadd.s32 v3, v18;
	v17 =	vld.idx.msk [tilespmem:v14+s19+$0x0], $0xffff;
	[tilespmem:s26+$0x14430] =	vst v11  }
0x15b: {  	s31 =	simm.s32 $0x300;
	s30 =	simm.s32 $0x180;
	v14 =	vand.u32 $0x7F, v13;
	v18 =	vor.u32 v2, v8;
	v10 =	vor.u32 v16, v10;
	v9 =	vld.idx.msk [tilespmem:v9+s19+$0x0], $0xffff  }
0x15c: {  	s2 =	sand.u32 $0x1800, s31;
	s0 =	simm.s32 $0x4;
	s16 =	sand.u32 $0x380, s30;
	v11 =	vshll.u32 v22, $0x3;
	v8 =	vand.u32 $0x7F, v22;
	v10 =	vor.u32 v0, v10  }
.LBB2_4:
0x15d: {  	p0 =	sne.s32 s0, $0x1F;
	s2 =	sor.u32 s16, s2;
	v16 =	vshll.u32 v19, $0x3;
	v22 =	vld [tilespmem:s29+$0x12050];
	v23 =	vand.u32 $0x7F, v12;
	v13 =	vshll.u32 v13, $0x3  }
0x15e: {  	v24 =	vld [tilespmem:s2+$0x12000];
	[tilespmem:s29+$0x14020] =	vst v20;
	v16 =	vand.u32 $0xFFFFFC00, v16;
	v20 =	vand.u32 $0x7F, v15;
	v15 =	vshll.u32 v15, $0x3  }
0x15f: {  	v19 =	vand.u32 $0x7F, v19;
	v21 =	vld.idx.msk [tilespmem:v21+s19+$0x0], $0xffff;
	v16 =	vadd.s32 v5, v16;
	[tilespmem:s28+$0x14070] =	vst v17;
	v15 =	vand.u32 $0xFFFFFC00, v15  }
0x160: {  	v16 =	vor.u32 v19, v16;
	v17 =	vld.idx.msk [tilespmem:v18+s19+$0x0], $0xffff;
	v15 =	vadd.s32 v1, v15;
	[tilespmem:s26+$0x14440] =	vst v9;
	v9 =	vand.u32 $0xFFFFFC00, v13  }
0x161: {  	v13 =	vor.u32 v4, v16;
	v15 =	vor.u32 v20, v15;
	v10 =	vld.idx.msk [tilespmem:v10+s19+$0x0], $0xffff;
	v9 =	vadd.s32 v3, v9  }
0x162: {  	v12 =	vshll.u32 v12, $0x3;
	v15 =	vor.u32 v2, v15;
	v16 =	vld [tilespmem:s28+$0x12470];
	v9 =	vor.u32 v14, v9  }
0x163: {  	v18 =	vshll.u32 v22, $0x3;
	v14 =	vshll.u32 v24, $0x3;
	v19 =	vld [tilespmem:s28+$0x12430];
	v9 =	vor.u32 v0, v9  }
0x164: {  	v12 =	vand.u32 $0xFFFFFC00, v12;
	v20 =	vand.u32 $0x7F, v24;
	v14 =	vand.u32 $0xFFFFFC00, v14;
	v24 =	vld [tilespmem:s29+$0x12060]  }
0x165: {  	v12 =	vadd.s32 v1, v12;
	v18 =	vand.u32 $0xFFFFFC00, v18;
	v14 =	vadd.s32 v7, v14;
	v25 =	vld [tilespmem:s2+$0x12010];
	[tilespmem:s29+$0x14030] =	vst v21  }
0x166: {  	v18 =	vadd.s32 v5, v18;
	v14 =	vor.u32 v20, v14;
	v13 =	vld.idx.msk [tilespmem:v13+s19+$0x0], $0xffff;
	v20 =	vand.u32 $0x7F, v22;
	[tilespmem:s28+$0x14400] =	vst v17  }
0x167: {  	v14 =	vor.u32 v6, v14;
	v17 =	vor.u32 v20, v18;
	v15 =	vld.idx.msk [tilespmem:v15+s19+$0x0], $0xffff;
	[tilespmem:s26+$0x14450] =	vst v10;
	v10 =	vand.u32 $0xFFFFFC00, v11  }
0x168: {  	v12 =	vor.u32 v23, v12;
	v11 =	vor.u32 v4, v17;
	v9 =	vld.idx.msk [tilespmem:v9+s19+$0x0], $0xffff;
	v18 =	vadd.s32 v3, v10  }
0x169: {  	v10 =	vor.u32 v2, v12;
	v12 =	vshll.u32 v19, $0x3;
	v3 =	vmovc v1;
	v1 =	vmovc v5;
	v17 =	vld [tilespmem:s28+$0x12440];
	v8 =	vor.u32 v8, v18  }
0x16a: {  	v5 =	vmovc v7;
	v20 =	vshll.u32 v24, $0x3;
	v18 =	vshll.u32 v25, $0x3;
	v21 =	vld [tilespmem:s29+$0x12070];
	v8 =	vor.u32 v0, v8;
	v0 =	vmovc v2  }
0x16b: {  	v12 =	vand.u32 $0xFFFFFC00, v12;
	v7 =	vand.u32 $0x7F, v25;
	v2 =	vmovc v4;
	v4 =	vmovc v6;
	v18 =	vand.u32 $0xFFFFFC00, v18;
	v22 =	vld [tilespmem:s2+$0x12020]  }
0x16c: {  	v12 =	vadd.s32 v3, v12;
	v6 =	vld.idx.msk [tilespmem:v14+s19+$0x0], $0xffff;
	v14 =	vadd.s32 v5, v18;
	[tilespmem:s29+$0x14040] =	vst v13;
	v13 =	vand.u32 $0xFFFFFC00, v20  }
0x16d: {  	v7 =	vor.u32 v7, v14;
	v11 =	vld.idx.msk [tilespmem:v11+s19+$0x0], $0xffff;
	v14 =	vand.u32 $0x7F, v24;
	v13 =	vadd.s32 v1, v13;
	[tilespmem:s28+$0x14410] =	vst v15  }
0x16e: {  	v7 =	vor.u32 v4, v7;
	v13 =	vor.u32 v14, v13;
	v10 =	vld.idx.msk [tilespmem:v10+s19+$0x0], $0xffff;
	v14 =	vand.u32 $0x7F, v19;
	[tilespmem:s26+$0x14460] =	vst v9  }
0x16f: {  	v9 =	vmov s0;
	v13 =	vor.u32 v2, v13;
	v12 =	vor.u32 v14, v12;
	v8 =	vld.idx.msk [tilespmem:v8+s19+$0x0], $0xffff  }
0x170: {  	v14 =	vshll.u32 v9, $0x7;
	v12 =	vor.u32 v0, v12;
	v18 =	vld [tilespmem:s28+$0x12450]  }
0x171: {  	v23 =	vshll.u32 v17, $0x3;
	v19 =	vshll.u32 v21, $0x3;
	v15 =	vshll.u32 v22, $0x3;
	v20 =	vld [tilespmem:s29+$0x12400]  }
0x172: {  	v23 =	vand.u32 $0xFFFFFC00, v23;
	v15 =	vand.u32 $0xFFFFFC00, v15;
	[tilespmem:s2+$0x14000] =	vst v6;
	v6 =	vand.u32 $0x7F, v22;
	v22 =	vld [tilespmem:s2+$0x12030]  }
0x173: {  	v24 =	vld.idx.msk [tilespmem:v7+s19+$0x0], $0xffff;
	v7 =	vadd.s32 v5, v15;
	[tilespmem:s29+$0x14050] =	vst v11;
	v11 =	vand.u32 $0xFFFFFC00, v19;
	v15 =	vadd.s32 v3, v23  }
0x174: {  	v6 =	vor.u32 v6, v7;
	v23 =	vld.idx.msk [tilespmem:v13+s19+$0x0], $0xffff;
	v7 =	vand.u32 $0x7F, v21;
	v11 =	vadd.s32 v1, v11;
	[tilespmem:s28+$0x14420] =	vst v10  }
0x175: {  	v10 =	vor.u32 v4, v6;
	v6 =	vor.u32 v7, v11;
	v11 =	vld.idx.msk [tilespmem:v12+s19+$0x0], $0xffff;
	v7 =	vand.u32 $0x7F, v17;
	[tilespmem:s26+$0x14470] =	vst v8;
	s26 =	smov.u32 s28;
	s28 =	smov.u32 s29;
	s29 =	smov.u32 s2  }
0x176: {  	v8 =	vshll.u32 v9, $0xA;
	v9 =	vor.u32 v2, v6;
	v15 =	vor.u32 v7, v15;
	v13 =	vld [tilespmem:s26+$0x12460]  }
0x177: {  	v7 =	vand.u32 $0x6000, v8;
	v6 =	vand.u32 $0x380, v14;
	v12 =	vld [tilespmem:s28+$0x12420];
	v8 =	vor.u32 v0, v15  }
0x178: {  	v25 =	vand.u32 $0x7F, v18;
	v18 =	vshll.u32 v18, $0x3;
	v14 =	vshll.u32 v22, $0x3;
	v15 =	vld [tilespmem:s28+$0x12410]  }
0x179: {  	v17 =	vshll.u32 v20, $0x3;
	v14 =	vand.u32 $0xFFFFFC00, v14;
	[tilespmem:s29+$0x14010] =	vst v24;
	v19 =	vld [tilespmem:s29+$0x12040];
	v24 =	vand.u32 $0x7F, v20  }
.Ltmp1:
0x17a: {  	v21 =	vand.u32 $0xFFFFFC00, v17;
	v14 =	vadd.s32 v5, v14;
	v20 =	vld.idx.msk [tilespmem:v10+s19+$0x0], $0xffff;
	v10 =	vand.u32 $0x7F, v22;
	[tilespmem:s28+$0x14060] =	vst v23;
	(pc) =	sbr.rel @p0 .LBB2_4-.Ltmp1, $4  }
0x17b: {  	v10 =	vor.u32 v10, v14;
	v17 =	vld.idx.msk [tilespmem:v9+s19+$0x0], $0xffff;
	v9 =	vadd.s32 v1, v21;
	[tilespmem:s26+$0x14430] =	vst v11;
	v11 =	vand.u32 $0xFFFFFC00, v18  }
0x17c: {  	v21 =	vor.u32 v4, v10;
	v10 =	vor.u32 v24, v9;
	v9 =	vld.idx.msk [tilespmem:v8+s19+$0x0], $0xffff;
	v8 =	vadd.s32 v3, v11  }
0x17d: {  	s30 =	sadd.s32 $0x80, s30;
	s31 =	sadd.s32 $0x100, s31;
	v18 =	vor.u32 v2, v10;
	v10 =	vor.u32 v25, v8;
	v8 =	vand.u32 $0x7F, v16  }
0x17e: {  	s16 =	sand.u32 $0x380, s30;
	s0 =	sadd.s32 $0x1, s0;
	s2 =	sand.u32 $0x1800, s31;
	v14 =	vand.u32 $0x7F, v13;
	v11 =	vshll.u32 v16, $0x3;
	v10 =	vor.u32 v0, v10  }
0x17f: {  	s30 =	sor.u32 s16, s2  }
0x180: {  	v16 =	vld [tilespmem:s30+$0x12000];
	_ =	sdelay $0x4  }
0x181: {  	v22 =	vshll.u32 v16, $0x3  }
0x182: {  	v23 =	vld [tilespmem:s30+$0x12010];
	v22 =	vand.u32 $0xFFFFFC00, v22  }
0x183: {  	v16 =	vand.u32 $0x7F, v16;
	v22 =	vadd.s32 v7, v22  }
0x184: {  	v16 =	vor.u32 v16, v22  }
0x185: {  	v16 =	vor.u32 v6, v16;
	_ =	sdelay $0x1  }
0x186: {  	v22 =	vshll.u32 v23, $0x3  }
0x187: {  	v24 =	vld [tilespmem:s30+$0x12020];
	v22 =	vand.u32 $0xFFFFFC00, v22  }
0x188: {  	v23 =	vand.u32 $0x7F, v23;
	v22 =	vadd.s32 v7, v22  }
0x189: {  	v22 =	vor.u32 v23, v22;
	v16 =	vld.idx.msk [tilespmem:v16+s19+$0x0], $0xffff  }
0x18a: {  	v22 =	vor.u32 v6, v22;
	_ =	sdelay $0x1  }
0x18b: {  	v23 =	vshll.u32 v24, $0x3  }
0x18c: {  	v25 =	vld [tilespmem:s30+$0x12030];
	v23 =	vand.u32 $0xFFFFFC00, v23  }
0x18d: {  	v23 =	vadd.s32 v7, v23;
	[tilespmem:s30+$0x14000] =	vst v16;
	v16 =	vand.u32 $0x7F, v24  }
0x18e: {  	v22 =	vld.idx.msk [tilespmem:v22+s19+$0x0], $0xffff;
	v16 =	vor.u32 v16, v23  }
0x18f: {  	v16 =	vor.u32 v6, v16;
	_ =	sdelay $0x1  }
0x190: {  	v23 =	vshll.u32 v25, $0x3  }
0x191: {  	v33 =	vld [tilespmem:s30+$0x12040];
	v23 =	vand.u32 $0xFFFFFC00, v23  }
0x192: {  	v23 =	vadd.s32 v7, v23;
	[tilespmem:s30+$0x14010] =	vst v22;
	v22 =	vand.u32 $0x7F, v25  }
0x193: {  	v16 =	vld.idx.msk [tilespmem:v16+s19+$0x0], $0xffff;
	v22 =	vor.u32 v22, v23  }
0x194: {  	v22 =	vor.u32 v6, v22  }
0x195: {  	v23 =	vshll.u32 v19, $0x3  }
0x196: {  	v34 =	vld [tilespmem:s29+$0x12050];
	v26 =	vshll.u32 v33, $0x3;
	v23 =	vand.u32 $0xFFFFFC00, v23  }
0x197: {  	[tilespmem:s29+$0x14020] =	vst v20;
	v26 =	vand.u32 $0xFFFFFC00, v26;
	v19 =	vand.u32 $0x7F, v19;
	v20 =	vadd.s32 v5, v23;
	v23 =	vld [tilespmem:s30+$0x12050]  }
0x198: {  	v21 =	vld.idx.msk [tilespmem:v21+s19+$0x0], $0xffff;
	v19 =	vor.u32 v19, v20;
	v20 =	vadd.s32 v7, v26;
	[tilespmem:s30+$0x14020] =	vst v16;
	v16 =	vand.u32 $0x7F, v33  }
0x199: {  	v19 =	vor.u32 v4, v19;
	v22 =	vld.idx.msk [tilespmem:v22+s19+$0x0], $0xffff;
	v16 =	vor.u32 v16, v20  }
0x19a: {  	v16 =	vor.u32 v6, v16  }
0x19b: {  	v20 =	vshll.u32 v34, $0x3  }
0x19c: {  	v35 =	vld [tilespmem:s29+$0x12060];
	v20 =	vand.u32 $0xFFFFFC00, v20;
	v36 =	vshll.u32 v23, $0x3  }
0x19d: {  	v37 =	vld [tilespmem:s30+$0x12060];
	[tilespmem:s29+$0x14030] =	vst v21;
	v21 =	vand.u32 $0x7F, v34;
	v20 =	vadd.s32 v5, v20;
	v26 =	vand.u32 $0xFFFFFC00, v36  }
0x19e: {  	v19 =	vld.idx.msk [tilespmem:v19+s19+$0x0], $0xffff;
	v20 =	vor.u32 v21, v20;
	v21 =	vand.u32 $0x7F, v23;
	[tilespmem:s30+$0x14030] =	vst v22;
	v22 =	vadd.s32 v7, v26  }
0x19f: {  	v20 =	vor.u32 v4, v20;
	v16 =	vld.idx.msk [tilespmem:v16+s19+$0x0], $0xffff;
	v21 =	vor.u32 v21, v22  }
0x1a0: {  	v21 =	vor.u32 v6, v21  }
0x1a1: {  	v22 =	vshll.u32 v35, $0x3  }
0x1a2: {  	v38 =	vshll.u32 v37, $0x3;
	v23 =	vld [tilespmem:s29+$0x12070];
	v22 =	vand.u32 $0xFFFFFC00, v22  }
0x1a3: {  	v39 =	vld [tilespmem:s30+$0x12070];
	v26 =	vand.u32 $0xFFFFFC00, v38;
	[tilespmem:s29+$0x14040] =	vst v19;
	v19 =	vand.u32 $0x7F, v35;
	v22 =	vadd.s32 v5, v22  }
0x1a4: {  	v20 =	vld.idx.msk [tilespmem:v20+s19+$0x0], $0xffff;
	v19 =	vor.u32 v19, v22;
	v22 =	vadd.s32 v7, v26;
	[tilespmem:s30+$0x14040] =	vst v16;
	v16 =	vand.u32 $0x7F, v37  }
0x1a5: {  	[tilespmem:s28+$0x14070] =	vst v17;
	v17 =	vor.u32 v4, v19;
	v19 =	vld.idx.msk [tilespmem:v21+s19+$0x0], $0xffff;
	v16 =	vor.u32 v16, v22  }
0x1a6: {  	v40 =	vld [tilespmem:s29+$0x12400];
	v44 =	vshll.u32 v12, $0x3;
	v16 =	vor.u32 v6, v16  }
0x1a7: {  	v12 =	vand.u32 $0x7F, v12;
	v13 =	vshll.u32 v13, $0x3;
	v22 =	vshll.u32 v23, $0x3  }
0x1a8: {  	v11 =	vand.u32 $0xFFFFFC00, v11;
	v27 =	vshll.u32 v39, $0x3;
	v22 =	vand.u32 $0xFFFFFC00, v22  }
0x1a9: {  	v27 =	vand.u32 $0xFFFFFC00, v27;
	[tilespmem:s29+$0x14050] =	vst v20;
	v20 =	vand.u32 $0x7F, v23;
	v22 =	vadd.s32 v5, v22;
	v23 =	vld [tilespmem:s30+$0x12400]  }
0x1aa: {  	v17 =	vld.idx.msk [tilespmem:v17+s19+$0x0], $0xffff;
	v20 =	vor.u32 v20, v22;
	v22 =	vadd.s32 v7, v27;
	[tilespmem:s30+$0x14050] =	vst v19;
	v19 =	vand.u32 $0x7F, v39  }
0x1ab: {  	v43 =	vshll.u32 v40, $0x3;
	v20 =	vor.u32 v4, v20;
	v16 =	vld.idx.msk [tilespmem:v16+s19+$0x0], $0xffff;
	v19 =	vor.u32 v19, v22  }
0x1ac: {  	v13 =	vand.u32 $0xFFFFFC00, v13;
	v18 =	vld.idx.msk [tilespmem:v18+s19+$0x0], $0xffff;
	v24 =	vand.u32 $0xFFFFFC00, v43;
	v19 =	vor.u32 v6, v19  }
0x1ad: {  	v13 =	vadd.s32 v3, v13;
	v24 =	vadd.s32 v5, v24;
	v25 =	vand.u32 $0x7F, v40  }
0x1ae: {  	v28 =	vld [tilespmem:s29+$0x12410];
	v24 =	vor.u32 v25, v24;
	v21 =	vand.u32 $0x7F, v15;
	v29 =	vshll.u32 v23, $0x3  }
0x1af: {  	v46 =	vld [tilespmem:s30+$0x12410];
	v15 =	vshll.u32 v15, $0x3;
	[tilespmem:s29+$0x14060] =	vst v17;
	v17 =	vand.u32 $0xFFFFFC00, v44;
	v47 =	vand.u32 $0xFFFFFC00, v29  }
0x1b0: {  	[tilespmem:s30+$0x14060] =	vst v16;
	v16 =	vadd.s32 v1, v17;
	v17 =	vld.idx.msk [tilespmem:v20+s19+$0x0], $0xffff;
	v20 =	vand.u32 $0x7F, v23;
	v23 =	vadd.s32 v7, v47  }
0x1b1: {  	[tilespmem:s28+$0x14400] =	vst v18;
	v18 =	vor.u32 v4, v24;
	v41 =	vand.u32 $0xFFFFFC00, v15;
	v19 =	vld.idx.msk [tilespmem:v19+s19+$0x0], $0xffff;
	v20 =	vor.u32 v20, v23  }
0x1b2: {  	v42 =	vadd.s32 v1, v41;
	v22 =	vld [tilespmem:s28+$0x12430];
	v12 =	vor.u32 v12, v16;
	v16 =	vor.u32 v6, v20  }
0x1b3: {  	v45 =	vld [tilespmem:s29+$0x12420];
	v13 =	vor.u32 v14, v13;
	v21 =	vor.u32 v21, v42;
	v20 =	vshll.u32 v28, $0x3  }
0x1b4: {  	v54 =	vld [tilespmem:s29+$0x12440];
	v48 =	vshll.u32 v46, $0x3;
	v21 =	vor.u32 v2, v21;
	v20 =	vand.u32 $0xFFFFFC00, v20  }
0x1b5: {  	v49 =	vand.u32 $0x7F, v28;
	v24 =	vand.u32 $0xFFFFFC00, v48;
	[tilespmem:s29+$0x14070] =	vst v17;
	v17 =	vadd.s32 v5, v20;
	v20 =	vld [tilespmem:s30+$0x12420]  }
0x1b6: {  	v25 =	vand.u32 $0x7F, v46;
	v18 =	vld.idx.msk [tilespmem:v18+s19+$0x0], $0xffff;
	v17 =	vor.u32 v49, v17;
	[tilespmem:s30+$0x14070] =	vst v19;
	v19 =	vadd.s32 v7, v24  }
0x1b7: {  	v50 =	vshll.u32 v22, $0x3;
	v17 =	vor.u32 v4, v17;
	v16 =	vld.idx.msk [tilespmem:v16+s19+$0x0], $0xffff;
	v19 =	vor.u32 v25, v19  }
0x1b8: {  	v51 =	vshll.u32 v45, $0x3;
	v23 =	vld [tilespmem:s28+$0x12440];
	v14 =	vand.u32 $0xFFFFFC00, v50;
	v19 =	vor.u32 v6, v19  }
0x1b9: {  	v21 =	vld.idx.msk [tilespmem:v21+s19+$0x0], $0xffff;
	v22 =	vand.u32 $0x7F, v22;
	v12 =	vor.u32 v2, v12;
	v14 =	vadd.s32 v1, v14  }
0x1ba: {  	v14 =	vor.u32 v22, v14;
	v22 =	vld [tilespmem:s29+$0x12430];
	v24 =	vand.u32 $0xFFFFFC00, v51;
	v52 =	vshll.u32 v20, $0x3  }
0x1bb: {  	v53 =	vand.u32 $0x7F, v45;
	v24 =	vadd.s32 v5, v24;
	[tilespmem:s29+$0x14400] =	vst v18;
	v18 =	vld [tilespmem:s30+$0x12430];
	v25 =	vand.u32 $0xFFFFFC00, v52  }
0x1bc: {  	v24 =	vor.u32 v53, v24;
	v20 =	vand.u32 $0x7F, v20;
	v17 =	vld.idx.msk [tilespmem:v17+s19+$0x0], $0xffff;
	v25 =	vadd.s32 v7, v25;
	[tilespmem:s30+$0x14400] =	vst v16  }
0x1bd: {  	v24 =	vor.u32 v4, v24;
	v16 =	vshll.u32 v23, $0x3;
	v19 =	vld.idx.msk [tilespmem:v19+s19+$0x0], $0xffff;
	v20 =	vor.u32 v20, v25  }
0x1be: {  	v58 =	vld [tilespmem:s29+$0x12450];
	[tilespmem:s28+$0x14410] =	vst v21;
	v14 =	vor.u32 v2, v14;
	v16 =	vand.u32 $0xFFFFFC00, v16;
	v20 =	vor.u32 v6, v20  }
0x1bf: {  	v21 =	vld.idx.msk [tilespmem:v12+s19+$0x0], $0xffff;
	v55 =	vshll.u32 v22, $0x3;
	v23 =	vand.u32 $0x7F, v23;
	v16 =	vadd.s32 v1, v16  }
0x1c0: {  	v56 =	vld [tilespmem:s30+$0x12440];
	v16 =	vor.u32 v23, v16;
	v23 =	vand.u32 $0xFFFFFC00, v55;
	v57 =	vshll.u32 v18, $0x3  }
0x1c1: {  	v60 =	vld [tilespmem:s30+$0x12450];
	v22 =	vand.u32 $0x7F, v22;
	v23 =	vadd.s32 v5, v23;
	[tilespmem:s29+$0x14410] =	vst v17;
	v26 =	vand.u32 $0xFFFFFC00, v57  }
0x1c2: {  	v18 =	vand.u32 $0x7F, v18;
	v22 =	vor.u32 v22, v23;
	v24 =	vld.idx.msk [tilespmem:v24+s19+$0x0], $0xffff;
	v23 =	vadd.s32 v7, v26;
	[tilespmem:s30+$0x14410] =	vst v19  }
0x1c3: {  	v3 =	vadd.s32 v3, v11;
	v19 =	vor.u32 v4, v22;
	v20 =	vld.idx.msk [tilespmem:v20+s19+$0x0], $0xffff;
	v18 =	vor.u32 v18, v23  }
0x1c4: {  	v3 =	vor.u32 v8, v3;
	[tilespmem:s28+$0x14420] =	vst v21;
	v17 =	vld [tilespmem:s28+$0x12450];
	v18 =	vor.u32 v6, v18  }
0x1c5: {  	v13 =	vor.u32 v0, v13;
	v61 =	vand.u32 $0x7F, v58;
	v21 =	vshll.u32 v54, $0x3;
	v14 =	vld.idx.msk [tilespmem:v14+s19+$0x0], $0xffff  }
0x1c6: {  	v21 =	vand.u32 $0xFFFFFC00, v21;
	v16 =	vor.u32 v2, v16;
	v22 =	vshll.u32 v56, $0x3  }
0x1c7: {  	v25 =	vand.u32 $0x7F, v54;
	v21 =	vadd.s32 v5, v21;
	v23 =	vld [tilespmem:s28+$0x12460];
	v22 =	vand.u32 $0xFFFFFC00, v22;
	[tilespmem:s29+$0x14420] =	vst v24  }
0x1c8: {  	v27 =	vand.u32 $0x7F, v56;
	v21 =	vor.u32 v25, v21;
	v22 =	vadd.s32 v7, v22;
	[tilespmem:s30+$0x14420] =	vst v20;
	v19 =	vld.idx.msk [tilespmem:v19+s19+$0x0], $0xffff  }
0x1c9: {  	v21 =	vor.u32 v4, v21;
	v22 =	vor.u32 v27, v22;
	v59 =	vshll.u32 v17, $0x3;
	v18 =	vld.idx.msk [tilespmem:v18+s19+$0x0], $0xffff  }
0x1ca: {  	v62 =	vand.u32 $0x7F, v60;
	v15 =	vld [tilespmem:s28+$0x12470];
	[tilespmem:s28+$0x14430] =	vst v14;
	v14 =	vor.u32 v6, v22;
	v20 =	vand.u32 $0xFFFFFC00, v59  }
0x1cb: {  	v8 =	vld.idx.msk [tilespmem:v16+s19+$0x0], $0xffff;
	v16 =	vshll.u32 v58, $0x3;
	v17 =	vand.u32 $0x7F, v17;
	v20 =	vadd.s32 v1, v20  }
0x1cc: {  	v16 =	vand.u32 $0xFFFFFC00, v16;
	v22 =	vshll.u32 v60, $0x3;
	v11 =	vor.u32 v17, v20;
	v20 =	vld [tilespmem:s29+$0x12460]  }
0x1cd: {  	v16 =	vadd.s32 v5, v16;
	v22 =	vand.u32 $0xFFFFFC00, v22;
	v11 =	vor.u32 v2, v11;
	[tilespmem:s29+$0x14430] =	vst v19;
	v19 =	vld [tilespmem:s30+$0x12460]  }
0x1ce: {  	v16 =	vor.u32 v61, v16;
	v17 =	vshll.u32 v23, $0x3;
	v21 =	vld.idx.msk [tilespmem:v21+s19+$0x0], $0xffff;
	[tilespmem:s30+$0x14430] =	vst v18;
	v18 =	vadd.s32 v7, v22  }
0x1cf: {  	[tilespmem:s26+$0x14440] =	vst v9;
	v16 =	vor.u32 v4, v16;
	v17 =	vand.u32 $0xFFFFFC00, v17;
	v14 =	vld.idx.msk [tilespmem:v14+s19+$0x0], $0xffff;
	v18 =	vor.u32 v62, v18  }
0x1d0: {  	v10 =	vld.idx.msk [tilespmem:v10+s19+$0x0], $0xffff;
	v9 =	vand.u32 $0x7F, v23;
	v17 =	vadd.s32 v1, v17;
	v18 =	vor.u32 v6, v18  }
0x1d1: {  	v12 =	vld [tilespmem:s29+$0x12470];
	[tilespmem:s28+$0x14440] =	vst v8;
	v8 =	vor.u32 v9, v17;
	v22 =	vshll.u32 v15, $0x3;
	v9 =	vshll.u32 v20, $0x3  }
0x1d2: {  	v8 =	vor.u32 v2, v8;
	v11 =	vld.idx.msk [tilespmem:v11+s19+$0x0], $0xffff;
	v9 =	vand.u32 $0xFFFFFC00, v9;
	v17 =	vshll.u32 v19, $0x3  }
0x1d3: {  	v20 =	vand.u32 $0x7F, v20;
	v9 =	vadd.s32 v5, v9;
	[tilespmem:s29+$0x14440] =	vst v21;
	v21 =	vld [tilespmem:s30+$0x12470];
	v17 =	vand.u32 $0xFFFFFC00, v17  }
0x1d4: {  	v9 =	vor.u32 v20, v9;
	v19 =	vand.u32 $0x7F, v19;
	v16 =	vld.idx.msk [tilespmem:v16+s19+$0x0], $0xffff;
	[tilespmem:s30+$0x14440] =	vst v14;
	v14 =	vadd.s32 v7, v17  }
0x1d5: {  	v9 =	vor.u32 v4, v9;
	v17 =	vand.u32 $0xFFFFFC00, v22;
	v18 =	vld.idx.msk [tilespmem:v18+s19+$0x0], $0xffff;
	v14 =	vor.u32 v19, v14  }
0x1d6: {  	v15 =	vand.u32 $0x7F, v15;
	v1 =	vadd.s32 v1, v17;
	v14 =	vor.u32 v6, v14  }
0x1d7: {  	v0 =	vor.u32 v0, v3;
	[tilespmem:s26+$0x14450] =	vst v10;
	v3 =	vshll.u32 v12, $0x3;
	v1 =	vor.u32 v15, v1  }
0x1d8: {  	v10 =	vld.idx.msk [tilespmem:v13+s19+$0x0], $0xffff;
	[tilespmem:s28+$0x14450] =	vst v11;
	v1 =	vor.u32 v2, v1;
	v2 =	vand.u32 $0xFFFFFC00, v3;
	v3 =	vshll.u32 v21, $0x3  }
0x1d9: {  	v11 =	vand.u32 $0x7F, v12;
	v8 =	vld.idx.msk [tilespmem:v8+s19+$0x0], $0xffff;
	v2 =	vadd.s32 v5, v2;
	[tilespmem:s29+$0x14450] =	vst v16;
	v3 =	vand.u32 $0xFFFFFC00, v3  }
0x1da: {  	v2 =	vor.u32 v11, v2;
	v5 =	vld.idx.msk [tilespmem:v9+s19+$0x0], $0xffff;
	v9 =	vand.u32 $0x7F, v21;
	[tilespmem:s30+$0x14450] =	vst v18;
	v3 =	vadd.s32 v7, v3  }
0x1db: {  	v2 =	vor.u32 v4, v2;
	v4 =	vld.idx.msk [tilespmem:v14+s19+$0x0], $0xffff;
	v3 =	vor.u32 v9, v3  }
0x1dc: {  	v3 =	vor.u32 v6, v3  }
0x1dd: {  	[tilespmem:s26+$0x14460] =	vst v10  }
0x1de: {  	v0 =	vld.idx.msk [tilespmem:v0+s19+$0x0], $0xffff;
	[tilespmem:s28+$0x14460] =	vst v8  }
0x1df: {  	v1 =	vld.idx.msk [tilespmem:v1+s19+$0x0], $0xffff;
	[tilespmem:s29+$0x14460] =	vst v5  }
0x1e0: {  	v2 =	vld.idx.msk [tilespmem:v2+s19+$0x0], $0xffff;
	[tilespmem:s30+$0x14460] =	vst v4  }
0x1e1: {  	v3 =	vld.idx.msk [tilespmem:v3+s19+$0x0], $0xffff;
	_ =	sdelay $0x1  }
0x1e2: {  	[tilespmem:s26+$0x14470] =	vst v0  }
0x1e3: {  	[tilespmem:s28+$0x14470] =	vst v1  }
0x1e4: {  	[tilespmem:s29+$0x14470] =	vst v2  }
0x1e5: {  	s0 =	simm.s32 $0x0;
	[tilespmem:s30+$0x14470] =	vst v3  }
0x1e6: {  	[hbm4b:s10+s0] =	stream.linear.scatter [tilespmem:s21], [sflag:$0x5], $0x2000, $0x38;
	[tilespmem:$0x16000] =	vst v63  }
0x1e7: {  	_ =	swait.ge [sflag:s22], $0x2000  }
0x1e8: {  	[sflag:s22] =	ssyncset.done $0x0  }
0x1e9: {  	[sflag:s22] =	ssyncadd.s32 $0xFFFFE000  }
0x1ea: {  	_ =	swait.ge [sflag:s17], $0x8000  }
0x1eb: {  	[sflag:s17] =	ssyncset.done $0x0  }
0x1ec: {  	[sflag:s17] =	ssyncadd.s32 $0xFFFF8000  }
0x1ed: {  	_ =	swait.ge [sflag:s18], $0x2000  }
0x1ee: {  	[sflag:s18] =	ssyncset.done $0x0  }
0x1ef: {  	s16 =	sand.u32 $0x1800, s0;
	s26 =	sand.u32 $0x380, s0;
	[sflag:s18] =	ssyncadd.s32 $0xFFFFE000  }
0x1f0: {  	[tilespmem:s19], [sflag:$0x2] =	stream.linear.gather [hbm4b:s11+s0], $0x8000, $0x38;
	[tilespmem:$0x16000] =	vst v63  }
0x1f1: {  	s26 =	sor.u32 s26, s16  }
0x1f2: {  	[tilespmem:s20], [sflag:$0x4] =	stream.linear.gather [hbm4b:s12+s0], $0x2000, $0x38;
	[tilespmem:$0x16000] =	vst v63  }
0x1f3: {  	v0 =	vld [tilespmem:s26+$0x10000];
	_ =	sdelay $0x3  }
0x1f4: {  	v1 =	vmov s0  }
0x1f5: {  	v2 =	vshll.u32 v1, $0xA;
	v4 =	vshll.u32 v0, $0x3  }
0x1f6: {  	v3 =	vand.u32 $0x6000, v2;
	v2 =	vand.u32 $0xFFFFFC00, v4  }
0x1f7: {  	v1 =	vshll.u32 v1, $0x7;
	v5 =	vld [tilespmem:s26+$0x10010];
	v4 =	vand.u32 $0x7F, v0;
	v2 =	vadd.s32 v3, v2  }
0x1f8: {  	v0 =	vand.u32 $0x380, v1;
	v1 =	vor.u32 v4, v2  }
0x1f9: {  	v1 =	vor.u32 v0, v1;
	_ =	sdelay $0x2  }
0x1fa: {  	v2 =	vshll.u32 v5, $0x3  }
0x1fb: {  	v4 =	vld [tilespmem:s26+$0x10020];
	v2 =	vand.u32 $0xFFFFFC00, v2  }
0x1fc: {  	v5 =	vand.u32 $0x7F, v5;
	v2 =	vadd.s32 v3, v2;
	v1 =	vld.idx.msk [tilespmem:v1+s1+$0x0], $0xffff  }
0x1fd: {  	v2 =	vor.u32 v5, v2  }
0x1fe: {  	v2 =	vor.u32 v0, v2;
	_ =	sdelay $0x1  }
0x1ff: {  	v5 =	vshll.u32 v4, $0x3  }
0x200: {  	[tilespmem:s26+$0x14000] =	vst v1;
	v1 =	vand.u32 $0xFFFFFC00, v5  }
0x201: {  	v4 =	vand.u32 $0x7F, v4;
	v5 =	vld [tilespmem:s26+$0x10030];
	v1 =	vadd.s32 v3, v1  }
0x202: {  	v2 =	vld.idx.msk [tilespmem:v2+s1+$0x0], $0xffff;
	v1 =	vor.u32 v4, v1  }
0x203: {  	v1 =	vor.u32 v0, v1;
	_ =	sdelay $0x2  }
0x204: {  	s16 =	simm.s32 $0x100;
	s0 =	simm.s32 $0x80;
	v4 =	vshll.u32 v5, $0x3  }
0x205: {  	s2 =	sand.u32 $0x1800, s16;
	s0 =	sand.u32 $0x380, s0;
	[tilespmem:s26+$0x14010] =	vst v2;
	v2 =	vand.u32 $0xFFFFFC00, v4;
	v4 =	vld [tilespmem:s26+$0x10040]  }
0x206: {  	s28 =	sor.u32 s0, s2;
	v5 =	vand.u32 $0x7F, v5;
	v2 =	vadd.s32 v3, v2;
	v1 =	vld.idx.msk [tilespmem:v1+s1+$0x0], $0xffff  }
0x207: {  	v2 =	vor.u32 v5, v2;
	v5 =	vld [tilespmem:s28+$0x10000]  }
0x208: {  	v2 =	vor.u32 v0, v2  }
0x209: {  	s2 =	simm.s32 $0x1  }
0x20a: {  	v6 =	vmov s2;
	v7 =	vshll.u32 v4, $0x3  }
0x20b: {  	v9 =	vld [tilespmem:s26+$0x10050];
	v8 =	vshll.u32 v6, $0x7;
	v6 =	vshll.u32 v6, $0xA;
	v7 =	vand.u32 $0xFFFFFC00, v7  }
0x20c: {  	v4 =	vand.u32 $0x7F, v4;
	[tilespmem:s26+$0x14020] =	vst v1;
	v7 =	vadd.s32 v3, v7;
	v10 =	vshll.u32 v5, $0x3  }
0x20d: {  	v1 =	vand.u32 $0x6000, v6;
	v6 =	vld.idx.msk [tilespmem:v2+s1+$0x0], $0xffff;
	v2 =	vor.u32 v4, v7;
	v4 =	vand.u32 $0xFFFFFC00, v10  }
0x20e: {  	v5 =	vand.u32 $0x7F, v5;
	v10 =	vld [tilespmem:s28+$0x10010];
	v7 =	vor.u32 v0, v2;
	v4 =	vadd.s32 v1, v4  }
0x20f: {  	v2 =	vand.u32 $0x380, v8;
	v4 =	vor.u32 v5, v4  }
0x210: {  	v5 =	vshll.u32 v9, $0x3;
	v4 =	vor.u32 v2, v4  }
0x211: {  	v8 =	vld [tilespmem:s26+$0x10060];
	v5 =	vand.u32 $0xFFFFFC00, v5  }
0x212: {  	v5 =	vadd.s32 v3, v5;
	[tilespmem:s26+$0x14030] =	vst v6;
	v6 =	vand.u32 $0x7F, v9  }
0x213: {  	v7 =	vld.idx.msk [tilespmem:v7+s1+$0x0], $0xffff;
	v5 =	vor.u32 v6, v5;
	v6 =	vshll.u32 v10, $0x3  }
0x214: {  	v11 =	vld [tilespmem:s28+$0x10020];
	v5 =	vor.u32 v0, v5;
	v6 =	vand.u32 $0xFFFFFC00, v6  }
0x215: {  	v9 =	vand.u32 $0x7F, v10;
	v4 =	vld.idx.msk [tilespmem:v4+s1+$0x0], $0xffff;
	v6 =	vadd.s32 v1, v6  }
0x216: {  	v10 =	vshll.u32 v8, $0x3;
	v6 =	vor.u32 v9, v6  }
0x217: {  	v10 =	vand.u32 $0xFFFFFC00, v10;
	v9 =	vld [tilespmem:s26+$0x10070];
	v6 =	vor.u32 v2, v6  }
0x218: {  	[tilespmem:s26+$0x14040] =	vst v7;
	v7 =	vand.u32 $0x7F, v8;
	v8 =	vadd.s32 v3, v10  }
0x219: {  	v5 =	vld.idx.msk [tilespmem:v5+s1+$0x0], $0xffff;
	v7 =	vor.u32 v7, v8  }
0x21a: {  	v12 =	vld [tilespmem:s26+$0x10400];
	v7 =	vor.u32 v0, v7;
	[tilespmem:s28+$0x14000] =	vst v4;
	v4 =	vshll.u32 v11, $0x3  }
0x21b: {  	v8 =	vld [tilespmem:s28+$0x10030];
	v4 =	vand.u32 $0xFFFFFC00, v4  }
0x21c: {  	v11 =	vand.u32 $0x7F, v11;
	v10 =	vshll.u32 v9, $0x3;
	v6 =	vld.idx.msk [tilespmem:v6+s1+$0x0], $0xffff;
	v4 =	vadd.s32 v1, v4  }
0x21d: {  	v10 =	vand.u32 $0xFFFFFC00, v10;
	v4 =	vor.u32 v11, v4  }
0x21e: {  	[tilespmem:s26+$0x14050] =	vst v5;
	v5 =	vand.u32 $0x7F, v9;
	v9 =	vadd.s32 v3, v10;
	v4 =	vor.u32 v2, v4;
	v10 =	vld [tilespmem:s26+$0x10410]  }
0x21f: {  	v7 =	vld.idx.msk [tilespmem:v7+s1+$0x0], $0xffff;
	v5 =	vor.u32 v5, v9  }
0x220: {  	v9 =	vshll.u32 v8, $0x3;
	v5 =	vor.u32 v0, v5  }
0x221: {  	v11 =	vshll.u32 v12, $0x3;
	[tilespmem:s28+$0x14010] =	vst v6;
	v6 =	vand.u32 $0xFFFFFC00, v9;
	v9 =	vld [tilespmem:s28+$0x10040]  }
0x222: {  	s0 =	simm.s32 $0x2;
	v12 =	vand.u32 $0x7F, v12;
	v8 =	vand.u32 $0x7F, v8;
	v6 =	vadd.s32 v1, v6  }
0x223: {  	s16 =	simm.s32 $0x200;
	s2 =	simm.s32 $0x100;
	v11 =	vand.u32 $0xFFFFFC00, v11;
	v4 =	vld.idx.msk [tilespmem:v4+s1+$0x0], $0xffff;
	v6 =	vor.u32 v8, v6;
	v8 =	vmov s0  }
0x224: {  	s16 =	sand.u32 $0x1800, s16;
	v13 =	vld [tilespmem:s26+$0x10420];
	s2 =	sand.u32 $0x380, s2;
	v16 =	vshll.u32 v10, $0x3;
	[tilespmem:s26+$0x14060] =	vst v7;
	v7 =	vadd.s32 v3, v11;
	v6 =	vor.u32 v2, v6  }
0x225: {  	s29 =	sor.u32 s2, s16;
	v10 =	vand.u32 $0x7F, v10;
	v11 =	vld.idx.msk [tilespmem:v5+s1+$0x0], $0xffff;
	v5 =	vor.u32 v12, v7;
	v7 =	vshll.u32 v8, $0x7  }
0x226: {  	v15 =	vld [tilespmem:s29+$0x10000];
	v12 =	vor.u32 v0, v5;
	v5 =	vshll.u32 v8, $0xA;
	v8 =	vshll.u32 v9, $0x3  }
0x227: {  	v14 =	vld [tilespmem:s28+$0x10050];
	v16 =	vand.u32 $0xFFFFFC00, v16;
	v8 =	vand.u32 $0xFFFFFC00, v8;
	v5 =	vand.u32 $0x6000, v5  }
0x228: {  	v17 =	vld [tilespmem:s29+$0x10010];
	[tilespmem:s28+$0x14020] =	vst v4;
	v4 =	vand.u32 $0x7F, v9;
	v8 =	vadd.s32 v1, v8;
	v9 =	vadd.s32 v3, v16  }
0x229: {  	v6 =	vld.idx.msk [tilespmem:v6+s1+$0x0], $0xffff;
	v8 =	vor.u32 v4, v8;
	v9 =	vor.u32 v10, v9;
	v4 =	vand.u32 $0x380, v7  }
0x22a: {  	v10 =	vshll.u32 v13, $0x3;
	v13 =	vand.u32 $0x7F, v13;
	[tilespmem:s26+$0x14070] =	vst v11;
	v8 =	vor.u32 v2, v8  }
0x22b: {  	v9 =	vor.u32 v0, v9;
	v11 =	vshll.u32 v15, $0x3;
	v15 =	vand.u32 $0x7F, v15;
	v7 =	vld.idx.msk [tilespmem:v12+s1+$0x0], $0xffff  }
0x22c: {  	v18 =	vld [tilespmem:s28+$0x10060];
	v10 =	vand.u32 $0xFFFFFC00, v10;
	v12 =	vshll.u32 v14, $0x3;
	v11 =	vand.u32 $0xFFFFFC00, v11  }
0x22d: {  	v16 =	vld [tilespmem:s26+$0x10430];
	v10 =	vadd.s32 v3, v10;
	v11 =	vadd.s32 v5, v11;
	v12 =	vand.u32 $0xFFFFFC00, v12  }
0x22e: {  	v10 =	vor.u32 v13, v10;
	v13 =	vshll.u32 v17, $0x3;
	[tilespmem:s28+$0x14030] =	vst v6;
	v6 =	vor.u32 v15, v11  }
0x22f: {  	v19 =	vld [tilespmem:s29+$0x10020];
	v12 =	vadd.s32 v1, v12;
	v11 =	vand.u32 $0x7F, v14;
	v6 =	vor.u32 v4, v6  }
0x230: {  	v17 =	vand.u32 $0x7F, v17;
	v10 =	vor.u32 v0, v10;
	v8 =	vld.idx.msk [tilespmem:v8+s1+$0x0], $0xffff;
	[tilespmem:s26+$0x14400] =	vst v7;
	v7 =	vor.u32 v11, v12  }
0x231: {  	v13 =	vand.u32 $0xFFFFFC00, v13;
	v14 =	vshll.u32 v18, $0x3;
	v9 =	vld.idx.msk [tilespmem:v9+s1+$0x0], $0xffff;
	v7 =	vor.u32 v2, v7  }
0x232: {  	v15 =	vld [tilespmem:s28+$0x10070];
	v13 =	vadd.s32 v5, v13;
	v14 =	vand.u32 $0xFFFFFC00, v14;
	v11 =	vshll.u32 v16, $0x3  }
0x233: {  	v13 =	vor.u32 v17, v13;
	v17 =	vand.u32 $0x7F, v18;
	v12 =	vld [tilespmem:s26+$0x10440];
	v11 =	vand.u32 $0xFFFFFC00, v11  }
0x234: {  	v14 =	vadd.s32 v1, v14;
	v16 =	vand.u32 $0x7F, v16;
	v11 =	vadd.s32 v3, v11;
	v6 =	vld.idx.msk [tilespmem:v6+s1+$0x0], $0xffff  }
0x235: {  	v20 =	vld [tilespmem:s26+$0x10450];
	s16 =	simm.s32 $0x3;
	v13 =	vor.u32 v4, v13;
	v11 =	vor.u32 v16, v11;
	v16 =	vshll.u32 v19, $0x3;
	[tilespmem:s28+$0x14040] =	vst v8  }
0x236: {  	v8 =	vor.u32 v17, v14;
	v14 =	vmov s16;
	v11 =	vor.u32 v0, v11;
	v7 =	vld.idx.msk [tilespmem:v7+s1+$0x0], $0xffff;
	[tilespmem:s26+$0x14410] =	vst v9  }
0x237: {  	v17 =	vshll.u32 v15, $0x3;
	v16 =	vand.u32 $0xFFFFFC00, v16;
	v15 =	vand.u32 $0x7F, v15;
	v10 =	vld.idx.msk [tilespmem:v10+s1+$0x0], $0xffff  }
0x238: {  	v22 =	vld [tilespmem:s26+$0x10470];
	v8 =	vor.u32 v2, v8;
	v18 =	vshll.u32 v12, $0x3;
	v16 =	vadd.s32 v5, v16  }
0x239: {  	v17 =	vand.u32 $0xFFFFFC00, v17;
	v18 =	vand.u32 $0xFFFFFC00, v18;
	[tilespmem:s29+$0x14000] =	vst v6;
	v6 =	vand.u32 $0x7F, v19;
	v19 =	vld [tilespmem:s29+$0x10030]  }
0x23a: {  	v21 =	vld [tilespmem:s28+$0x10400];
	v18 =	vadd.s32 v3, v18;
	v6 =	vor.u32 v6, v16;
	v16 =	vadd.s32 v1, v17  }
0x23b: {  	v9 =	vshll.u32 v14, $0x7;
	v17 =	vld.idx.msk [tilespmem:v13+s1+$0x0], $0xffff;
	[tilespmem:s28+$0x14050] =	vst v7;
	v23 =	vor.u32 v4, v6;
	v6 =	vor.u32 v15, v16  }
0x23c: {  	v13 =	vld [tilespmem:s26+$0x10460];
	v7 =	vand.u32 $0x7F, v12;
	v16 =	vand.u32 $0x7F, v20;
	[tilespmem:s26+$0x14420] =	vst v10;
	v10 =	vshll.u32 v14, $0xA  }
0x23d: {  	v8 =	vld.idx.msk [tilespmem:v8+s1+$0x0], $0xffff;
	v14 =	vor.u32 v2, v6;
	v12 =	vor.u32 v7, v18;
	v6 =	vand.u32 $0x380, v9  }
0x23e: {  	v18 =	vshll.u32 v20, $0x3;
	v11 =	vld.idx.msk [tilespmem:v11+s1+$0x0], $0xffff;
	v7 =	vand.u32 $0x6000, v10;
	v10 =	vshll.u32 v19, $0x3  }
0x23f: {  	v15 =	vld [tilespmem:s28+$0x10410];
	v20 =	vshll.u32 v21, $0x3;
	v9 =	vor.u32 v0, v12;
	v10 =	vand.u32 $0xFFFFFC00, v10  }
0x240: {  	v12 =	vld [tilespmem:s28+$0x10420];
	[tilespmem:s29+$0x14010] =	vst v17;
	v17 =	vand.u32 $0x7F, v19;
	v19 =	vand.u32 $0xFFFFFC00, v20;
	v10 =	vadd.s32 v5, v10  }
0x241: {  	v10 =	vor.u32 v17, v10;
	v17 =	vadd.s32 v1, v19;
	v19 =	vld [tilespmem:s29+$0x10040]  }
0x242: {  	v63 =	vand.u32 $0x7F, v21;
	v18 =	vand.u32 $0xFFFFFC00, v18;
	v20 =	vld.idx.msk [tilespmem:v23+s1+$0x0], $0xffff;
	[tilespmem:s28+$0x14060] =	vst v8;
	v21 =	vor.u32 v4, v10  }
0x243: {  	v8 =	vor.u32 v63, v17;
	v10 =	vadd.s32 v3, v18;
	v17 =	vld.idx.msk [tilespmem:v14+s1+$0x0], $0xffff;
	[tilespmem:s26+$0x14430] =	vst v11  }
0x244: {  	s31 =	simm.s32 $0x300;
	s30 =	simm.s32 $0x180;
	v14 =	vand.u32 $0x7F, v13;
	v18 =	vor.u32 v2, v8;
	v10 =	vor.u32 v16, v10;
	v9 =	vld.idx.msk [tilespmem:v9+s1+$0x0], $0xffff  }
0x245: {  	s2 =	sand.u32 $0x1800, s31;
	s0 =	simm.s32 $0x4;
	s16 =	sand.u32 $0x380, s30;
	v11 =	vshll.u32 v22, $0x3;
	v8 =	vand.u32 $0x7F, v22;
	v10 =	vor.u32 v0, v10  }
.LBB2_6:
0x246: {  	p0 =	sne.s32 s0, $0x1F;
	s2 =	sor.u32 s16, s2;
	v16 =	vshll.u32 v19, $0x3;
	v22 =	vld [tilespmem:s29+$0x10050];
	v23 =	vand.u32 $0x7F, v12;
	v13 =	vshll.u32 v13, $0x3  }
0x247: {  	v24 =	vld [tilespmem:s2+$0x10000];
	[tilespmem:s29+$0x14020] =	vst v20;
	v16 =	vand.u32 $0xFFFFFC00, v16;
	v20 =	vand.u32 $0x7F, v15;
	v15 =	vshll.u32 v15, $0x3  }
0x248: {  	v19 =	vand.u32 $0x7F, v19;
	v21 =	vld.idx.msk [tilespmem:v21+s1+$0x0], $0xffff;
	v16 =	vadd.s32 v5, v16;
	[tilespmem:s28+$0x14070] =	vst v17;
	v15 =	vand.u32 $0xFFFFFC00, v15  }
0x249: {  	v16 =	vor.u32 v19, v16;
	v17 =	vld.idx.msk [tilespmem:v18+s1+$0x0], $0xffff;
	v15 =	vadd.s32 v1, v15;
	[tilespmem:s26+$0x14440] =	vst v9;
	v9 =	vand.u32 $0xFFFFFC00, v13  }
0x24a: {  	v13 =	vor.u32 v4, v16;
	v15 =	vor.u32 v20, v15;
	v10 =	vld.idx.msk [tilespmem:v10+s1+$0x0], $0xffff;
	v9 =	vadd.s32 v3, v9  }
0x24b: {  	v12 =	vshll.u32 v12, $0x3;
	v15 =	vor.u32 v2, v15;
	v16 =	vld [tilespmem:s28+$0x10470];
	v9 =	vor.u32 v14, v9  }
0x24c: {  	v18 =	vshll.u32 v22, $0x3;
	v14 =	vshll.u32 v24, $0x3;
	v19 =	vld [tilespmem:s28+$0x10430];
	v9 =	vor.u32 v0, v9  }
0x24d: {  	v12 =	vand.u32 $0xFFFFFC00, v12;
	v20 =	vand.u32 $0x7F, v24;
	v14 =	vand.u32 $0xFFFFFC00, v14;
	v24 =	vld [tilespmem:s29+$0x10060]  }
0x24e: {  	v12 =	vadd.s32 v1, v12;
	v18 =	vand.u32 $0xFFFFFC00, v18;
	v14 =	vadd.s32 v7, v14;
	v25 =	vld [tilespmem:s2+$0x10010];
	[tilespmem:s29+$0x14030] =	vst v21  }
0x24f: {  	v18 =	vadd.s32 v5, v18;
	v14 =	vor.u32 v20, v14;
	v13 =	vld.idx.msk [tilespmem:v13+s1+$0x0], $0xffff;
	v20 =	vand.u32 $0x7F, v22;
	[tilespmem:s28+$0x14400] =	vst v17  }
0x250: {  	v14 =	vor.u32 v6, v14;
	v17 =	vor.u32 v20, v18;
	v15 =	vld.idx.msk [tilespmem:v15+s1+$0x0], $0xffff;
	[tilespmem:s26+$0x14450] =	vst v10;
	v10 =	vand.u32 $0xFFFFFC00, v11  }
0x251: {  	v12 =	vor.u32 v23, v12;
	v11 =	vor.u32 v4, v17;
	v9 =	vld.idx.msk [tilespmem:v9+s1+$0x0], $0xffff;
	v18 =	vadd.s32 v3, v10  }
0x252: {  	v10 =	vor.u32 v2, v12;
	v12 =	vshll.u32 v19, $0x3;
	v3 =	vmovc v1;
	v1 =	vmovc v5;
	v17 =	vld [tilespmem:s28+$0x10440];
	v8 =	vor.u32 v8, v18  }
0x253: {  	v5 =	vmovc v7;
	v20 =	vshll.u32 v24, $0x3;
	v18 =	vshll.u32 v25, $0x3;
	v21 =	vld [tilespmem:s29+$0x10070];
	v8 =	vor.u32 v0, v8;
	v0 =	vmovc v2  }
0x254: {  	v12 =	vand.u32 $0xFFFFFC00, v12;
	v7 =	vand.u32 $0x7F, v25;
	v2 =	vmovc v4;
	v4 =	vmovc v6;
	v18 =	vand.u32 $0xFFFFFC00, v18;
	v22 =	vld [tilespmem:s2+$0x10020]  }
0x255: {  	v12 =	vadd.s32 v3, v12;
	v6 =	vld.idx.msk [tilespmem:v14+s1+$0x0], $0xffff;
	v14 =	vadd.s32 v5, v18;
	[tilespmem:s29+$0x14040] =	vst v13;
	v13 =	vand.u32 $0xFFFFFC00, v20  }
0x256: {  	v7 =	vor.u32 v7, v14;
	v11 =	vld.idx.msk [tilespmem:v11+s1+$0x0], $0xffff;
	v14 =	vand.u32 $0x7F, v24;
	v13 =	vadd.s32 v1, v13;
	[tilespmem:s28+$0x14410] =	vst v15  }
0x257: {  	v7 =	vor.u32 v4, v7;
	v13 =	vor.u32 v14, v13;
	v10 =	vld.idx.msk [tilespmem:v10+s1+$0x0], $0xffff;
	v14 =	vand.u32 $0x7F, v19;
	[tilespmem:s26+$0x14460] =	vst v9  }
0x258: {  	v9 =	vmov s0;
	v13 =	vor.u32 v2, v13;
	v12 =	vor.u32 v14, v12;
	v8 =	vld.idx.msk [tilespmem:v8+s1+$0x0], $0xffff  }
0x259: {  	v14 =	vshll.u32 v9, $0x7;
	v12 =	vor.u32 v0, v12;
	v18 =	vld [tilespmem:s28+$0x10450]  }
0x25a: {  	v23 =	vshll.u32 v17, $0x3;
	v19 =	vshll.u32 v21, $0x3;
	v15 =	vshll.u32 v22, $0x3;
	v20 =	vld [tilespmem:s29+$0x10400]  }
0x25b: {  	v23 =	vand.u32 $0xFFFFFC00, v23;
	v15 =	vand.u32 $0xFFFFFC00, v15;
	[tilespmem:s2+$0x14000] =	vst v6;
	v6 =	vand.u32 $0x7F, v22;
	v22 =	vld [tilespmem:s2+$0x10030]  }
0x25c: {  	v24 =	vld.idx.msk [tilespmem:v7+s1+$0x0], $0xffff;
	v7 =	vadd.s32 v5, v15;
	[tilespmem:s29+$0x14050] =	vst v11;
	v11 =	vand.u32 $0xFFFFFC00, v19;
	v15 =	vadd.s32 v3, v23  }
0x25d: {  	v6 =	vor.u32 v6, v7;
	v23 =	vld.idx.msk [tilespmem:v13+s1+$0x0], $0xffff;
	v7 =	vand.u32 $0x7F, v21;
	v11 =	vadd.s32 v1, v11;
	[tilespmem:s28+$0x14420] =	vst v10  }
0x25e: {  	v10 =	vor.u32 v4, v6;
	v6 =	vor.u32 v7, v11;
	v11 =	vld.idx.msk [tilespmem:v12+s1+$0x0], $0xffff;
	v7 =	vand.u32 $0x7F, v17;
	[tilespmem:s26+$0x14470] =	vst v8;
	s26 =	smov.u32 s28;
	s28 =	smov.u32 s29;
	s29 =	smov.u32 s2  }
0x25f: {  	v8 =	vshll.u32 v9, $0xA;
	v9 =	vor.u32 v2, v6;
	v15 =	vor.u32 v7, v15;
	v13 =	vld [tilespmem:s26+$0x10460]  }
0x260: {  	v7 =	vand.u32 $0x6000, v8;
	v6 =	vand.u32 $0x380, v14;
	v12 =	vld [tilespmem:s28+$0x10420];
	v8 =	vor.u32 v0, v15  }
0x261: {  	v25 =	vand.u32 $0x7F, v18;
	v18 =	vshll.u32 v18, $0x3;
	v14 =	vshll.u32 v22, $0x3;
	v15 =	vld [tilespmem:s28+$0x10410]  }
0x262: {  	v17 =	vshll.u32 v20, $0x3;
	v14 =	vand.u32 $0xFFFFFC00, v14;
	[tilespmem:s29+$0x14010] =	vst v24;
	v19 =	vld [tilespmem:s29+$0x10040];
	v24 =	vand.u32 $0x7F, v20  }
.Ltmp2:
0x263: {  	v21 =	vand.u32 $0xFFFFFC00, v17;
	v14 =	vadd.s32 v5, v14;
	v20 =	vld.idx.msk [tilespmem:v10+s1+$0x0], $0xffff;
	v10 =	vand.u32 $0x7F, v22;
	[tilespmem:s28+$0x14060] =	vst v23;
	(pc) =	sbr.rel @p0 .LBB2_6-.Ltmp2, $4  }
0x264: {  	v10 =	vor.u32 v10, v14;
	v17 =	vld.idx.msk [tilespmem:v9+s1+$0x0], $0xffff;
	v9 =	vadd.s32 v1, v21;
	[tilespmem:s26+$0x14430] =	vst v11;
	v11 =	vand.u32 $0xFFFFFC00, v18  }
0x265: {  	v21 =	vor.u32 v4, v10;
	v10 =	vor.u32 v24, v9;
	v9 =	vld.idx.msk [tilespmem:v8+s1+$0x0], $0xffff;
	v8 =	vadd.s32 v3, v11  }
0x266: {  	s30 =	sadd.s32 $0x80, s30;
	s31 =	sadd.s32 $0x100, s31;
	v18 =	vor.u32 v2, v10;
	v10 =	vor.u32 v25, v8;
	v8 =	vand.u32 $0x7F, v16  }
0x267: {  	s16 =	sand.u32 $0x380, s30;
	s0 =	sadd.s32 $0x1, s0;
	s2 =	sand.u32 $0x1800, s31;
	v14 =	vand.u32 $0x7F, v13;
	v11 =	vshll.u32 v16, $0x3;
	v10 =	vor.u32 v0, v10  }
0x268: {  	s30 =	sor.u32 s16, s2  }
0x269: {  	v16 =	vld [tilespmem:s30+$0x10000];
	_ =	sdelay $0x4  }
0x26a: {  	v22 =	vshll.u32 v16, $0x3  }
0x26b: {  	v23 =	vld [tilespmem:s30+$0x10010];
	v22 =	vand.u32 $0xFFFFFC00, v22  }
0x26c: {  	v16 =	vand.u32 $0x7F, v16;
	v22 =	vadd.s32 v7, v22  }
0x26d: {  	v16 =	vor.u32 v16, v22  }
0x26e: {  	v16 =	vor.u32 v6, v16;
	_ =	sdelay $0x1  }
0x26f: {  	v22 =	vshll.u32 v23, $0x3  }
0x270: {  	v24 =	vld [tilespmem:s30+$0x10020];
	v22 =	vand.u32 $0xFFFFFC00, v22  }
0x271: {  	v23 =	vand.u32 $0x7F, v23;
	v22 =	vadd.s32 v7, v22  }
0x272: {  	v22 =	vor.u32 v23, v22;
	v16 =	vld.idx.msk [tilespmem:v16+s1+$0x0], $0xffff  }
0x273: {  	v22 =	vor.u32 v6, v22;
	_ =	sdelay $0x1  }
0x274: {  	v23 =	vshll.u32 v24, $0x3  }
0x275: {  	v25 =	vld [tilespmem:s30+$0x10030];
	v23 =	vand.u32 $0xFFFFFC00, v23  }
0x276: {  	v23 =	vadd.s32 v7, v23;
	[tilespmem:s30+$0x14000] =	vst v16;
	v16 =	vand.u32 $0x7F, v24  }
0x277: {  	v22 =	vld.idx.msk [tilespmem:v22+s1+$0x0], $0xffff;
	v16 =	vor.u32 v16, v23  }
0x278: {  	v16 =	vor.u32 v6, v16;
	_ =	sdelay $0x1  }
0x279: {  	v23 =	vshll.u32 v25, $0x3  }
0x27a: {  	v33 =	vld [tilespmem:s30+$0x10040];
	v23 =	vand.u32 $0xFFFFFC00, v23  }
0x27b: {  	v23 =	vadd.s32 v7, v23;
	[tilespmem:s30+$0x14010] =	vst v22;
	v22 =	vand.u32 $0x7F, v25  }
0x27c: {  	v16 =	vld.idx.msk [tilespmem:v16+s1+$0x0], $0xffff;
	v22 =	vor.u32 v22, v23  }
0x27d: {  	v22 =	vor.u32 v6, v22  }
0x27e: {  	v23 =	vshll.u32 v19, $0x3  }
0x27f: {  	v34 =	vld [tilespmem:s29+$0x10050];
	v26 =	vshll.u32 v33, $0x3;
	v23 =	vand.u32 $0xFFFFFC00, v23  }
0x280: {  	[tilespmem:s29+$0x14020] =	vst v20;
	v26 =	vand.u32 $0xFFFFFC00, v26;
	v19 =	vand.u32 $0x7F, v19;
	v20 =	vadd.s32 v5, v23;
	v23 =	vld [tilespmem:s30+$0x10050]  }
0x281: {  	v21 =	vld.idx.msk [tilespmem:v21+s1+$0x0], $0xffff;
	v19 =	vor.u32 v19, v20;
	v20 =	vadd.s32 v7, v26;
	[tilespmem:s30+$0x14020] =	vst v16;
	v16 =	vand.u32 $0x7F, v33  }
0x282: {  	v19 =	vor.u32 v4, v19;
	v22 =	vld.idx.msk [tilespmem:v22+s1+$0x0], $0xffff;
	v16 =	vor.u32 v16, v20  }
0x283: {  	v16 =	vor.u32 v6, v16  }
0x284: {  	v20 =	vshll.u32 v34, $0x3  }
0x285: {  	v35 =	vld [tilespmem:s29+$0x10060];
	v20 =	vand.u32 $0xFFFFFC00, v20;
	v36 =	vshll.u32 v23, $0x3  }
0x286: {  	v37 =	vld [tilespmem:s30+$0x10060];
	[tilespmem:s29+$0x14030] =	vst v21;
	v21 =	vand.u32 $0x7F, v34;
	v20 =	vadd.s32 v5, v20;
	v26 =	vand.u32 $0xFFFFFC00, v36  }
0x287: {  	v19 =	vld.idx.msk [tilespmem:v19+s1+$0x0], $0xffff;
	v20 =	vor.u32 v21, v20;
	v21 =	vand.u32 $0x7F, v23;
	[tilespmem:s30+$0x14030] =	vst v22;
	v22 =	vadd.s32 v7, v26  }
0x288: {  	v20 =	vor.u32 v4, v20;
	v16 =	vld.idx.msk [tilespmem:v16+s1+$0x0], $0xffff;
	v21 =	vor.u32 v21, v22  }
0x289: {  	v21 =	vor.u32 v6, v21  }
0x28a: {  	v22 =	vshll.u32 v35, $0x3  }
0x28b: {  	v38 =	vshll.u32 v37, $0x3;
	v23 =	vld [tilespmem:s29+$0x10070];
	v22 =	vand.u32 $0xFFFFFC00, v22  }
0x28c: {  	v39 =	vld [tilespmem:s30+$0x10070];
	v26 =	vand.u32 $0xFFFFFC00, v38;
	[tilespmem:s29+$0x14040] =	vst v19;
	v19 =	vand.u32 $0x7F, v35;
	v22 =	vadd.s32 v5, v22  }
0x28d: {  	v20 =	vld.idx.msk [tilespmem:v20+s1+$0x0], $0xffff;
	v19 =	vor.u32 v19, v22;
	v22 =	vadd.s32 v7, v26;
	[tilespmem:s30+$0x14040] =	vst v16;
	v16 =	vand.u32 $0x7F, v37  }
0x28e: {  	[tilespmem:s28+$0x14070] =	vst v17;
	v17 =	vor.u32 v4, v19;
	v19 =	vld.idx.msk [tilespmem:v21+s1+$0x0], $0xffff;
	v16 =	vor.u32 v16, v22  }
0x28f: {  	v40 =	vld [tilespmem:s29+$0x10400];
	v44 =	vshll.u32 v12, $0x3;
	v16 =	vor.u32 v6, v16  }
0x290: {  	v12 =	vand.u32 $0x7F, v12;
	v13 =	vshll.u32 v13, $0x3;
	v22 =	vshll.u32 v23, $0x3  }
0x291: {  	v11 =	vand.u32 $0xFFFFFC00, v11;
	v27 =	vshll.u32 v39, $0x3;
	v22 =	vand.u32 $0xFFFFFC00, v22  }
0x292: {  	v27 =	vand.u32 $0xFFFFFC00, v27;
	[tilespmem:s29+$0x14050] =	vst v20;
	v20 =	vand.u32 $0x7F, v23;
	v22 =	vadd.s32 v5, v22;
	v23 =	vld [tilespmem:s30+$0x10400]  }
0x293: {  	v17 =	vld.idx.msk [tilespmem:v17+s1+$0x0], $0xffff;
	v20 =	vor.u32 v20, v22;
	v22 =	vadd.s32 v7, v27;
	[tilespmem:s30+$0x14050] =	vst v19;
	v19 =	vand.u32 $0x7F, v39  }
0x294: {  	v43 =	vshll.u32 v40, $0x3;
	v20 =	vor.u32 v4, v20;
	v16 =	vld.idx.msk [tilespmem:v16+s1+$0x0], $0xffff;
	v19 =	vor.u32 v19, v22  }
0x295: {  	v13 =	vand.u32 $0xFFFFFC00, v13;
	v18 =	vld.idx.msk [tilespmem:v18+s1+$0x0], $0xffff;
	v24 =	vand.u32 $0xFFFFFC00, v43;
	v19 =	vor.u32 v6, v19  }
0x296: {  	v13 =	vadd.s32 v3, v13;
	v24 =	vadd.s32 v5, v24;
	v25 =	vand.u32 $0x7F, v40  }
0x297: {  	v28 =	vld [tilespmem:s29+$0x10410];
	v24 =	vor.u32 v25, v24;
	v21 =	vand.u32 $0x7F, v15;
	v29 =	vshll.u32 v23, $0x3  }
0x298: {  	v46 =	vld [tilespmem:s30+$0x10410];
	v15 =	vshll.u32 v15, $0x3;
	[tilespmem:s29+$0x14060] =	vst v17;
	v17 =	vand.u32 $0xFFFFFC00, v44;
	v47 =	vand.u32 $0xFFFFFC00, v29  }
0x299: {  	[tilespmem:s30+$0x14060] =	vst v16;
	v16 =	vadd.s32 v1, v17;
	v17 =	vld.idx.msk [tilespmem:v20+s1+$0x0], $0xffff;
	v20 =	vand.u32 $0x7F, v23;
	v23 =	vadd.s32 v7, v47  }
0x29a: {  	[tilespmem:s28+$0x14400] =	vst v18;
	v18 =	vor.u32 v4, v24;
	v41 =	vand.u32 $0xFFFFFC00, v15;
	v19 =	vld.idx.msk [tilespmem:v19+s1+$0x0], $0xffff;
	v20 =	vor.u32 v20, v23  }
0x29b: {  	v42 =	vadd.s32 v1, v41;
	v22 =	vld [tilespmem:s28+$0x10430];
	v12 =	vor.u32 v12, v16;
	v16 =	vor.u32 v6, v20  }
0x29c: {  	v45 =	vld [tilespmem:s29+$0x10420];
	v13 =	vor.u32 v14, v13;
	v21 =	vor.u32 v21, v42;
	v20 =	vshll.u32 v28, $0x3  }
0x29d: {  	v54 =	vld [tilespmem:s29+$0x10440];
	v48 =	vshll.u32 v46, $0x3;
	v21 =	vor.u32 v2, v21;
	v20 =	vand.u32 $0xFFFFFC00, v20  }
0x29e: {  	v49 =	vand.u32 $0x7F, v28;
	v24 =	vand.u32 $0xFFFFFC00, v48;
	[tilespmem:s29+$0x14070] =	vst v17;
	v17 =	vadd.s32 v5, v20;
	v20 =	vld [tilespmem:s30+$0x10420]  }
0x29f: {  	v25 =	vand.u32 $0x7F, v46;
	v18 =	vld.idx.msk [tilespmem:v18+s1+$0x0], $0xffff;
	v17 =	vor.u32 v49, v17;
	[tilespmem:s30+$0x14070] =	vst v19;
	v19 =	vadd.s32 v7, v24  }
0x2a0: {  	v50 =	vshll.u32 v22, $0x3;
	v17 =	vor.u32 v4, v17;
	v16 =	vld.idx.msk [tilespmem:v16+s1+$0x0], $0xffff;
	v19 =	vor.u32 v25, v19  }
0x2a1: {  	v51 =	vshll.u32 v45, $0x3;
	v23 =	vld [tilespmem:s28+$0x10440];
	v14 =	vand.u32 $0xFFFFFC00, v50;
	v19 =	vor.u32 v6, v19  }
0x2a2: {  	v21 =	vld.idx.msk [tilespmem:v21+s1+$0x0], $0xffff;
	v22 =	vand.u32 $0x7F, v22;
	v12 =	vor.u32 v2, v12;
	v14 =	vadd.s32 v1, v14  }
0x2a3: {  	v14 =	vor.u32 v22, v14;
	v22 =	vld [tilespmem:s29+$0x10430];
	v24 =	vand.u32 $0xFFFFFC00, v51;
	v52 =	vshll.u32 v20, $0x3  }
0x2a4: {  	v53 =	vand.u32 $0x7F, v45;
	v24 =	vadd.s32 v5, v24;
	[tilespmem:s29+$0x14400] =	vst v18;
	v18 =	vld [tilespmem:s30+$0x10430];
	v25 =	vand.u32 $0xFFFFFC00, v52  }
0x2a5: {  	v24 =	vor.u32 v53, v24;
	v20 =	vand.u32 $0x7F, v20;
	v17 =	vld.idx.msk [tilespmem:v17+s1+$0x0], $0xffff;
	v25 =	vadd.s32 v7, v25;
	[tilespmem:s30+$0x14400] =	vst v16  }
0x2a6: {  	v24 =	vor.u32 v4, v24;
	v16 =	vshll.u32 v23, $0x3;
	v19 =	vld.idx.msk [tilespmem:v19+s1+$0x0], $0xffff;
	v20 =	vor.u32 v20, v25  }
0x2a7: {  	v58 =	vld [tilespmem:s29+$0x10450];
	[tilespmem:s28+$0x14410] =	vst v21;
	v14 =	vor.u32 v2, v14;
	v16 =	vand.u32 $0xFFFFFC00, v16;
	v20 =	vor.u32 v6, v20  }
0x2a8: {  	v21 =	vld.idx.msk [tilespmem:v12+s1+$0x0], $0xffff;
	v55 =	vshll.u32 v22, $0x3;
	v23 =	vand.u32 $0x7F, v23;
	v16 =	vadd.s32 v1, v16  }
0x2a9: {  	v56 =	vld [tilespmem:s30+$0x10440];
	v16 =	vor.u32 v23, v16;
	v23 =	vand.u32 $0xFFFFFC00, v55;
	v57 =	vshll.u32 v18, $0x3  }
0x2aa: {  	v60 =	vld [tilespmem:s30+$0x10450];
	v22 =	vand.u32 $0x7F, v22;
	v23 =	vadd.s32 v5, v23;
	[tilespmem:s29+$0x14410] =	vst v17;
	v26 =	vand.u32 $0xFFFFFC00, v57  }
0x2ab: {  	v18 =	vand.u32 $0x7F, v18;
	v22 =	vor.u32 v22, v23;
	v24 =	vld.idx.msk [tilespmem:v24+s1+$0x0], $0xffff;
	v23 =	vadd.s32 v7, v26;
	[tilespmem:s30+$0x14410] =	vst v19  }
0x2ac: {  	v3 =	vadd.s32 v3, v11;
	v19 =	vor.u32 v4, v22;
	v20 =	vld.idx.msk [tilespmem:v20+s1+$0x0], $0xffff;
	v18 =	vor.u32 v18, v23  }
0x2ad: {  	v3 =	vor.u32 v8, v3;
	[tilespmem:s28+$0x14420] =	vst v21;
	v17 =	vld [tilespmem:s28+$0x10450];
	v18 =	vor.u32 v6, v18  }
0x2ae: {  	v13 =	vor.u32 v0, v13;
	v61 =	vand.u32 $0x7F, v58;
	v21 =	vshll.u32 v54, $0x3;
	v14 =	vld.idx.msk [tilespmem:v14+s1+$0x0], $0xffff  }
0x2af: {  	v21 =	vand.u32 $0xFFFFFC00, v21;
	v16 =	vor.u32 v2, v16;
	v22 =	vshll.u32 v56, $0x3  }
0x2b0: {  	v25 =	vand.u32 $0x7F, v54;
	v21 =	vadd.s32 v5, v21;
	v23 =	vld [tilespmem:s28+$0x10460];
	v22 =	vand.u32 $0xFFFFFC00, v22;
	[tilespmem:s29+$0x14420] =	vst v24  }
0x2b1: {  	v27 =	vand.u32 $0x7F, v56;
	v21 =	vor.u32 v25, v21;
	v22 =	vadd.s32 v7, v22;
	[tilespmem:s30+$0x14420] =	vst v20;
	v19 =	vld.idx.msk [tilespmem:v19+s1+$0x0], $0xffff  }
0x2b2: {  	v21 =	vor.u32 v4, v21;
	v22 =	vor.u32 v27, v22;
	v59 =	vshll.u32 v17, $0x3;
	v18 =	vld.idx.msk [tilespmem:v18+s1+$0x0], $0xffff  }
0x2b3: {  	v62 =	vand.u32 $0x7F, v60;
	v15 =	vld [tilespmem:s28+$0x10470];
	[tilespmem:s28+$0x14430] =	vst v14;
	v14 =	vor.u32 v6, v22;
	v20 =	vand.u32 $0xFFFFFC00, v59  }
0x2b4: {  	v8 =	vld.idx.msk [tilespmem:v16+s1+$0x0], $0xffff;
	v16 =	vshll.u32 v58, $0x3;
	v17 =	vand.u32 $0x7F, v17;
	v20 =	vadd.s32 v1, v20  }
0x2b5: {  	v16 =	vand.u32 $0xFFFFFC00, v16;
	v22 =	vshll.u32 v60, $0x3;
	v11 =	vor.u32 v17, v20;
	v20 =	vld [tilespmem:s29+$0x10460]  }
0x2b6: {  	v16 =	vadd.s32 v5, v16;
	v22 =	vand.u32 $0xFFFFFC00, v22;
	v11 =	vor.u32 v2, v11;
	[tilespmem:s29+$0x14430] =	vst v19;
	v19 =	vld [tilespmem:s30+$0x10460]  }
0x2b7: {  	v16 =	vor.u32 v61, v16;
	v17 =	vshll.u32 v23, $0x3;
	v21 =	vld.idx.msk [tilespmem:v21+s1+$0x0], $0xffff;
	[tilespmem:s30+$0x14430] =	vst v18;
	v18 =	vadd.s32 v7, v22  }
0x2b8: {  	[tilespmem:s26+$0x14440] =	vst v9;
	v16 =	vor.u32 v4, v16;
	v17 =	vand.u32 $0xFFFFFC00, v17;
	v14 =	vld.idx.msk [tilespmem:v14+s1+$0x0], $0xffff;
	v18 =	vor.u32 v62, v18  }
0x2b9: {  	v10 =	vld.idx.msk [tilespmem:v10+s1+$0x0], $0xffff;
	v9 =	vand.u32 $0x7F, v23;
	v17 =	vadd.s32 v1, v17;
	v18 =	vor.u32 v6, v18  }
0x2ba: {  	v12 =	vld [tilespmem:s29+$0x10470];
	[tilespmem:s28+$0x14440] =	vst v8;
	v8 =	vor.u32 v9, v17;
	v22 =	vshll.u32 v15, $0x3;
	v9 =	vshll.u32 v20, $0x3  }
0x2bb: {  	v8 =	vor.u32 v2, v8;
	v11 =	vld.idx.msk [tilespmem:v11+s1+$0x0], $0xffff;
	v9 =	vand.u32 $0xFFFFFC00, v9;
	v17 =	vshll.u32 v19, $0x3  }
0x2bc: {  	v20 =	vand.u32 $0x7F, v20;
	v9 =	vadd.s32 v5, v9;
	[tilespmem:s29+$0x14440] =	vst v21;
	v21 =	vld [tilespmem:s30+$0x10470];
	v17 =	vand.u32 $0xFFFFFC00, v17  }
0x2bd: {  	v9 =	vor.u32 v20, v9;
	v19 =	vand.u32 $0x7F, v19;
	v16 =	vld.idx.msk [tilespmem:v16+s1+$0x0], $0xffff;
	[tilespmem:s30+$0x14440] =	vst v14;
	v14 =	vadd.s32 v7, v17  }
0x2be: {  	v9 =	vor.u32 v4, v9;
	v17 =	vand.u32 $0xFFFFFC00, v22;
	v18 =	vld.idx.msk [tilespmem:v18+s1+$0x0], $0xffff;
	v14 =	vor.u32 v19, v14  }
0x2bf: {  	v15 =	vand.u32 $0x7F, v15;
	v1 =	vadd.s32 v1, v17;
	v14 =	vor.u32 v6, v14  }
0x2c0: {  	v0 =	vor.u32 v0, v3;
	[tilespmem:s26+$0x14450] =	vst v10;
	v3 =	vshll.u32 v12, $0x3;
	v1 =	vor.u32 v15, v1  }
0x2c1: {  	v10 =	vld.idx.msk [tilespmem:v13+s1+$0x0], $0xffff;
	[tilespmem:s28+$0x14450] =	vst v11;
	v1 =	vor.u32 v2, v1;
	v2 =	vand.u32 $0xFFFFFC00, v3;
	v3 =	vshll.u32 v21, $0x3  }
0x2c2: {  	v11 =	vand.u32 $0x7F, v12;
	v8 =	vld.idx.msk [tilespmem:v8+s1+$0x0], $0xffff;
	v2 =	vadd.s32 v5, v2;
	[tilespmem:s29+$0x14450] =	vst v16;
	v3 =	vand.u32 $0xFFFFFC00, v3  }
0x2c3: {  	v2 =	vor.u32 v11, v2;
	v5 =	vld.idx.msk [tilespmem:v9+s1+$0x0], $0xffff;
	v9 =	vand.u32 $0x7F, v21;
	[tilespmem:s30+$0x14450] =	vst v18;
	v3 =	vadd.s32 v7, v3  }
0x2c4: {  	v2 =	vor.u32 v4, v2;
	v4 =	vld.idx.msk [tilespmem:v14+s1+$0x0], $0xffff;
	v3 =	vor.u32 v9, v3  }
0x2c5: {  	v3 =	vor.u32 v6, v3  }
0x2c6: {  	[tilespmem:s26+$0x14460] =	vst v10  }
0x2c7: {  	v0 =	vld.idx.msk [tilespmem:v0+s1+$0x0], $0xffff;
	[tilespmem:s28+$0x14460] =	vst v8  }
0x2c8: {  	v1 =	vld.idx.msk [tilespmem:v1+s1+$0x0], $0xffff;
	[tilespmem:s29+$0x14460] =	vst v5  }
0x2c9: {  	v2 =	vld.idx.msk [tilespmem:v2+s1+$0x0], $0xffff;
	[tilespmem:s30+$0x14460] =	vst v4  }
0x2ca: {  	v3 =	vld.idx.msk [tilespmem:v3+s1+$0x0], $0xffff;
	_ =	sdelay $0x1  }
0x2cb: {  	[tilespmem:s26+$0x14470] =	vst v0  }
0x2cc: {  	[tilespmem:s28+$0x14470] =	vst v1  }
0x2cd: {  	[tilespmem:s29+$0x14470] =	vst v2  }
0x2ce: {  	s0 =	simm.s32 $0x0;
	[tilespmem:s30+$0x14470] =	vst v3  }
0x2cf: {  	[hbm4b:s13+s0] =	stream.linear.scatter [tilespmem:s21], [sflag:$0x5], $0x2000, $0x38;
	[tilespmem:$0x16000] =	vst v63  }
0x2d0: {  	_ =	swait.ge [sflag:s22], $0x2000  }
0x2d1: {  	[sflag:s22] =	ssyncset.done $0x0  }
0x2d2: {  	[sflag:s22] =	ssyncadd.s32 $0xFFFFE000  }
0x2d3: {  	_ =	swait.ge [sflag:s23], $0x8000  }
0x2d4: {  	[sflag:s23] =	ssyncset.done $0x0  }
0x2d5: {  	[sflag:s23] =	ssyncadd.s32 $0xFFFF8000  }
0x2d6: {  	_ =	swait.ge [sflag:s24], $0x2000  }
0x2d7: {  	s16 =	sand.u32 $0x1800, s0;
	s26 =	sand.u32 $0x380, s0;
	[sflag:s24] =	ssyncset.done $0x0  }
0x2d8: {  	s26 =	sor.u32 s26, s16;
	[sflag:s24] =	ssyncadd.s32 $0xFFFFE000  }
0x2d9: {  	v0 =	vld [tilespmem:s26+$0x12000];
	_ =	sdelay $0x3  }
0x2da: {  	v1 =	vmov s0  }
0x2db: {  	v2 =	vshll.u32 v1, $0xA;
	v4 =	vshll.u32 v0, $0x3  }
0x2dc: {  	v3 =	vand.u32 $0x6000, v2;
	v2 =	vand.u32 $0xFFFFFC00, v4  }
0x2dd: {  	v1 =	vshll.u32 v1, $0x7;
	v5 =	vld [tilespmem:s26+$0x12010];
	v4 =	vand.u32 $0x7F, v0;
	v2 =	vadd.s32 v3, v2  }
0x2de: {  	v0 =	vand.u32 $0x380, v1;
	v1 =	vor.u32 v4, v2  }
0x2df: {  	v1 =	vor.u32 v0, v1;
	_ =	sdelay $0x2  }
0x2e0: {  	v2 =	vshll.u32 v5, $0x3  }
0x2e1: {  	v4 =	vld [tilespmem:s26+$0x12020];
	v2 =	vand.u32 $0xFFFFFC00, v2  }
0x2e2: {  	v5 =	vand.u32 $0x7F, v5;
	v2 =	vadd.s32 v3, v2;
	v1 =	vld.idx.msk [tilespmem:v1+s19+$0x0], $0xffff  }
0x2e3: {  	v2 =	vor.u32 v5, v2  }
0x2e4: {  	v2 =	vor.u32 v0, v2;
	_ =	sdelay $0x1  }
0x2e5: {  	v5 =	vshll.u32 v4, $0x3  }
0x2e6: {  	[tilespmem:s26+$0x14000] =	vst v1;
	v1 =	vand.u32 $0xFFFFFC00, v5  }
0x2e7: {  	v4 =	vand.u32 $0x7F, v4;
	v5 =	vld [tilespmem:s26+$0x12030];
	v1 =	vadd.s32 v3, v1  }
0x2e8: {  	v2 =	vld.idx.msk [tilespmem:v2+s19+$0x0], $0xffff;
	v1 =	vor.u32 v4, v1  }
0x2e9: {  	v1 =	vor.u32 v0, v1;
	_ =	sdelay $0x2  }
0x2ea: {  	s16 =	simm.s32 $0x100;
	s0 =	simm.s32 $0x80;
	v4 =	vshll.u32 v5, $0x3  }
0x2eb: {  	s2 =	sand.u32 $0x1800, s16;
	s0 =	sand.u32 $0x380, s0;
	[tilespmem:s26+$0x14010] =	vst v2;
	v2 =	vand.u32 $0xFFFFFC00, v4;
	v4 =	vld [tilespmem:s26+$0x12040]  }
0x2ec: {  	s28 =	sor.u32 s0, s2;
	v5 =	vand.u32 $0x7F, v5;
	v2 =	vadd.s32 v3, v2;
	v1 =	vld.idx.msk [tilespmem:v1+s19+$0x0], $0xffff  }
0x2ed: {  	v2 =	vor.u32 v5, v2;
	v5 =	vld [tilespmem:s28+$0x12000]  }
0x2ee: {  	v2 =	vor.u32 v0, v2  }
0x2ef: {  	s2 =	simm.s32 $0x1  }
0x2f0: {  	v6 =	vmov s2;
	v7 =	vshll.u32 v4, $0x3  }
0x2f1: {  	v8 =	vshll.u32 v6, $0x7;
	v6 =	vshll.u32 v6, $0xA;
	v9 =	vld [tilespmem:s26+$0x12050];
	v7 =	vand.u32 $0xFFFFFC00, v7  }
0x2f2: {  	v4 =	vand.u32 $0x7F, v4;
	[tilespmem:s26+$0x14020] =	vst v1;
	v7 =	vadd.s32 v3, v7;
	v10 =	vshll.u32 v5, $0x3  }
0x2f3: {  	v1 =	vand.u32 $0x6000, v6;
	v6 =	vld.idx.msk [tilespmem:v2+s19+$0x0], $0xffff;
	v2 =	vor.u32 v4, v7;
	v4 =	vand.u32 $0xFFFFFC00, v10  }
0x2f4: {  	v5 =	vand.u32 $0x7F, v5;
	v10 =	vld [tilespmem:s28+$0x12010];
	v7 =	vor.u32 v0, v2;
	v4 =	vadd.s32 v1, v4  }
0x2f5: {  	v2 =	vand.u32 $0x380, v8;
	v4 =	vor.u32 v5, v4  }
0x2f6: {  	v5 =	vshll.u32 v9, $0x3;
	v4 =	vor.u32 v2, v4  }
0x2f7: {  	v8 =	vld [tilespmem:s26+$0x12060];
	v5 =	vand.u32 $0xFFFFFC00, v5  }
0x2f8: {  	v5 =	vadd.s32 v3, v5;
	[tilespmem:s26+$0x14030] =	vst v6;
	v6 =	vand.u32 $0x7F, v9  }
0x2f9: {  	v7 =	vld.idx.msk [tilespmem:v7+s19+$0x0], $0xffff;
	v5 =	vor.u32 v6, v5;
	v6 =	vshll.u32 v10, $0x3  }
0x2fa: {  	v11 =	vld [tilespmem:s28+$0x12020];
	v5 =	vor.u32 v0, v5;
	v6 =	vand.u32 $0xFFFFFC00, v6  }
0x2fb: {  	v9 =	vand.u32 $0x7F, v10;
	v4 =	vld.idx.msk [tilespmem:v4+s19+$0x0], $0xffff;
	v6 =	vadd.s32 v1, v6  }
0x2fc: {  	v10 =	vshll.u32 v8, $0x3;
	v6 =	vor.u32 v9, v6  }
0x2fd: {  	v10 =	vand.u32 $0xFFFFFC00, v10;
	v9 =	vld [tilespmem:s26+$0x12070];
	v6 =	vor.u32 v2, v6  }
0x2fe: {  	[tilespmem:s26+$0x14040] =	vst v7;
	v7 =	vand.u32 $0x7F, v8;
	v8 =	vadd.s32 v3, v10  }
0x2ff: {  	v5 =	vld.idx.msk [tilespmem:v5+s19+$0x0], $0xffff;
	v7 =	vor.u32 v7, v8  }
0x300: {  	v12 =	vld [tilespmem:s26+$0x12400];
	v7 =	vor.u32 v0, v7;
	[tilespmem:s28+$0x14000] =	vst v4;
	v4 =	vshll.u32 v11, $0x3  }
0x301: {  	v8 =	vld [tilespmem:s28+$0x12030];
	v4 =	vand.u32 $0xFFFFFC00, v4  }
0x302: {  	v11 =	vand.u32 $0x7F, v11;
	v10 =	vshll.u32 v9, $0x3;
	v6 =	vld.idx.msk [tilespmem:v6+s19+$0x0], $0xffff;
	v4 =	vadd.s32 v1, v4  }
0x303: {  	v10 =	vand.u32 $0xFFFFFC00, v10;
	v4 =	vor.u32 v11, v4  }
0x304: {  	[tilespmem:s26+$0x14050] =	vst v5;
	v5 =	vand.u32 $0x7F, v9;
	v9 =	vadd.s32 v3, v10;
	v4 =	vor.u32 v2, v4;
	v10 =	vld [tilespmem:s26+$0x12410]  }
0x305: {  	v7 =	vld.idx.msk [tilespmem:v7+s19+$0x0], $0xffff;
	v5 =	vor.u32 v5, v9  }
0x306: {  	v9 =	vshll.u32 v8, $0x3;
	v5 =	vor.u32 v0, v5  }
0x307: {  	v11 =	vshll.u32 v12, $0x3;
	[tilespmem:s28+$0x14010] =	vst v6;
	v6 =	vand.u32 $0xFFFFFC00, v9;
	v9 =	vld [tilespmem:s28+$0x12040]  }
0x308: {  	s0 =	simm.s32 $0x2;
	v12 =	vand.u32 $0x7F, v12;
	v8 =	vand.u32 $0x7F, v8;
	v6 =	vadd.s32 v1, v6  }
0x309: {  	s16 =	simm.s32 $0x200;
	s2 =	simm.s32 $0x100;
	v11 =	vand.u32 $0xFFFFFC00, v11;
	v4 =	vld.idx.msk [tilespmem:v4+s19+$0x0], $0xffff;
	v6 =	vor.u32 v8, v6;
	v8 =	vmov s0  }
0x30a: {  	s16 =	sand.u32 $0x1800, s16;
	s2 =	sand.u32 $0x380, s2;
	v13 =	vld [tilespmem:s26+$0x12420];
	v16 =	vshll.u32 v10, $0x3;
	[tilespmem:s26+$0x14060] =	vst v7;
	v7 =	vadd.s32 v3, v11;
	v6 =	vor.u32 v2, v6  }
0x30b: {  	s29 =	sor.u32 s2, s16;
	v10 =	vand.u32 $0x7F, v10;
	v11 =	vld.idx.msk [tilespmem:v5+s19+$0x0], $0xffff;
	v5 =	vor.u32 v12, v7;
	v7 =	vshll.u32 v8, $0x7  }
0x30c: {  	v15 =	vld [tilespmem:s29+$0x12000];
	v12 =	vor.u32 v0, v5;
	v5 =	vshll.u32 v8, $0xA;
	v8 =	vshll.u32 v9, $0x3  }
0x30d: {  	v14 =	vld [tilespmem:s28+$0x12050];
	v16 =	vand.u32 $0xFFFFFC00, v16;
	v8 =	vand.u32 $0xFFFFFC00, v8;
	v5 =	vand.u32 $0x6000, v5  }
0x30e: {  	v17 =	vld [tilespmem:s29+$0x12010];
	[tilespmem:s28+$0x14020] =	vst v4;
	v4 =	vand.u32 $0x7F, v9;
	v8 =	vadd.s32 v1, v8;
	v9 =	vadd.s32 v3, v16  }
0x30f: {  	v6 =	vld.idx.msk [tilespmem:v6+s19+$0x0], $0xffff;
	v8 =	vor.u32 v4, v8;
	v9 =	vor.u32 v10, v9;
	v4 =	vand.u32 $0x380, v7  }
0x310: {  	v10 =	vshll.u32 v13, $0x3;
	v13 =	vand.u32 $0x7F, v13;
	[tilespmem:s26+$0x14070] =	vst v11;
	v8 =	vor.u32 v2, v8  }
0x311: {  	v9 =	vor.u32 v0, v9;
	v11 =	vshll.u32 v15, $0x3;
	v15 =	vand.u32 $0x7F, v15;
	v7 =	vld.idx.msk [tilespmem:v12+s19+$0x0], $0xffff  }
0x312: {  	v18 =	vld [tilespmem:s28+$0x12060];
	v10 =	vand.u32 $0xFFFFFC00, v10;
	v12 =	vshll.u32 v14, $0x3;
	v11 =	vand.u32 $0xFFFFFC00, v11  }
0x313: {  	v16 =	vld [tilespmem:s26+$0x12430];
	v10 =	vadd.s32 v3, v10;
	v11 =	vadd.s32 v5, v11;
	v12 =	vand.u32 $0xFFFFFC00, v12  }
0x314: {  	v10 =	vor.u32 v13, v10;
	v13 =	vshll.u32 v17, $0x3;
	[tilespmem:s28+$0x14030] =	vst v6;
	v6 =	vor.u32 v15, v11  }
0x315: {  	v19 =	vld [tilespmem:s29+$0x12020];
	v12 =	vadd.s32 v1, v12;
	v11 =	vand.u32 $0x7F, v14;
	v6 =	vor.u32 v4, v6  }
0x316: {  	v17 =	vand.u32 $0x7F, v17;
	v10 =	vor.u32 v0, v10;
	v8 =	vld.idx.msk [tilespmem:v8+s19+$0x0], $0xffff;
	[tilespmem:s26+$0x14400] =	vst v7;
	v7 =	vor.u32 v11, v12  }
0x317: {  	v13 =	vand.u32 $0xFFFFFC00, v13;
	v14 =	vshll.u32 v18, $0x3;
	v9 =	vld.idx.msk [tilespmem:v9+s19+$0x0], $0xffff;
	v7 =	vor.u32 v2, v7  }
0x318: {  	v15 =	vld [tilespmem:s28+$0x12070];
	v13 =	vadd.s32 v5, v13;
	v14 =	vand.u32 $0xFFFFFC00, v14;
	v11 =	vshll.u32 v16, $0x3  }
0x319: {  	v13 =	vor.u32 v17, v13;
	v17 =	vand.u32 $0x7F, v18;
	v12 =	vld [tilespmem:s26+$0x12440];
	v11 =	vand.u32 $0xFFFFFC00, v11  }
0x31a: {  	v14 =	vadd.s32 v1, v14;
	v16 =	vand.u32 $0x7F, v16;
	v11 =	vadd.s32 v3, v11;
	v6 =	vld.idx.msk [tilespmem:v6+s19+$0x0], $0xffff  }
0x31b: {  	s16 =	simm.s32 $0x3;
	v20 =	vld [tilespmem:s26+$0x12450];
	v13 =	vor.u32 v4, v13;
	v11 =	vor.u32 v16, v11;
	v16 =	vshll.u32 v19, $0x3;
	[tilespmem:s28+$0x14040] =	vst v8  }
0x31c: {  	v8 =	vor.u32 v17, v14;
	v14 =	vmov s16;
	v11 =	vor.u32 v0, v11;
	v7 =	vld.idx.msk [tilespmem:v7+s19+$0x0], $0xffff;
	[tilespmem:s26+$0x14410] =	vst v9  }
0x31d: {  	v17 =	vshll.u32 v15, $0x3;
	v16 =	vand.u32 $0xFFFFFC00, v16;
	v15 =	vand.u32 $0x7F, v15;
	v10 =	vld.idx.msk [tilespmem:v10+s19+$0x0], $0xffff  }
0x31e: {  	v22 =	vld [tilespmem:s26+$0x12470];
	v8 =	vor.u32 v2, v8;
	v18 =	vshll.u32 v12, $0x3;
	v16 =	vadd.s32 v5, v16  }
0x31f: {  	v17 =	vand.u32 $0xFFFFFC00, v17;
	v18 =	vand.u32 $0xFFFFFC00, v18;
	[tilespmem:s29+$0x14000] =	vst v6;
	v6 =	vand.u32 $0x7F, v19;
	v19 =	vld [tilespmem:s29+$0x12030]  }
0x320: {  	v21 =	vld [tilespmem:s28+$0x12400];
	v18 =	vadd.s32 v3, v18;
	v6 =	vor.u32 v6, v16;
	v16 =	vadd.s32 v1, v17  }
0x321: {  	v9 =	vshll.u32 v14, $0x7;
	v17 =	vld.idx.msk [tilespmem:v13+s19+$0x0], $0xffff;
	[tilespmem:s28+$0x14050] =	vst v7;
	v23 =	vor.u32 v4, v6;
	v6 =	vor.u32 v15, v16  }
0x322: {  	v13 =	vld [tilespmem:s26+$0x12460];
	v7 =	vand.u32 $0x7F, v12;
	v16 =	vand.u32 $0x7F, v20;
	[tilespmem:s26+$0x14420] =	vst v10;
	v10 =	vshll.u32 v14, $0xA  }
0x323: {  	v8 =	vld.idx.msk [tilespmem:v8+s19+$0x0], $0xffff;
	v14 =	vor.u32 v2, v6;
	v12 =	vor.u32 v7, v18;
	v6 =	vand.u32 $0x380, v9  }
0x324: {  	v18 =	vshll.u32 v20, $0x3;
	v11 =	vld.idx.msk [tilespmem:v11+s19+$0x0], $0xffff;
	v7 =	vand.u32 $0x6000, v10;
	v10 =	vshll.u32 v19, $0x3  }
0x325: {  	v15 =	vld [tilespmem:s28+$0x12410];
	v20 =	vshll.u32 v21, $0x3;
	v9 =	vor.u32 v0, v12;
	v10 =	vand.u32 $0xFFFFFC00, v10  }
0x326: {  	v12 =	vld [tilespmem:s28+$0x12420];
	[tilespmem:s29+$0x14010] =	vst v17;
	v17 =	vand.u32 $0x7F, v19;
	v19 =	vand.u32 $0xFFFFFC00, v20;
	v10 =	vadd.s32 v5, v10  }
0x327: {  	v10 =	vor.u32 v17, v10;
	v17 =	vadd.s32 v1, v19;
	v19 =	vld [tilespmem:s29+$0x12040]  }
0x328: {  	v63 =	vand.u32 $0x7F, v21;
	v18 =	vand.u32 $0xFFFFFC00, v18;
	v20 =	vld.idx.msk [tilespmem:v23+s19+$0x0], $0xffff;
	[tilespmem:s28+$0x14060] =	vst v8;
	v21 =	vor.u32 v4, v10  }
0x329: {  	v8 =	vor.u32 v63, v17;
	v10 =	vadd.s32 v3, v18;
	v17 =	vld.idx.msk [tilespmem:v14+s19+$0x0], $0xffff;
	[tilespmem:s26+$0x14430] =	vst v11  }
0x32a: {  	s31 =	simm.s32 $0x300;
	s30 =	simm.s32 $0x180;
	v14 =	vand.u32 $0x7F, v13;
	v18 =	vor.u32 v2, v8;
	v10 =	vor.u32 v16, v10;
	v9 =	vld.idx.msk [tilespmem:v9+s19+$0x0], $0xffff  }
0x32b: {  	s2 =	sand.u32 $0x1800, s31;
	s0 =	simm.s32 $0x4;
	s16 =	sand.u32 $0x380, s30;
	v11 =	vshll.u32 v22, $0x3;
	v8 =	vand.u32 $0x7F, v22;
	v10 =	vor.u32 v0, v10  }
.LBB2_8:
0x32c: {  	p0 =	sne.s32 s0, $0x1F;
	s2 =	sor.u32 s16, s2;
	v16 =	vshll.u32 v19, $0x3;
	v22 =	vld [tilespmem:s29+$0x12050];
	v23 =	vand.u32 $0x7F, v12;
	v13 =	vshll.u32 v13, $0x3  }
0x32d: {  	v24 =	vld [tilespmem:s2+$0x12000];
	[tilespmem:s29+$0x14020] =	vst v20;
	v16 =	vand.u32 $0xFFFFFC00, v16;
	v20 =	vand.u32 $0x7F, v15;
	v15 =	vshll.u32 v15, $0x3  }
0x32e: {  	v19 =	vand.u32 $0x7F, v19;
	v21 =	vld.idx.msk [tilespmem:v21+s19+$0x0], $0xffff;
	v16 =	vadd.s32 v5, v16;
	[tilespmem:s28+$0x14070] =	vst v17;
	v15 =	vand.u32 $0xFFFFFC00, v15  }
0x32f: {  	v16 =	vor.u32 v19, v16;
	v17 =	vld.idx.msk [tilespmem:v18+s19+$0x0], $0xffff;
	v15 =	vadd.s32 v1, v15;
	[tilespmem:s26+$0x14440] =	vst v9;
	v9 =	vand.u32 $0xFFFFFC00, v13  }
0x330: {  	v13 =	vor.u32 v4, v16;
	v15 =	vor.u32 v20, v15;
	v10 =	vld.idx.msk [tilespmem:v10+s19+$0x0], $0xffff;
	v9 =	vadd.s32 v3, v9  }
0x331: {  	v12 =	vshll.u32 v12, $0x3;
	v15 =	vor.u32 v2, v15;
	v16 =	vld [tilespmem:s28+$0x12470];
	v9 =	vor.u32 v14, v9  }
0x332: {  	v18 =	vshll.u32 v22, $0x3;
	v14 =	vshll.u32 v24, $0x3;
	v19 =	vld [tilespmem:s28+$0x12430];
	v9 =	vor.u32 v0, v9  }
0x333: {  	v12 =	vand.u32 $0xFFFFFC00, v12;
	v20 =	vand.u32 $0x7F, v24;
	v14 =	vand.u32 $0xFFFFFC00, v14;
	v24 =	vld [tilespmem:s29+$0x12060]  }
0x334: {  	v12 =	vadd.s32 v1, v12;
	v18 =	vand.u32 $0xFFFFFC00, v18;
	v14 =	vadd.s32 v7, v14;
	v25 =	vld [tilespmem:s2+$0x12010];
	[tilespmem:s29+$0x14030] =	vst v21  }
0x335: {  	v18 =	vadd.s32 v5, v18;
	v14 =	vor.u32 v20, v14;
	v13 =	vld.idx.msk [tilespmem:v13+s19+$0x0], $0xffff;
	v20 =	vand.u32 $0x7F, v22;
	[tilespmem:s28+$0x14400] =	vst v17  }
0x336: {  	v14 =	vor.u32 v6, v14;
	v17 =	vor.u32 v20, v18;
	v15 =	vld.idx.msk [tilespmem:v15+s19+$0x0], $0xffff;
	[tilespmem:s26+$0x14450] =	vst v10;
	v10 =	vand.u32 $0xFFFFFC00, v11  }
0x337: {  	v12 =	vor.u32 v23, v12;
	v11 =	vor.u32 v4, v17;
	v9 =	vld.idx.msk [tilespmem:v9+s19+$0x0], $0xffff;
	v18 =	vadd.s32 v3, v10  }
0x338: {  	v10 =	vor.u32 v2, v12;
	v12 =	vshll.u32 v19, $0x3;
	v3 =	vmovc v1;
	v1 =	vmovc v5;
	v17 =	vld [tilespmem:s28+$0x12440];
	v8 =	vor.u32 v8, v18  }
0x339: {  	v5 =	vmovc v7;
	v20 =	vshll.u32 v24, $0x3;
	v18 =	vshll.u32 v25, $0x3;
	v21 =	vld [tilespmem:s29+$0x12070];
	v8 =	vor.u32 v0, v8;
	v0 =	vmovc v2  }
0x33a: {  	v12 =	vand.u32 $0xFFFFFC00, v12;
	v7 =	vand.u32 $0x7F, v25;
	v2 =	vmovc v4;
	v4 =	vmovc v6;
	v18 =	vand.u32 $0xFFFFFC00, v18;
	v22 =	vld [tilespmem:s2+$0x12020]  }
0x33b: {  	v12 =	vadd.s32 v3, v12;
	v6 =	vld.idx.msk [tilespmem:v14+s19+$0x0], $0xffff;
	v14 =	vadd.s32 v5, v18;
	[tilespmem:s29+$0x14040] =	vst v13;
	v13 =	vand.u32 $0xFFFFFC00, v20  }
0x33c: {  	v7 =	vor.u32 v7, v14;
	v11 =	vld.idx.msk [tilespmem:v11+s19+$0x0], $0xffff;
	v14 =	vand.u32 $0x7F, v24;
	v13 =	vadd.s32 v1, v13;
	[tilespmem:s28+$0x14410] =	vst v15  }
0x33d: {  	v7 =	vor.u32 v4, v7;
	v13 =	vor.u32 v14, v13;
	v10 =	vld.idx.msk [tilespmem:v10+s19+$0x0], $0xffff;
	v14 =	vand.u32 $0x7F, v19;
	[tilespmem:s26+$0x14460] =	vst v9  }
0x33e: {  	v9 =	vmov s0;
	v13 =	vor.u32 v2, v13;
	v12 =	vor.u32 v14, v12;
	v8 =	vld.idx.msk [tilespmem:v8+s19+$0x0], $0xffff  }
0x33f: {  	v14 =	vshll.u32 v9, $0x7;
	v12 =	vor.u32 v0, v12;
	v18 =	vld [tilespmem:s28+$0x12450]  }
0x340: {  	v23 =	vshll.u32 v17, $0x3;
	v19 =	vshll.u32 v21, $0x3;
	v15 =	vshll.u32 v22, $0x3;
	v20 =	vld [tilespmem:s29+$0x12400]  }
0x341: {  	v23 =	vand.u32 $0xFFFFFC00, v23;
	v15 =	vand.u32 $0xFFFFFC00, v15;
	[tilespmem:s2+$0x14000] =	vst v6;
	v6 =	vand.u32 $0x7F, v22;
	v22 =	vld [tilespmem:s2+$0x12030]  }
0x342: {  	v24 =	vld.idx.msk [tilespmem:v7+s19+$0x0], $0xffff;
	v7 =	vadd.s32 v5, v15;
	[tilespmem:s29+$0x14050] =	vst v11;
	v11 =	vand.u32 $0xFFFFFC00, v19;
	v15 =	vadd.s32 v3, v23  }
0x343: {  	v6 =	vor.u32 v6, v7;
	v23 =	vld.idx.msk [tilespmem:v13+s19+$0x0], $0xffff;
	v7 =	vand.u32 $0x7F, v21;
	v11 =	vadd.s32 v1, v11;
	[tilespmem:s28+$0x14420] =	vst v10  }
0x344: {  	v10 =	vor.u32 v4, v6;
	v6 =	vor.u32 v7, v11;
	v11 =	vld.idx.msk [tilespmem:v12+s19+$0x0], $0xffff;
	v7 =	vand.u32 $0x7F, v17;
	[tilespmem:s26+$0x14470] =	vst v8;
	s26 =	smov.u32 s28;
	s28 =	smov.u32 s29;
	s29 =	smov.u32 s2  }
0x345: {  	v8 =	vshll.u32 v9, $0xA;
	v9 =	vor.u32 v2, v6;
	v15 =	vor.u32 v7, v15;
	v13 =	vld [tilespmem:s26+$0x12460]  }
0x346: {  	v7 =	vand.u32 $0x6000, v8;
	v6 =	vand.u32 $0x380, v14;
	v12 =	vld [tilespmem:s28+$0x12420];
	v8 =	vor.u32 v0, v15  }
0x347: {  	v25 =	vand.u32 $0x7F, v18;
	v18 =	vshll.u32 v18, $0x3;
	v14 =	vshll.u32 v22, $0x3;
	v15 =	vld [tilespmem:s28+$0x12410]  }
0x348: {  	v17 =	vshll.u32 v20, $0x3;
	v14 =	vand.u32 $0xFFFFFC00, v14;
	[tilespmem:s29+$0x14010] =	vst v24;
	v19 =	vld [tilespmem:s29+$0x12040];
	v24 =	vand.u32 $0x7F, v20  }
.Ltmp3:
0x349: {  	v21 =	vand.u32 $0xFFFFFC00, v17;
	v14 =	vadd.s32 v5, v14;
	v20 =	vld.idx.msk [tilespmem:v10+s19+$0x0], $0xffff;
	v10 =	vand.u32 $0x7F, v22;
	[tilespmem:s28+$0x14060] =	vst v23;
	(pc) =	sbr.rel @p0 .LBB2_8-.Ltmp3, $4  }
0x34a: {  	v10 =	vor.u32 v10, v14;
	v17 =	vld.idx.msk [tilespmem:v9+s19+$0x0], $0xffff;
	v9 =	vadd.s32 v1, v21;
	[tilespmem:s26+$0x14430] =	vst v11;
	v11 =	vand.u32 $0xFFFFFC00, v18  }
0x34b: {  	v21 =	vor.u32 v4, v10;
	v10 =	vor.u32 v24, v9;
	v9 =	vld.idx.msk [tilespmem:v8+s19+$0x0], $0xffff;
	v8 =	vadd.s32 v3, v11  }
0x34c: {  	s30 =	sadd.s32 $0x80, s30;
	s31 =	sadd.s32 $0x100, s31;
	v18 =	vor.u32 v2, v10;
	v10 =	vor.u32 v25, v8;
	v8 =	vand.u32 $0x7F, v16  }
0x34d: {  	s16 =	sand.u32 $0x380, s30;
	s0 =	sadd.s32 $0x1, s0;
	s2 =	sand.u32 $0x1800, s31;
	v14 =	vand.u32 $0x7F, v13;
	v11 =	vshll.u32 v16, $0x3;
	v10 =	vor.u32 v0, v10  }
0x34e: {  	s30 =	sor.u32 s16, s2  }
0x34f: {  	v16 =	vld [tilespmem:s30+$0x12000];
	_ =	sdelay $0x4  }
0x350: {  	v22 =	vshll.u32 v16, $0x3  }
0x351: {  	v23 =	vld [tilespmem:s30+$0x12010];
	v22 =	vand.u32 $0xFFFFFC00, v22  }
0x352: {  	v16 =	vand.u32 $0x7F, v16;
	v22 =	vadd.s32 v7, v22  }
0x353: {  	v16 =	vor.u32 v16, v22  }
0x354: {  	v16 =	vor.u32 v6, v16;
	_ =	sdelay $0x1  }
0x355: {  	v57 =	vshll.u32 v23, $0x3  }
0x356: {  	v24 =	vld [tilespmem:s30+$0x12020];
	v22 =	vand.u32 $0xFFFFFC00, v57  }
0x357: {  	v23 =	vand.u32 $0x7F, v23;
	v22 =	vadd.s32 v7, v22  }
0x358: {  	v22 =	vor.u32 v23, v22;
	v16 =	vld.idx.msk [tilespmem:v16+s19+$0x0], $0xffff  }
0x359: {  	v22 =	vor.u32 v6, v22;
	_ =	sdelay $0x1  }
0x35a: {  	v58 =	vshll.u32 v24, $0x3  }
0x35b: {  	v25 =	vld [tilespmem:s30+$0x12030];
	v23 =	vand.u32 $0xFFFFFC00, v58  }
0x35c: {  	v59 =	vand.u32 $0x7F, v24;
	v23 =	vadd.s32 v7, v23;
	[tilespmem:s30+$0x14000] =	vst v16  }
0x35d: {  	v16 =	vor.u32 v59, v23;
	v22 =	vld.idx.msk [tilespmem:v22+s19+$0x0], $0xffff  }
0x35e: {  	v16 =	vor.u32 v6, v16;
	_ =	sdelay $0x1  }
0x35f: {  	v60 =	vshll.u32 v25, $0x3  }
0x360: {  	v61 =	vld [tilespmem:s30+$0x12040];
	v23 =	vand.u32 $0xFFFFFC00, v60  }
0x361: {  	v62 =	vand.u32 $0x7F, v25;
	v23 =	vadd.s32 v7, v23;
	[tilespmem:s30+$0x14010] =	vst v22  }
0x362: {  	v22 =	vor.u32 v62, v23;
	v16 =	vld.idx.msk [tilespmem:v16+s19+$0x0], $0xffff  }
0x363: {  	v22 =	vor.u32 v6, v22  }
0x364: {  	v63 =	vshll.u32 v19, $0x3  }
0x365: {  	v28 =	vld [tilespmem:s29+$0x12050];
	v26 =	vshll.u32 v61, $0x3;
	v23 =	vand.u32 $0xFFFFFC00, v63  }
0x366: {  	[tilespmem:s29+$0x14020] =	vst v20;
	v29 =	vand.u32 $0x7F, v19;
	v31 =	vld [tilespmem:s30+$0x12050];
	v26 =	vand.u32 $0xFFFFFC00, v26;
	v30 =	vadd.s32 v5, v23  }
0x367: {  	v21 =	vld.idx.msk [tilespmem:v21+s19+$0x0], $0xffff;
	v32 =	vand.u32 $0x7F, v61;
	v33 =	vadd.s32 v7, v26;
	v19 =	vor.u32 v29, v30;
	[tilespmem:s30+$0x14020] =	vst v16  }
0x368: {  	v19 =	vor.u32 v4, v19;
	v16 =	vor.u32 v32, v33;
	v22 =	vld.idx.msk [tilespmem:v22+s19+$0x0], $0xffff  }
0x369: {  	v16 =	vor.u32 v6, v16  }
0x36a: {  	v34 =	vshll.u32 v28, $0x3  }
0x36b: {  	v35 =	vld [tilespmem:s29+$0x12060];
	v20 =	vand.u32 $0xFFFFFC00, v34;
	v36 =	vshll.u32 v31, $0x3  }
0x36c: {  	v38 =	vld [tilespmem:s30+$0x12060];
	v37 =	vand.u32 $0x7F, v28;
	[tilespmem:s29+$0x14030] =	vst v21;
	v20 =	vadd.s32 v5, v20;
	v26 =	vand.u32 $0xFFFFFC00, v36  }
0x36d: {  	v39 =	vand.u32 $0x7F, v31;
	v20 =	vor.u32 v37, v20;
	v40 =	vadd.s32 v7, v26;
	v19 =	vld.idx.msk [tilespmem:v19+s19+$0x0], $0xffff;
	[tilespmem:s30+$0x14030] =	vst v22  }
0x36e: {  	v20 =	vor.u32 v4, v20;
	v21 =	vor.u32 v39, v40;
	v16 =	vld.idx.msk [tilespmem:v16+s19+$0x0], $0xffff  }
0x36f: {  	v21 =	vor.u32 v6, v21  }
0x370: {  	v41 =	vshll.u32 v35, $0x3  }
0x371: {  	v42 =	vld [tilespmem:s29+$0x12070];
	v43 =	vshll.u32 v38, $0x3;
	v22 =	vand.u32 $0xFFFFFC00, v41  }
0x372: {  	v45 =	vld [tilespmem:s30+$0x12070];
	v44 =	vand.u32 $0x7F, v35;
	v26 =	vand.u32 $0xFFFFFC00, v43;
	[tilespmem:s29+$0x14040] =	vst v19;
	v22 =	vadd.s32 v5, v22  }
0x373: {  	v46 =	vand.u32 $0x7F, v38;
	v47 =	vadd.s32 v7, v26;
	v20 =	vld.idx.msk [tilespmem:v20+s19+$0x0], $0xffff;
	v19 =	vor.u32 v44, v22;
	[tilespmem:s30+$0x14040] =	vst v16  }
0x374: {  	v48 =	vor.u32 v4, v19;
	v16 =	vor.u32 v46, v47;
	v49 =	vld.idx.msk [tilespmem:v21+s19+$0x0], $0xffff  }
0x375: {  	v16 =	vor.u32 v6, v16  }
0x376: {  	v50 =	vand.u32 $0x7F, v15;
	v51 =	vshll.u32 v15, $0x3;
	v53 =	vld [tilespmem:s29+$0x12400];
	v52 =	vshll.u32 v42, $0x3  }
0x377: {  	v13 =	vshll.u32 v13, $0x3;
	[tilespmem:s28+$0x14070] =	vst v17;
	v27 =	vshll.u32 v45, $0x3;
	v22 =	vand.u32 $0xFFFFFC00, v52  }
0x378: {  	v56 =	vld [tilespmem:s30+$0x12400];
	v55 =	vand.u32 $0x7F, v42;
	v27 =	vand.u32 $0xFFFFFC00, v27;
	v22 =	vadd.s32 v5, v22;
	[tilespmem:s29+$0x14050] =	vst v20  }
0x379: {  	v57 =	vand.u32 $0x7F, v45;
	v58 =	vadd.s32 v7, v27;
	v20 =	vor.u32 v55, v22;
	v17 =	vld.idx.msk [tilespmem:v48+s19+$0x0], $0xffff;
	[tilespmem:s30+$0x14050] =	vst v49  }
0x37a: {  	v13 =	vand.u32 $0xFFFFFC00, v13;
	v19 =	vor.u32 v57, v58;
	v20 =	vor.u32 v4, v20;
	v16 =	vld.idx.msk [tilespmem:v16+s19+$0x0], $0xffff  }
0x37b: {  	v13 =	vadd.s32 v3, v13;
	v28 =	vld [tilespmem:s29+$0x12410];
	v61 =	vshll.u32 v53, $0x3;
	v19 =	vor.u32 v6, v19  }
0x37c: {  	v54 =	vand.u32 $0xFFFFFC00, v51;
	v13 =	vor.u32 v14, v13;
	v42 =	vld [tilespmem:s28+$0x12440];
	v24 =	vand.u32 $0xFFFFFC00, v61  }
0x37d: {  	v25 =	vand.u32 $0x7F, v53;
	v24 =	vadd.s32 v5, v24;
	v29 =	vshll.u32 v56, $0x3;
	v32 =	vld [tilespmem:s30+$0x12410]  }
0x37e: {  	v18 =	vld.idx.msk [tilespmem:v18+s19+$0x0], $0xffff;
	v38 =	vand.u32 $0x7F, v12;
	v24 =	vor.u32 v25, v24;
	v33 =	vand.u32 $0xFFFFFC00, v29;
	[tilespmem:s29+$0x14060] =	vst v17  }
0x37f: {  	v36 =	vand.u32 $0x7F, v56;
	v39 =	vor.u32 v4, v24;
	v37 =	vadd.s32 v7, v33;
	v35 =	vld.idx.msk [tilespmem:v20+s19+$0x0], $0xffff;
	[tilespmem:s30+$0x14060] =	vst v16  }
0x380: {  	v59 =	vadd.s32 v1, v54;
	v62 =	vshll.u32 v12, $0x3;
	v20 =	vor.u32 v36, v37;
	v19 =	vld.idx.msk [tilespmem:v19+s19+$0x0], $0xffff  }
0x381: {  	v51 =	vld [tilespmem:s29+$0x12430];
	v31 =	vand.u32 $0xFFFFFC00, v62;
	v23 =	vand.u32 $0x7F, v42;
	v40 =	vor.u32 v6, v20  }
0x382: {  	v63 =	vld [tilespmem:s29+$0x12420];
	v34 =	vadd.s32 v1, v31;
	v43 =	vshll.u32 v32, $0x3;
	v41 =	vshll.u32 v28, $0x3  }
0x383: {  	[tilespmem:s28+$0x14400] =	vst v18;
	v60 =	vld [tilespmem:s28+$0x12430];
	v24 =	vand.u32 $0xFFFFFC00, v43;
	v21 =	vor.u32 v50, v59;
	v20 =	vand.u32 $0xFFFFFC00, v41  }
0x384: {  	v44 =	vand.u32 $0x7F, v28;
	v46 =	vld [tilespmem:s30+$0x12420];
	v21 =	vor.u32 v2, v21;
	v45 =	vadd.s32 v5, v20;
	[tilespmem:s29+$0x14070] =	vst v35  }
0x385: {  	v25 =	vand.u32 $0x7F, v32;
	v47 =	vadd.s32 v7, v24;
	v17 =	vor.u32 v44, v45;
	v18 =	vld.idx.msk [tilespmem:v39+s19+$0x0], $0xffff;
	[tilespmem:s30+$0x14070] =	vst v19  }
0x386: {  	v12 =	vor.u32 v38, v34;
	v17 =	vor.u32 v4, v17;
	v19 =	vor.u32 v25, v47;
	v16 =	vld.idx.msk [tilespmem:v40+s19+$0x0], $0xffff  }
0x387: {  	v12 =	vor.u32 v2, v12;
	v53 =	vand.u32 $0x7F, v63;
	v19 =	vor.u32 v6, v19  }
0x388: {  	v54 =	vld [tilespmem:s30+$0x12430];
	v57 =	vshll.u32 v51, $0x3;
	v22 =	vand.u32 $0x7F, v60;
	v50 =	vshll.u32 v63, $0x3  }
0x389: {  	v55 =	vshll.u32 v42, $0x3;
	v24 =	vand.u32 $0xFFFFFC00, v50;
	v52 =	vshll.u32 v46, $0x3;
	v21 =	vld.idx.msk [tilespmem:v21+s19+$0x0], $0xffff  }
0x38a: {  	v61 =	vld [tilespmem:s28+$0x12450];
	v59 =	vand.u32 $0xFFFFFC00, v57;
	v24 =	vadd.s32 v5, v24;
	v25 =	vand.u32 $0xFFFFFC00, v52;
	[tilespmem:s29+$0x14400] =	vst v18  }
0x38b: {  	v24 =	vor.u32 v53, v24;
	v20 =	vand.u32 $0x7F, v46;
	v25 =	vadd.s32 v7, v25;
	v17 =	vld.idx.msk [tilespmem:v17+s19+$0x0], $0xffff;
	[tilespmem:s30+$0x14400] =	vst v16  }
0x38c: {  	v48 =	vshll.u32 v60, $0x3;
	v24 =	vor.u32 v4, v24;
	v20 =	vor.u32 v20, v25;
	v19 =	vld.idx.msk [tilespmem:v19+s19+$0x0], $0xffff  }
0x38d: {  	v56 =	vld [tilespmem:s29+$0x12440];
	v60 =	vshll.u32 v54, $0x3;
	v49 =	vand.u32 $0xFFFFFC00, v48;
	v20 =	vor.u32 v6, v20  }
0x38e: {  	v31 =	vld [tilespmem:s29+$0x12450];
	v26 =	vand.u32 $0xFFFFFC00, v60;
	v14 =	vadd.s32 v1, v49;
	[tilespmem:s28+$0x14410] =	vst v21;
	v16 =	vand.u32 $0xFFFFFC00, v55  }
0x38f: {  	v14 =	vor.u32 v22, v14;
	v22 =	vand.u32 $0x7F, v51;
	v21 =	vld.idx.msk [tilespmem:v12+s19+$0x0], $0xffff;
	v16 =	vadd.s32 v1, v16  }
0x390: {  	v58 =	vld [tilespmem:s30+$0x12440];
	v14 =	vor.u32 v2, v14;
	[tilespmem:s29+$0x14410] =	vst v17;
	v16 =	vor.u32 v23, v16;
	v23 =	vadd.s32 v5, v59  }
0x391: {  	v62 =	vadd.s32 v7, v26;
	v18 =	vand.u32 $0x7F, v54;
	v24 =	vld.idx.msk [tilespmem:v24+s19+$0x0], $0xffff;
	v22 =	vor.u32 v22, v23;
	[tilespmem:s30+$0x14410] =	vst v19  }
0x392: {  	v11 =	vand.u32 $0xFFFFFC00, v11;
	v18 =	vor.u32 v18, v62;
	v63 =	vor.u32 v4, v22;
	v20 =	vld.idx.msk [tilespmem:v20+s19+$0x0], $0xffff  }
0x393: {  	v33 =	vld [tilespmem:s30+$0x12450];
	v32 =	vshll.u32 v61, $0x3;
	v28 =	vshll.u32 v56, $0x3;
	v18 =	vor.u32 v6, v18  }
0x394: {  	v15 =	vld [tilespmem:s28+$0x12470];
	v13 =	vor.u32 v0, v13;
	v34 =	vand.u32 $0xFFFFFC00, v32;
	[tilespmem:s28+$0x14420] =	vst v21;
	v21 =	vand.u32 $0xFFFFFC00, v28  }
0x395: {  	v43 =	vand.u32 $0x7F, v31;
	v29 =	vshll.u32 v58, $0x3;
	v14 =	vld.idx.msk [tilespmem:v14+s19+$0x0], $0xffff;
	v21 =	vadd.s32 v5, v21  }
0x396: {  	v30 =	vld [tilespmem:s28+$0x12460];
	v25 =	vand.u32 $0x7F, v56;
	v16 =	vor.u32 v2, v16;
	v22 =	vand.u32 $0xFFFFFC00, v29;
	[tilespmem:s29+$0x14420] =	vst v24  }
0x397: {  	v27 =	vand.u32 $0x7F, v58;
	v21 =	vor.u32 v25, v21;
	v22 =	vadd.s32 v7, v22;
	v19 =	vld.idx.msk [tilespmem:v63+s19+$0x0], $0xffff;
	[tilespmem:s30+$0x14420] =	vst v20  }
0x398: {  	v42 =	vshll.u32 v33, $0x3;
	v21 =	vor.u32 v4, v21;
	v22 =	vor.u32 v27, v22;
	v18 =	vld.idx.msk [tilespmem:v18+s19+$0x0], $0xffff  }
0x399: {  	v48 =	vshll.u32 v15, $0x3;
	v41 =	vld [tilespmem:s29+$0x12460];
	v35 =	vadd.s32 v3, v11;
	v37 =	vor.u32 v6, v22  }
0x39a: {  	v44 =	vld [tilespmem:s30+$0x12460];
	v3 =	vor.u32 v8, v35;
	v39 =	vshll.u32 v31, $0x3;
	[tilespmem:s28+$0x14430] =	vst v14;
	v17 =	vand.u32 $0x7F, v61  }
0x39b: {  	v22 =	vand.u32 $0xFFFFFC00, v42;
	v38 =	vld.idx.msk [tilespmem:v16+s19+$0x0], $0xffff;
	v16 =	vand.u32 $0xFFFFFC00, v39;
	v20 =	vadd.s32 v1, v34  }
0x39c: {  	v46 =	vadd.s32 v7, v22;
	v16 =	vadd.s32 v5, v16;
	v36 =	vor.u32 v17, v20;
	[tilespmem:s29+$0x14430] =	vst v19  }
0x39d: {  	v45 =	vand.u32 $0x7F, v33;
	v16 =	vor.u32 v43, v16;
	v11 =	vor.u32 v2, v36;
	v21 =	vld.idx.msk [tilespmem:v21+s19+$0x0], $0xffff;
	[tilespmem:s30+$0x14430] =	vst v18  }
0x39e: {  	[tilespmem:s26+$0x14440] =	vst v9;
	v50 =	vshll.u32 v41, $0x3;
	v16 =	vor.u32 v4, v16;
	v18 =	vor.u32 v45, v46;
	v14 =	vld.idx.msk [tilespmem:v37+s19+$0x0], $0xffff  }
0x39f: {  	v10 =	vld.idx.msk [tilespmem:v10+s19+$0x0], $0xffff;
	v9 =	vand.u32 $0xFFFFFC00, v50;
	v40 =	vshll.u32 v30, $0x3;
	v18 =	vor.u32 v6, v18  }
0x3a0: {  	v12 =	vld [tilespmem:s29+$0x12470];
	v51 =	vshll.u32 v44, $0x3;
	v9 =	vadd.s32 v5, v9;
	v17 =	vand.u32 $0xFFFFFC00, v40  }
0x3a1: {  	v47 =	vand.u32 $0x7F, v30;
	v52 =	vld [tilespmem:s30+$0x12470];
	[tilespmem:s28+$0x14440] =	vst v38;
	v20 =	vand.u32 $0x7F, v41;
	v17 =	vadd.s32 v1, v17  }
0x3a2: {  	v9 =	vor.u32 v20, v9;
	v49 =	vor.u32 v47, v17;
	v17 =	vand.u32 $0xFFFFFC00, v51;
	v11 =	vld.idx.msk [tilespmem:v11+s19+$0x0], $0xffff;
	[tilespmem:s29+$0x14440] =	vst v21  }
0x3a3: {  	v19 =	vand.u32 $0x7F, v44;
	v8 =	vor.u32 v2, v49;
	v53 =	vadd.s32 v7, v17;
	v16 =	vld.idx.msk [tilespmem:v16+s19+$0x0], $0xffff;
	[tilespmem:s30+$0x14440] =	vst v14  }
0x3a4: {  	v15 =	vand.u32 $0x7F, v15;
	v9 =	vor.u32 v4, v9;
	v14 =	vor.u32 v19, v53;
	v18 =	vld.idx.msk [tilespmem:v18+s19+$0x0], $0xffff  }
0x3a5: {  	v57 =	vshll.u32 v12, $0x3;
	v54 =	vand.u32 $0xFFFFFC00, v48;
	v14 =	vor.u32 v6, v14  }
0x3a6: {  	[tilespmem:s26+$0x14450] =	vst v10;
	v60 =	vand.u32 $0x7F, v12;
	v58 =	vand.u32 $0xFFFFFC00, v57;
	v55 =	vadd.s32 v1, v54  }
0x3a7: {  	v10 =	vld.idx.msk [tilespmem:v13+s19+$0x0], $0xffff;
	v56 =	vor.u32 v0, v3;
	v59 =	vshll.u32 v52, $0x3;
	v1 =	vor.u32 v15, v55;
	[tilespmem:s28+$0x14450] =	vst v11  }
0x3a8: {  	v3 =	vand.u32 $0xFFFFFC00, v59;
	v1 =	vor.u32 v2, v1;
	v2 =	vadd.s32 v5, v58;
	v8 =	vld.idx.msk [tilespmem:v8+s19+$0x0], $0xffff;
	[tilespmem:s29+$0x14450] =	vst v16  }
0x3a9: {  	v62 =	vand.u32 $0x7F, v52;
	v3 =	vadd.s32 v7, v3;
	v2 =	vor.u32 v60, v2;
	v61 =	vld.idx.msk [tilespmem:v9+s19+$0x0], $0xffff;
	[tilespmem:s30+$0x14450] =	vst v18  }
0x3aa: {  	v3 =	vor.u32 v62, v3;
	v2 =	vor.u32 v4, v2;
	v63 =	vld.idx.msk [tilespmem:v14+s19+$0x0], $0xffff  }
0x3ab: {  	v3 =	vor.u32 v6, v3  }
0x3ac: {  	[tilespmem:s26+$0x14460] =	vst v10  }
0x3ad: {  	v0 =	vld.idx.msk [tilespmem:v56+s19+$0x0], $0xffff;
	[tilespmem:s28+$0x14460] =	vst v8  }
0x3ae: {  	v1 =	vld.idx.msk [tilespmem:v1+s19+$0x0], $0xffff;
	[tilespmem:s29+$0x14460] =	vst v61  }
0x3af: {  	v2 =	vld.idx.msk [tilespmem:v2+s19+$0x0], $0xffff;
	[tilespmem:s30+$0x14460] =	vst v63  }
0x3b0: {  	v3 =	vld.idx.msk [tilespmem:v3+s19+$0x0], $0xffff;
	_ =	sdelay $0x1  }
0x3b1: {  	[tilespmem:s26+$0x14470] =	vst v0  }
0x3b2: {  	s25 =	sadd.s32 $0x1, s25;
	[tilespmem:s28+$0x14470] =	vst v1  }
0x3b3: {  	p0 =	sne.s32 s25, s15;
	[tilespmem:s29+$0x14470] =	vst v2  }
.Ltmp4:
0x3b4: {  	[tilespmem:s30+$0x14470] =	vst v3;
	(pc) =	sbr.rel @p0 .LBB2_1-.Ltmp4, $4  }
0x3b5: {  	[hbm4b:s14+s1] =	stream.linear.scatter [tilespmem:s21], [sflag:$0x5], $0x2000, $0x38;
	[tilespmem:$0x16000] =	vst v63  }
0x3b6: {  	_ =	swait.ge [sflag:s22], $0x2000  }
0x3b7: {  	[sflag:s22] =	ssyncset.done $0x0  }
0x3b8: {  	[sflag:s22] =	ssyncadd.s32 $0xFFFFE000  }
0x3b9: {  	_ =	sfence.sel $0x180000  }
0x3ba: {  	[bflag:$0x0] =	sbarrier.arrive $0xFFFF  }
0x3bb: {  	_ =	strace $0x90000047  }
0x3bc: {  	s0 =	stileid.u32;
	[bflag:$0x2] =	sbarrier.arrive $0xFFFF  }
0x3bd: {  	p0 =	sne.s32 s0, $0x0;
	s0 =	rddreg [dreg:$0x2]  }
0x3be: {  	s0 =	sadd.s32 @!p0 $0x100000, s0  }
0x3bf: {  	[sflag:s0] =	ssyncadd.tile.s32 @!p0 $0x1;
	_ =	shalt  }
.Lfunc_end2:
_tile_overlayer_lowered:
.L_overlay_start_2:
0x3c0: {  	(tag) =	ssettag $0x2  }
0x3c1: {  	s0 =	rddreg [dreg:$0x0];
	s2 =	stileid.u32  }
0x3c2: {  	s1 =	rddreg [dreg:$0x1];
	p0 =	sne.s32 s2, $0x0  }
0x3c3: {  	s3 =	rddreg [dreg:$0x2];
	[bflag:$0x3] =	sbarrier.arrive $0xFFFF;
	s2 =	simm.s32 @!p0 $0x1C05  }
0x3c4: {  	[timem:s3], [sflag:s2] =	dma.local @!p0 [hbm:s0], s1  }
0x3c5: {  	s0 =	simm.s32 @!p0 $0x5  }
0x3c6: {  	_ =	swait.ge @!p0 [sflag:s0], s1  }
0x3c7: {  	s1 =	ssub.s32 @!p0 $0x0, s1;
	[sflag:s0] =	ssyncset.done @!p0 $0x0  }
0x3c8: {  	[sflag:s0] =	ssyncadd.s32 @!p0 s1  }
0x3c9: {  	[bflag:$0x3] =	sbarrier.arrive $0xFFFF  }
0x3ca: {  	_ =	shalt  }

</sc_bundles>
